<compile_context>
chip_gen: v7x
topology: tpu7x:2x2x1
jax: 0.10.2.dev20260603
libtpu: 0.0.44.dev20260713+nightly
codegen_flags: <defaults>
</compile_context>

<pallas_src>
import functools

import jax
import jax.numpy as jnp
from jax import lax
from jax.experimental import pallas as pl
from jax.experimental.pallas import tpu as pltpu
from jax.experimental.pallas import tpu_sc as plsc

_NC = 2
_NS = 16
_NW = _NC * _NS
_LANES = 16


def _mesh():
    return plsc.VectorSubcoreMesh(core_axis_name="c", subcore_axis_name="s")


def _wid():
    return lax.axis_index("s") * _NC + lax.axis_index("c")


_RNB = 4


@functools.lru_cache(maxsize=None)
def _make_table_transpose(v, d):
    assert d == 32
    n_full = v // 128
    tail = v - n_full * 128
    assert (tail * d) % 128 == 0
    per_w = n_full // _NW
    extra = n_full - per_w * _NW

    @functools.partial(
        pl.kernel,
        mesh=_mesh(),
        out_type=jax.ShapeDtypeStruct((v * d // 128, 128), jnp.float32),
        scratch_types=[
            pltpu.VMEM((_RNB * d, 128), jnp.float32),
            pltpu.VMEM((2 * d, 130), jnp.float32),
            pltpu.SemaphoreType.DMA((_RNB,)),
            pltpu.SemaphoreType.DMA,
            pltpu.SemaphoreType.DMA,
        ],
        compiler_params=pltpu.CompilerParams(use_tc_tiling_on_sc=True,
                                             needs_layout_passes=False),
    )
    def tr_kernel(tabt_hbm, *rest):
        if tail:
            tail_hbm, rt_hbm, vin, vout, rsem, ws0, ws1 = rest
        else:
            rt_hbm, vin, vout, rsem, ws0, ws1 = rest
            tail_hbm = None
        wid = _wid()
        nblk = per_w + jnp.where(wid < extra, 1, 0)
        start = wid * per_w + jnp.minimum(wid, extra)
        wsems = (ws0, ws1)
        iota = lax.iota(jnp.int32, _LANES)
        colq = [16 * q + iota for q in range(8)]
        base4q = [4 * q + iota // 4 for q in range(8)]
        mbase = 32 * jnp.bitwise_and(iota, 3)

        def read(bi):
            s = lax.rem(bi, _RNB)
            pltpu.async_copy(
                tabt_hbm.at[:, pl.ds((start + bi) * 128, 128)],
                vin.at[pl.ds(s * d, d)], rsem.at[s])

        for i in range(_RNB - 1):
            @pl.when(i < nblk)
            def _():
                read(i)

        def wait_write(sem):
            pltpu.make_async_copy(
                vout.at[pl.ds(0, d), pl.ds(0, 128)],
                rt_hbm.at[pl.ds(0, d)], sem).wait()

        def body(bi, carry):
            @pl.when(bi < nblk)
            def _():
                s4 = lax.rem(bi, _RNB)
                s2 = lax.rem(bi, 2)
                pltpu.make_async_copy(
                    tabt_hbm.at[:, pl.ds(0, 128)],
                    vin.at[pl.ds(0, d)], rsem.at[s4]).wait()

                @pl.when(bi + _RNB - 1 < nblk)
                def _():
                    read(bi + _RNB - 1)

                @pl.when((bi >= 2) & (s2 == 0))
                def _():
                    wait_write(ws0)

                @pl.when((bi >= 2) & (s2 == 1))
                def _():
                    wait_write(ws1)

                srowq = [s2 * d + bq for bq in base4q]

                def frow(f, c2):
                    rot = jnp.bitwise_and(f + iota, d - 1)
                    grow = s4 * d + rot
                    scol = mbase + rot
                    for q in range(8):
                        vals = plsc.load_gather(vin, [grow, colq[q]])
                        plsc.store_scatter(vout, [srowq[q], scol], vals)
                    return c2
                lax.fori_loop(0, d, frow, 0, unroll=4)

                @pl.when(s2 == 0)
                def _():
                    pltpu.async_copy(
                        vout.at[pl.ds(0, d), pl.ds(0, 128)],
                        rt_hbm.at[pl.ds((start + bi) * d, d)], ws0)

                @pl.when(s2 == 1)
                def _():
                    pltpu.async_copy(
                        vout.at[pl.ds(d, d), pl.ds(0, 128)],
                        rt_hbm.at[pl.ds((start + bi) * d, d)], ws1)
            return carry

        lax.fori_loop(0, per_w + 1, body, 0)

        wait_write(ws0)
        wait_write(ws1)

        if tail:
            nk = tail * d // 128

            @pl.when(wid == _NW - 1)
            def _():
                pltpu.sync_copy(tail_hbm, vin.at[pl.ds(0, nk)])
                pltpu.sync_copy(vin.at[pl.ds(0, nk)],
                                rt_hbm.at[pl.ds(n_full * d, nk)])

    return tr_kernel


_NBUF = 6


@functools.lru_cache(maxsize=None)
def _make_gather(b, l, v, d):
    assert d == 32 and b % 128 == 0
    nbblk = b // 128
    units = l * nbblk
    assert units % _NW == 0
    per_w = units // _NW
    assert per_w > _NBUF

    @functools.partial(
        pl.kernel,
        mesh=_mesh(),
        out_type=jax.ShapeDtypeStruct((l, d // 8, nbblk, 8, 128),
                                      jnp.float32),
        scratch_types=[
            pltpu.VMEM((per_w * 128,), jnp.int32),
            pltpu.VMEM((_NBUF * 128, d), jnp.float32),
            pltpu.VMEM((2 * d, 130), jnp.float32),
            pltpu.SemaphoreType.DMA((_NBUF,)),
            pltpu.SemaphoreType.DMA,
            pltpu.SemaphoreType.DMA,
        ],
        compiler_params=pltpu.CompilerParams(use_tc_tiling_on_sc=False,
                                             needs_layout_passes=False),
    )
    def g_kernel(tokf_hbm, rt_hbm, out_hbm, ids_v, rows_v, vout,
                 gsem, ws0, ws1):
        wid = _wid()
        u0 = wid * per_w
        wsems = (ws0, ws1)
        iota = lax.iota(jnp.int32, _LANES)
        colq = [16 * q + iota for q in range(8)]

        pltpu.sync_copy(tokf_hbm.at[pl.ds(u0 * 128, per_w * 128)], ids_v)

        def issue(ui):
            s = lax.rem(ui, _NBUF)
            pltpu.async_copy(rt_hbm.at[ids_v.at[pl.ds(ui * 128, 128)]],
                             rows_v.at[pl.ds(s * 128, 128)], gsem.at[s])

        for i in range(_NBUF - 1):
            issue(i)

        def body(ui, carry):
            s6 = lax.rem(ui, _NBUF)
            s2 = lax.rem(ui, 2)
            uu = u0 + ui
            li = uu // nbblk
            tc = lax.rem(uu, nbblk)

            pltpu.make_async_copy(
                rt_hbm.at[ids_v.at[pl.ds(0, 128)]],
                rows_v.at[pl.ds(0, 128)], gsem.at[s6]).wait()

            @pl.when(ui + _NBUF - 1 < per_w)
            def _():
                issue(ui + _NBUF - 1)

            def wait_writes(sem):
                for t in range(d // 8):
                    pltpu.make_async_copy(
                        vout.at[pl.ds(0, 8), pl.ds(0, 128)],
                        out_hbm.at[0, t, 0], sem).wait()

            @pl.when((ui >= 2) & (s2 == 0))
            def _():
                wait_writes(ws0)

            @pl.when((ui >= 2) & (s2 == 1))
            def _():
                wait_writes(ws1)

            rowsq = [s6 * 128 + cq for cq in colq]

            def crow(c, carry2):
                colrot = jnp.bitwise_and(c + iota, d - 1)
                srow = colrot + s2 * d
                for q in range(8):
                    vals = plsc.load_gather(rows_v, [rowsq[q], colrot])
                    plsc.store_scatter(vout, [srow, colq[q]], vals)
                return carry2
            lax.fori_loop(0, d, crow, 0, unroll=4)

            def write(sem):
                for t in range(d // 8):
                    pltpu.async_copy(
                        vout.at[pl.ds(s2 * d + 8 * t, 8), pl.ds(0, 128)],
                        out_hbm.at[li, t, tc], sem)

            @pl.when(s2 == 0)
            def _():
                write(ws0)

            @pl.when(s2 == 1)
            def _():
                write(ws1)
            return carry

        lax.fori_loop(0, per_w, body, 0)

        for s in range(2):
            for t in range(d // 8):
                pltpu.make_async_copy(
                    vout.at[pl.ds(0, 8), pl.ds(0, 128)],
                    out_hbm.at[0, t, 0], wsems[s]).wait()

    return g_kernel


def kernel(token_id, table):
    b, l = token_id.shape
    v, d = table.shape
    if token_id.dtype != jnp.int32:
        token_id = token_id.astype(jnp.int32)
    n_full = v // 128
    tail = v - n_full * 128
    args = [table.T]
    if tail:
        args.append(table[n_full * 128:].reshape(tail * d // 128, 128))
    rt = _make_table_transpose(v, d)(*args)
    rt_lin = rt.reshape(v, d)
    out5 = _make_gather(b, l, v, d)(token_id.T.reshape(b * l), rt_lin)
    return jnp.transpose(out5, (2, 4, 0, 1, 3)).reshape(b, l, d)

# --- scband reference (transcript-rebuilt; emitter-appended) ---
"""Pipeline reference for scband-embedding-47949014892815 (READ-ONLY COPY).

The authoritative reference and input builder live on the scoring server;
editing this copy changes nothing except your own understanding.
"""

import jax, jax.numpy as jnp
import numpy as np

VOCAB_SIZE = 1000000
EMBED_DIM = 32
BATCH = 4096
SEQ = 200

def setup_inputs(seed: int = 0) -> dict:
    key = jax.random.key(seed)
    k_idx, k_tab = jax.random.split(key)
    token_id = jax.random.randint(k_idx, (BATCH, SEQ), 0, VOCAB_SIZE, dtype=jnp.int64 if jax.config.jax_enable_x64 else jnp.int32)
    table = jax.random.normal(k_tab, (VOCAB_SIZE, EMBED_DIM), dtype=jnp.float32)
    return {"token_id": token_id, "table": table}

def reference(token_id, table):
    # nn.Embedding forward: gather rows of the embedding table by token id
    out = jnp.take(table, token_id, axis=0)  # [B, L, D]
    return out

if __name__ == "__main__":
    import jax
    _d = setup_inputs()
    print(jax.jit(kernel)(*tuple(_d.values())))

</pallas_src>

<mosaic_0001>
#map = affine_map<(d0, d1) -> (0, 0)>
module attributes {stable_mosaic.version = 14 : i64} {
  func.func @tr_kernel(%arg0: i32, %arg1: i32, %arg2: memref<32x1000000xf32, #tpu.memory_space<hbm>>, %arg3: memref<16x128xf32, #tpu.memory_space<hbm>>, %arg4: memref<250000x128xf32, #tpu.memory_space<hbm>>, %arg5: memref<128x128xf32, #tpu.memory_space<vmem>>, %arg6: memref<64x130xf32, #tpu.memory_space<vmem>>, %arg7: memref<4x!tpu.dma_semaphore, #tpu.memory_space<semaphore_mem>>, %arg8: memref<!tpu.dma_semaphore, #tpu.memory_space<semaphore_mem>>, %arg9: memref<!tpu.dma_semaphore, #tpu.memory_space<semaphore_mem>>) attributes {dimension_semantics = [#tpu.dimension_semantics<core_parallel>, #tpu.dimension_semantics<subcore_parallel>], iteration_bounds = array<i64: 2, 16>, scalar_prefetch = 0 : i64, scratch_operands = 5 : i64, tpu.core_type = #tpu.core_type<sc_vector_subcore>, window_params = [{transform_indices = #map}, {transform_indices = #map}, {transform_indices = #map}]} {
    %mul3A = arith.constant 2 : i32
    %mul3A_0 = arith.muli %arg1, %mul3A : i32
    %add3A = arith.addi %mul3A_0, %arg0 : i32
    %lt3A = arith.constant 4 : i32
    %lt3A_1 = arith.cmpi slt, %add3A, %lt3A : i32
    %jit3A = arith.constant 1 : i32
    %jit3A_2 = arith.constant 0 : i32
    %select_n3A = arith.select %lt3A_1, %jit3A, %jit3A_2 : i32
    %add3A_3 = arith.constant 244 : i32
    %add3A_4 = arith.addi %add3A_3, %select_n3A : i32
    %mul3A_5 = arith.constant 244 : i32
    %mul3A_6 = arith.muli %add3A, %mul3A_5 : i32
    %min3A = arith.constant 4 : i32
    %min3A_7 = arith.minsi %add3A, %min3A : i32
    %add3A_8 = arith.addi %mul3A_6, %min3A_7 : i32
    %iota3A = tpu.iota {dimensions = array<i32: 0>} : vector<16xi32>
    %add3A_9 = arith.constant 0 : i32
    %add3A_10 = vector.broadcast %add3A_9 : i32 to vector<16xi32>
    %add3A_11 = arith.addi %add3A_10, %iota3A : vector<16xi32>
    %add3A_12 = arith.constant 16 : i32
    %add3A_13 = vector.broadcast %add3A_12 : i32 to vector<16xi32>
    %add3A_14 = arith.addi %add3A_13, %iota3A : vector<16xi32>
    %add3A_15 = arith.constant 32 : i32
    %add3A_16 = vector.broadcast %add3A_15 : i32 to vector<16xi32>
    %add3A_17 = arith.addi %add3A_16, %iota3A : vector<16xi32>
    %add3A_18 = arith.constant 48 : i32
    %add3A_19 = vector.broadcast %add3A_18 : i32 to vector<16xi32>
    %add3A_20 = arith.addi %add3A_19, %iota3A : vector<16xi32>
    %add3A_21 = arith.constant 64 : i32
    %add3A_22 = vector.broadcast %add3A_21 : i32 to vector<16xi32>
    %add3A_23 = arith.addi %add3A_22, %iota3A : vector<16xi32>
    %add3A_24 = arith.constant 80 : i32
    %add3A_25 = vector.broadcast %add3A_24 : i32 to vector<16xi32>
    %add3A_26 = arith.addi %add3A_25, %iota3A : vector<16xi32>
    %add3A_27 = arith.constant 96 : i32
    %add3A_28 = vector.broadcast %add3A_27 : i32 to vector<16xi32>
    %add3A_29 = arith.addi %add3A_28, %iota3A : vector<16xi32>
    %add3A_30 = arith.constant 112 : i32
    %add3A_31 = vector.broadcast %add3A_30 : i32 to vector<16xi32>
    %add3A_32 = arith.addi %add3A_31, %iota3A : vector<16xi32>
    %jit3A_33 = arith.constant 4 : i32
    %div3A = vector.broadcast %jit3A_33 : i32 to vector<16xi32>
    %div3A_34 = arith.divsi %iota3A, %div3A : vector<16xi32>
    %sign3A = arith.constant 0 : i32
    %sign3A_35 = vector.broadcast %sign3A : i32 to vector<16xi32>
    %sign3A_36 = arith.cmpi sgt, %iota3A, %sign3A_35 : vector<16xi32>
    %sign3A_37 = arith.extui %sign3A_36 : vector<16xi1> to vector<16xi32>
    %sign3A_38 = arith.constant 0 : i32
    %sign3A_39 = vector.broadcast %sign3A_38 : i32 to vector<16xi32>
    %sign3A_40 = arith.cmpi slt, %iota3A, %sign3A_39 : vector<16xi32>
    %sign3A_41 = arith.extui %sign3A_40 : vector<16xi1> to vector<16xi32>
    %sign3A_42 = arith.subi %sign3A_37, %sign3A_41 : vector<16xi32>
    %sign3A_43 = arith.constant 0 : i32
    %sign3A_44 = arith.cmpi sgt, %jit3A_33, %sign3A_43 : i32
    %sign3A_45 = arith.extui %sign3A_44 : i1 to i32
    %sign3A_46 = arith.constant 0 : i32
    %sign3A_47 = arith.cmpi slt, %jit3A_33, %sign3A_46 : i32
    %sign3A_48 = arith.extui %sign3A_47 : i1 to i32
    %sign3A_49 = arith.subi %sign3A_45, %sign3A_48 : i32
    %ne3A = vector.broadcast %sign3A_49 : i32 to vector<16xi32>
    %ne3A_50 = arith.cmpi ne, %sign3A_42, %ne3A : vector<16xi32>
    %rem3A = vector.broadcast %jit3A_33 : i32 to vector<16xi32>
    %rem3A_51 = arith.remsi %iota3A, %rem3A : vector<16xi32>
    %ne3A_52 = arith.constant 0 : i32
    %ne3A_53 = vector.broadcast %ne3A_52 : i32 to vector<16xi32>
    %ne3A_54 = arith.cmpi ne, %rem3A_51, %ne3A_53 : vector<16xi32>
    %and3A = arith.andi %ne3A_50, %ne3A_54 : vector<16xi1>
    %sub3A = arith.constant 1 : i32
    %sub3A_55 = vector.broadcast %sub3A : i32 to vector<16xi32>
    %sub3A_56 = arith.subi %div3A_34, %sub3A_55 : vector<16xi32>
    %select_n3A_57 = arith.select %and3A, %sub3A_56, %div3A_34 : vector<16xi1>, vector<16xi32>
    %add3A_58 = arith.constant 0 : i32
    %add3A_59 = vector.broadcast %add3A_58 : i32 to vector<16xi32>
    %add3A_60 = arith.addi %add3A_59, %select_n3A_57 : vector<16xi32>
    %jit3A_61 = arith.constant 4 : i32
    %div3A_62 = vector.broadcast %jit3A_61 : i32 to vector<16xi32>
    %div3A_63 = arith.divsi %iota3A, %div3A_62 : vector<16xi32>
    %sign3A_64 = arith.constant 0 : i32
    %sign3A_65 = vector.broadcast %sign3A_64 : i32 to vector<16xi32>
    %sign3A_66 = arith.cmpi sgt, %iota3A, %sign3A_65 : vector<16xi32>
    %sign3A_67 = arith.extui %sign3A_66 : vector<16xi1> to vector<16xi32>
    %sign3A_68 = arith.constant 0 : i32
    %sign3A_69 = vector.broadcast %sign3A_68 : i32 to vector<16xi32>
    %sign3A_70 = arith.cmpi slt, %iota3A, %sign3A_69 : vector<16xi32>
    %sign3A_71 = arith.extui %sign3A_70 : vector<16xi1> to vector<16xi32>
    %sign3A_72 = arith.subi %sign3A_67, %sign3A_71 : vector<16xi32>
    %sign3A_73 = arith.constant 0 : i32
    %sign3A_74 = arith.cmpi sgt, %jit3A_61, %sign3A_73 : i32
    %sign3A_75 = arith.extui %sign3A_74 : i1 to i32
    %sign3A_76 = arith.constant 0 : i32
    %sign3A_77 = arith.cmpi slt, %jit3A_61, %sign3A_76 : i32
    %sign3A_78 = arith.extui %sign3A_77 : i1 to i32
    %sign3A_79 = arith.subi %sign3A_75, %sign3A_78 : i32
    %ne3A_80 = vector.broadcast %sign3A_79 : i32 to vector<16xi32>
    %ne3A_81 = arith.cmpi ne, %sign3A_72, %ne3A_80 : vector<16xi32>
    %rem3A_82 = vector.broadcast %jit3A_61 : i32 to vector<16xi32>
    %rem3A_83 = arith.remsi %iota3A, %rem3A_82 : vector<16xi32>
    %ne3A_84 = arith.constant 0 : i32
    %ne3A_85 = vector.broadcast %ne3A_84 : i32 to vector<16xi32>
    %ne3A_86 = arith.cmpi ne, %rem3A_83, %ne3A_85 : vector<16xi32>
    %and3A_87 = arith.andi %ne3A_81, %ne3A_86 : vector<16xi1>
    %sub3A_88 = arith.constant 1 : i32
    %sub3A_89 = vector.broadcast %sub3A_88 : i32 to vector<16xi32>
    %sub3A_90 = arith.subi %div3A_63, %sub3A_89 : vector<16xi32>
    %select_n3A_91 = arith.select %and3A_87, %sub3A_90, %div3A_63 : vector<16xi1>, vector<16xi32>
    %add3A_92 = arith.constant 4 : i32
    %add3A_93 = vector.broadcast %add3A_92 : i32 to vector<16xi32>
    %add3A_94 = arith.addi %add3A_93, %select_n3A_91 : vector<16xi32>
    %jit3A_95 = arith.constant 4 : i32
    %div3A_96 = vector.broadcast %jit3A_95 : i32 to vector<16xi32>
    %div3A_97 = arith.divsi %iota3A, %div3A_96 : vector<16xi32>
    %sign3A_98 = arith.constant 0 : i32
    %sign3A_99 = vector.broadcast %sign3A_98 : i32 to vector<16xi32>
    %sign3A_100 = arith.cmpi sgt, %iota3A, %sign3A_99 : vector<16xi32>
    %sign3A_101 = arith.extui %sign3A_100 : vector<16xi1> to vector<16xi32>
    %sign3A_102 = arith.constant 0 : i32
    %sign3A_103 = vector.broadcast %sign3A_102 : i32 to vector<16xi32>
    %sign3A_104 = arith.cmpi slt, %iota3A, %sign3A_103 : vector<16xi32>
    %sign3A_105 = arith.extui %sign3A_104 : vector<16xi1> to vector<16xi32>
    %sign3A_106 = arith.subi %sign3A_101, %sign3A_105 : vector<16xi32>
    %sign3A_107 = arith.constant 0 : i32
    %sign3A_108 = arith.cmpi sgt, %jit3A_95, %sign3A_107 : i32
    %sign3A_109 = arith.extui %sign3A_108 : i1 to i32
    %sign3A_110 = arith.constant 0 : i32
    %sign3A_111 = arith.cmpi slt, %jit3A_95, %sign3A_110 : i32
    %sign3A_112 = arith.extui %sign3A_111 : i1 to i32
    %sign3A_113 = arith.subi %sign3A_109, %sign3A_112 : i32
    %ne3A_114 = vector.broadcast %sign3A_113 : i32 to vector<16xi32>
    %ne3A_115 = arith.cmpi ne, %sign3A_106, %ne3A_114 : vector<16xi32>
    %rem3A_116 = vector.broadcast %jit3A_95 : i32 to vector<16xi32>
    %rem3A_117 = arith.remsi %iota3A, %rem3A_116 : vector<16xi32>
    %ne3A_118 = arith.constant 0 : i32
    %ne3A_119 = vector.broadcast %ne3A_118 : i32 to vector<16xi32>
    %ne3A_120 = arith.cmpi ne, %rem3A_117, %ne3A_119 : vector<16xi32>
    %and3A_121 = arith.andi %ne3A_115, %ne3A_120 : vector<16xi1>
    %sub3A_122 = arith.constant 1 : i32
    %sub3A_123 = vector.broadcast %sub3A_122 : i32 to vector<16xi32>
    %sub3A_124 = arith.subi %div3A_97, %sub3A_123 : vector<16xi32>
    %select_n3A_125 = arith.select %and3A_121, %sub3A_124, %div3A_97 : vector<16xi1>, vector<16xi32>
    %add3A_126 = arith.constant 8 : i32
    %add3A_127 = vector.broadcast %add3A_126 : i32 to vector<16xi32>
    %add3A_128 = arith.addi %add3A_127, %select_n3A_125 : vector<16xi32>
    %jit3A_129 = arith.constant 4 : i32
    %div3A_130 = vector.broadcast %jit3A_129 : i32 to vector<16xi32>
    %div3A_131 = arith.divsi %iota3A, %div3A_130 : vector<16xi32>
    %sign3A_132 = arith.constant 0 : i32
    %sign3A_133 = vector.broadcast %sign3A_132 : i32 to vector<16xi32>
    %sign3A_134 = arith.cmpi sgt, %iota3A, %sign3A_133 : vector<16xi32>
    %sign3A_135 = arith.extui %sign3A_134 : vector<16xi1> to vector<16xi32>
    %sign3A_136 = arith.constant 0 : i32
    %sign3A_137 = vector.broadcast %sign3A_136 : i32 to vector<16xi32>
    %sign3A_138 = arith.cmpi slt, %iota3A, %sign3A_137 : vector<16xi32>
    %sign3A_139 = arith.extui %sign3A_138 : vector<16xi1> to vector<16xi32>
    %sign3A_140 = arith.subi %sign3A_135, %sign3A_139 : vector<16xi32>
    %sign3A_141 = arith.constant 0 : i32
    %sign3A_142 = arith.cmpi sgt, %jit3A_129, %sign3A_141 : i32
    %sign3A_143 = arith.extui %sign3A_142 : i1 to i32
    %sign3A_144 = arith.constant 0 : i32
    %sign3A_145 = arith.cmpi slt, %jit3A_129, %sign3A_144 : i32
    %sign3A_146 = arith.extui %sign3A_145 : i1 to i32
    %sign3A_147 = arith.subi %sign3A_143, %sign3A_146 : i32
    %ne3A_148 = vector.broadcast %sign3A_147 : i32 to vector<16xi32>
    %ne3A_149 = arith.cmpi ne, %sign3A_140, %ne3A_148 : vector<16xi32>
    %rem3A_150 = vector.broadcast %jit3A_129 : i32 to vector<16xi32>
    %rem3A_151 = arith.remsi %iota3A, %rem3A_150 : vector<16xi32>
    %ne3A_152 = arith.constant 0 : i32
    %ne3A_153 = vector.broadcast %ne3A_152 : i32 to vector<16xi32>
    %ne3A_154 = arith.cmpi ne, %rem3A_151, %ne3A_153 : vector<16xi32>
    %and3A_155 = arith.andi %ne3A_149, %ne3A_154 : vector<16xi1>
    %sub3A_156 = arith.constant 1 : i32
    %sub3A_157 = vector.broadcast %sub3A_156 : i32 to vector<16xi32>
    %sub3A_158 = arith.subi %div3A_131, %sub3A_157 : vector<16xi32>
    %select_n3A_159 = arith.select %and3A_155, %sub3A_158, %div3A_131 : vector<16xi1>, vector<16xi32>
    %add3A_160 = arith.constant 12 : i32
    %add3A_161 = vector.broadcast %add3A_160 : i32 to vector<16xi32>
    %add3A_162 = arith.addi %add3A_161, %select_n3A_159 : vector<16xi32>
    %jit3A_163 = arith.constant 4 : i32
    %div3A_164 = vector.broadcast %jit3A_163 : i32 to vector<16xi32>
    %div3A_165 = arith.divsi %iota3A, %div3A_164 : vector<16xi32>
    %sign3A_166 = arith.constant 0 : i32
    %sign3A_167 = vector.broadcast %sign3A_166 : i32 to vector<16xi32>
    %sign3A_168 = arith.cmpi sgt, %iota3A, %sign3A_167 : vector<16xi32>
    %sign3A_169 = arith.extui %sign3A_168 : vector<16xi1> to vector<16xi32>
    %sign3A_170 = arith.constant 0 : i32
    %sign3A_171 = vector.broadcast %sign3A_170 : i32 to vector<16xi32>
    %sign3A_172 = arith.cmpi slt, %iota3A, %sign3A_171 : vector<16xi32>
    %sign3A_173 = arith.extui %sign3A_172 : vector<16xi1> to vector<16xi32>
    %sign3A_174 = arith.subi %sign3A_169, %sign3A_173 : vector<16xi32>
    %sign3A_175 = arith.constant 0 : i32
    %sign3A_176 = arith.cmpi sgt, %jit3A_163, %sign3A_175 : i32
    %sign3A_177 = arith.extui %sign3A_176 : i1 to i32
    %sign3A_178 = arith.constant 0 : i32
    %sign3A_179 = arith.cmpi slt, %jit3A_163, %sign3A_178 : i32
    %sign3A_180 = arith.extui %sign3A_179 : i1 to i32
    %sign3A_181 = arith.subi %sign3A_177, %sign3A_180 : i32
    %ne3A_182 = vector.broadcast %sign3A_181 : i32 to vector<16xi32>
    %ne3A_183 = arith.cmpi ne, %sign3A_174, %ne3A_182 : vector<16xi32>
    %rem3A_184 = vector.broadcast %jit3A_163 : i32 to vector<16xi32>
    %rem3A_185 = arith.remsi %iota3A, %rem3A_184 : vector<16xi32>
    %ne3A_186 = arith.constant 0 : i32
    %ne3A_187 = vector.broadcast %ne3A_186 : i32 to vector<16xi32>
    %ne3A_188 = arith.cmpi ne, %rem3A_185, %ne3A_187 : vector<16xi32>
    %and3A_189 = arith.andi %ne3A_183, %ne3A_188 : vector<16xi1>
    %sub3A_190 = arith.constant 1 : i32
    %sub3A_191 = vector.broadcast %sub3A_190 : i32 to vector<16xi32>
    %sub3A_192 = arith.subi %div3A_165, %sub3A_191 : vector<16xi32>
    %select_n3A_193 = arith.select %and3A_189, %sub3A_192, %div3A_165 : vector<16xi1>, vector<16xi32>
    %add3A_194 = arith.constant 16 : i32
    %add3A_195 = vector.broadcast %add3A_194 : i32 to vector<16xi32>
    %add3A_196 = arith.addi %add3A_195, %select_n3A_193 : vector<16xi32>
    %jit3A_197 = arith.constant 4 : i32
    %div3A_198 = vector.broadcast %jit3A_197 : i32 to vector<16xi32>
    %div3A_199 = arith.divsi %iota3A, %div3A_198 : vector<16xi32>
    %sign3A_200 = arith.constant 0 : i32
    %sign3A_201 = vector.broadcast %sign3A_200 : i32 to vector<16xi32>
    %sign3A_202 = arith.cmpi sgt, %iota3A, %sign3A_201 : vector<16xi32>
    %sign3A_203 = arith.extui %sign3A_202 : vector<16xi1> to vector<16xi32>
    %sign3A_204 = arith.constant 0 : i32
    %sign3A_205 = vector.broadcast %sign3A_204 : i32 to vector<16xi32>
    %sign3A_206 = arith.cmpi slt, %iota3A, %sign3A_205 : vector<16xi32>
    %sign3A_207 = arith.extui %sign3A_206 : vector<16xi1> to vector<16xi32>
    %sign3A_208 = arith.subi %sign3A_203, %sign3A_207 : vector<16xi32>
    %sign3A_209 = arith.constant 0 : i32
    %sign3A_210 = arith.cmpi sgt, %jit3A_197, %sign3A_209 : i32
    %sign3A_211 = arith.extui %sign3A_210 : i1 to i32
    %sign3A_212 = arith.constant 0 : i32
    %sign3A_213 = arith.cmpi slt, %jit3A_197, %sign3A_212 : i32
    %sign3A_214 = arith.extui %sign3A_213 : i1 to i32
    %sign3A_215 = arith.subi %sign3A_211, %sign3A_214 : i32
    %ne3A_216 = vector.broadcast %sign3A_215 : i32 to vector<16xi32>
    %ne3A_217 = arith.cmpi ne, %sign3A_208, %ne3A_216 : vector<16xi32>
    %rem3A_218 = vector.broadcast %jit3A_197 : i32 to vector<16xi32>
    %rem3A_219 = arith.remsi %iota3A, %rem3A_218 : vector<16xi32>
    %ne3A_220 = arith.constant 0 : i32
    %ne3A_221 = vector.broadcast %ne3A_220 : i32 to vector<16xi32>
    %ne3A_222 = arith.cmpi ne, %rem3A_219, %ne3A_221 : vector<16xi32>
    %and3A_223 = arith.andi %ne3A_217, %ne3A_222 : vector<16xi1>
    %sub3A_224 = arith.constant 1 : i32
    %sub3A_225 = vector.broadcast %sub3A_224 : i32 to vector<16xi32>
    %sub3A_226 = arith.subi %div3A_199, %sub3A_225 : vector<16xi32>
    %select_n3A_227 = arith.select %and3A_223, %sub3A_226, %div3A_199 : vector<16xi1>, vector<16xi32>
    %add3A_228 = arith.constant 20 : i32
    %add3A_229 = vector.broadcast %add3A_228 : i32 to vector<16xi32>
    %add3A_230 = arith.addi %add3A_229, %select_n3A_227 : vector<16xi32>
    %jit3A_231 = arith.constant 4 : i32
    %div3A_232 = vector.broadcast %jit3A_231 : i32 to vector<16xi32>
    %div3A_233 = arith.divsi %iota3A, %div3A_232 : vector<16xi32>
    %sign3A_234 = arith.constant 0 : i32
    %sign3A_235 = vector.broadcast %sign3A_234 : i32 to vector<16xi32>
    %sign3A_236 = arith.cmpi sgt, %iota3A, %sign3A_235 : vector<16xi32>
    %sign3A_237 = arith.extui %sign3A_236 : vector<16xi1> to vector<16xi32>
    %sign3A_238 = arith.constant 0 : i32
    %sign3A_239 = vector.broadcast %sign3A_238 : i32 to vector<16xi32>
    %sign3A_240 = arith.cmpi slt, %iota3A, %sign3A_239 : vector<16xi32>
    %sign3A_241 = arith.extui %sign3A_240 : vector<16xi1> to vector<16xi32>
    %sign3A_242 = arith.subi %sign3A_237, %sign3A_241 : vector<16xi32>
    %sign3A_243 = arith.constant 0 : i32
    %sign3A_244 = arith.cmpi sgt, %jit3A_231, %sign3A_243 : i32
    %sign3A_245 = arith.extui %sign3A_244 : i1 to i32
    %sign3A_246 = arith.constant 0 : i32
    %sign3A_247 = arith.cmpi slt, %jit3A_231, %sign3A_246 : i32
    %sign3A_248 = arith.extui %sign3A_247 : i1 to i32
    %sign3A_249 = arith.subi %sign3A_245, %sign3A_248 : i32
    %ne3A_250 = vector.broadcast %sign3A_249 : i32 to vector<16xi32>
    %ne3A_251 = arith.cmpi ne, %sign3A_242, %ne3A_250 : vector<16xi32>
    %rem3A_252 = vector.broadcast %jit3A_231 : i32 to vector<16xi32>
    %rem3A_253 = arith.remsi %iota3A, %rem3A_252 : vector<16xi32>
    %ne3A_254 = arith.constant 0 : i32
    %ne3A_255 = vector.broadcast %ne3A_254 : i32 to vector<16xi32>
    %ne3A_256 = arith.cmpi ne, %rem3A_253, %ne3A_255 : vector<16xi32>
    %and3A_257 = arith.andi %ne3A_251, %ne3A_256 : vector<16xi1>
    %sub3A_258 = arith.constant 1 : i32
    %sub3A_259 = vector.broadcast %sub3A_258 : i32 to vector<16xi32>
    %sub3A_260 = arith.subi %div3A_233, %sub3A_259 : vector<16xi32>
    %select_n3A_261 = arith.select %and3A_257, %sub3A_260, %div3A_233 : vector<16xi1>, vector<16xi32>
    %add3A_262 = arith.constant 24 : i32
    %add3A_263 = vector.broadcast %add3A_262 : i32 to vector<16xi32>
    %add3A_264 = arith.addi %add3A_263, %select_n3A_261 : vector<16xi32>
    %jit3A_265 = arith.constant 4 : i32
    %div3A_266 = vector.broadcast %jit3A_265 : i32 to vector<16xi32>
    %div3A_267 = arith.divsi %iota3A, %div3A_266 : vector<16xi32>
    %sign3A_268 = arith.constant 0 : i32
    %sign3A_269 = vector.broadcast %sign3A_268 : i32 to vector<16xi32>
    %sign3A_270 = arith.cmpi sgt, %iota3A, %sign3A_269 : vector<16xi32>
    %sign3A_271 = arith.extui %sign3A_270 : vector<16xi1> to vector<16xi32>
    %sign3A_272 = arith.constant 0 : i32
    %sign3A_273 = vector.broadcast %sign3A_272 : i32 to vector<16xi32>
    %sign3A_274 = arith.cmpi slt, %iota3A, %sign3A_273 : vector<16xi32>
    %sign3A_275 = arith.extui %sign3A_274 : vector<16xi1> to vector<16xi32>
    %sign3A_276 = arith.subi %sign3A_271, %sign3A_275 : vector<16xi32>
    %sign3A_277 = arith.constant 0 : i32
    %sign3A_278 = arith.cmpi sgt, %jit3A_265, %sign3A_277 : i32
    %sign3A_279 = arith.extui %sign3A_278 : i1 to i32
    %sign3A_280 = arith.constant 0 : i32
    %sign3A_281 = arith.cmpi slt, %jit3A_265, %sign3A_280 : i32
    %sign3A_282 = arith.extui %sign3A_281 : i1 to i32
    %sign3A_283 = arith.subi %sign3A_279, %sign3A_282 : i32
    %ne3A_284 = vector.broadcast %sign3A_283 : i32 to vector<16xi32>
    %ne3A_285 = arith.cmpi ne, %sign3A_276, %ne3A_284 : vector<16xi32>
    %rem3A_286 = vector.broadcast %jit3A_265 : i32 to vector<16xi32>
    %rem3A_287 = arith.remsi %iota3A, %rem3A_286 : vector<16xi32>
    %ne3A_288 = arith.constant 0 : i32
    %ne3A_289 = vector.broadcast %ne3A_288 : i32 to vector<16xi32>
    %ne3A_290 = arith.cmpi ne, %rem3A_287, %ne3A_289 : vector<16xi32>
    %and3A_291 = arith.andi %ne3A_285, %ne3A_290 : vector<16xi1>
    %sub3A_292 = arith.constant 1 : i32
    %sub3A_293 = vector.broadcast %sub3A_292 : i32 to vector<16xi32>
    %sub3A_294 = arith.subi %div3A_267, %sub3A_293 : vector<16xi32>
    %select_n3A_295 = arith.select %and3A_291, %sub3A_294, %div3A_267 : vector<16xi1>, vector<16xi32>
    %add3A_296 = arith.constant 28 : i32
    %add3A_297 = vector.broadcast %add3A_296 : i32 to vector<16xi32>
    %add3A_298 = arith.addi %add3A_297, %select_n3A_295 : vector<16xi32>
    %and3A_299 = arith.constant 3 : i32
    %and3A_300 = vector.broadcast %and3A_299 : i32 to vector<16xi32>
    %and3A_301 = arith.andi %iota3A, %and3A_300 : vector<16xi32>
    %mul3A_302 = arith.constant 32 : i32
    %mul3A_303 = vector.broadcast %mul3A_302 : i32 to vector<16xi32>
    %mul3A_304 = arith.muli %mul3A_303, %and3A_301 : vector<16xi32>
    %gt3A = arith.constant 0 : i32
    %gt3A_305 = arith.cmpi sgt, %add3A_4, %gt3A : i32
    %convert_element_type3A = arith.extui %gt3A_305 : i1 to i32
    %cond3A = arith.constant 0 : i32
    %cond3A_306 = arith.cmpi ne, %convert_element_type3A, %cond3A : i32
    scf.if %cond3A_306 {
      %rem3A_349 = arith.constant 0 : i32
      %rem3A_350 = arith.constant 4 : i32
      %rem3A_351 = arith.remsi %rem3A_349, %rem3A_350 : i32
      %add3A_352 = arith.constant 0 : i32
      %add3A_353 = arith.addi %add3A_8, %add3A_352 : i32
      %mul3A_354 = arith.constant 128 : i32
      %mul3A_355 = arith.muli %add3A_353, %mul3A_354 : i32
      %mul3A_356 = arith.constant 32 : i32
      %mul3A_357 = arith.muli %rem3A_351, %mul3A_356 : i32
      %dma_start3A = arith.constant 0 : i32
      %dma_start3A_358 = tpu.memref_slice %arg5[%mul3A_357, %dma_start3A] : memref<128x128xf32, #tpu.memory_space<vmem>> -> memref<32x128xf32, #tpu.memory_space<vmem>>
      %dma_start3A_359 = arith.constant 0 : i32
      %dma_start3A_360 = tpu.memref_slice %arg2[%dma_start3A_359, %mul3A_355] : memref<32x1000000xf32, #tpu.memory_space<hbm>> -> memref<32x128xf32, #tpu.memory_space<hbm>>
      %dma_start3A_361 = tpu.memref_slice %arg7[%rem3A_351] : memref<4x!tpu.dma_semaphore, #tpu.memory_space<semaphore_mem>> -> memref<1x!tpu.dma_semaphore, #tpu.memory_space<semaphore_mem>>
      %dma_start3A_362 = tpu.memref_squeeze %dma_start3A_361 : memref<1x!tpu.dma_semaphore, #tpu.memory_space<semaphore_mem>> -> memref<!tpu.dma_semaphore, #tpu.memory_space<semaphore_mem>>
      %dma_start3A_363 = arith.constant 0 : i32
      %dma_start3A_364 = tpu.memref_slice %arg5[%mul3A_357, %dma_start3A_363] : memref<128x128xf32, #tpu.memory_space<vmem>> -> memref<32x128xf32, #tpu.memory_space<vmem>>
      %dma_start3A_365 = arith.constant 0 : i32
      %dma_start3A_366 = tpu.memref_slice %arg2[%dma_start3A_365, %mul3A_355] : memref<32x1000000xf32, #tpu.memory_space<hbm>> -> memref<32x128xf32, #tpu.memory_space<hbm>>
      tpu.enqueue_dma source(%dma_start3A_366 : memref<32x128xf32, #tpu.memory_space<hbm>>) target(%dma_start3A_364 : memref<32x128xf32, #tpu.memory_space<vmem>>) target_semaphore(%dma_start3A_362 : memref<!tpu.dma_semaphore, #tpu.memory_space<semaphore_mem>>)
    } else {
    }
    %gt3A_307 = arith.constant 1 : i32
    %gt3A_308 = arith.cmpi sgt, %add3A_4, %gt3A_307 : i32
    %convert_element_type3A_309 = arith.extui %gt3A_308 : i1 to i32
    %cond3A_310 = arith.constant 0 : i32
    %cond3A_311 = arith.cmpi ne, %convert_element_type3A_309, %cond3A_310 : i32
    scf.if %cond3A_311 {
      %rem3A_349 = arith.constant 1 : i32
      %rem3A_350 = arith.constant 4 : i32
      %rem3A_351 = arith.remsi %rem3A_349, %rem3A_350 : i32
      %add3A_352 = arith.constant 1 : i32
      %add3A_353 = arith.addi %add3A_8, %add3A_352 : i32
      %mul3A_354 = arith.constant 128 : i32
      %mul3A_355 = arith.muli %add3A_353, %mul3A_354 : i32
      %mul3A_356 = arith.constant 32 : i32
      %mul3A_357 = arith.muli %rem3A_351, %mul3A_356 : i32
      %dma_start3A = arith.constant 0 : i32
      %dma_start3A_358 = tpu.memref_slice %arg5[%mul3A_357, %dma_start3A] : memref<128x128xf32, #tpu.memory_space<vmem>> -> memref<32x128xf32, #tpu.memory_space<vmem>>
      %dma_start3A_359 = arith.constant 0 : i32
      %dma_start3A_360 = tpu.memref_slice %arg2[%dma_start3A_359, %mul3A_355] : memref<32x1000000xf32, #tpu.memory_space<hbm>> -> memref<32x128xf32, #tpu.memory_space<hbm>>
      %dma_start3A_361 = tpu.memref_slice %arg7[%rem3A_351] : memref<4x!tpu.dma_semaphore, #tpu.memory_space<semaphore_mem>> -> memref<1x!tpu.dma_semaphore, #tpu.memory_space<semaphore_mem>>
      %dma_start3A_362 = tpu.memref_squeeze %dma_start3A_361 : memref<1x!tpu.dma_semaphore, #tpu.memory_space<semaphore_mem>> -> memref<!tpu.dma_semaphore, #tpu.memory_space<semaphore_mem>>
      %dma_start3A_363 = arith.constant 0 : i32
      %dma_start3A_364 = tpu.memref_slice %arg5[%mul3A_357, %dma_start3A_363] : memref<128x128xf32, #tpu.memory_space<vmem>> -> memref<32x128xf32, #tpu.memory_space<vmem>>
      %dma_start3A_365 = arith.constant 0 : i32
      %dma_start3A_366 = tpu.memref_slice %arg2[%dma_start3A_365, %mul3A_355] : memref<32x1000000xf32, #tpu.memory_space<hbm>> -> memref<32x128xf32, #tpu.memory_space<hbm>>
      tpu.enqueue_dma source(%dma_start3A_366 : memref<32x128xf32, #tpu.memory_space<hbm>>) target(%dma_start3A_364 : memref<32x128xf32, #tpu.memory_space<vmem>>) target_semaphore(%dma_start3A_362 : memref<!tpu.dma_semaphore, #tpu.memory_space<semaphore_mem>>)
    } else {
    }
    %gt3A_312 = arith.constant 2 : i32
    %gt3A_313 = arith.cmpi sgt, %add3A_4, %gt3A_312 : i32
    %convert_element_type3A_314 = arith.extui %gt3A_313 : i1 to i32
    %cond3A_315 = arith.constant 0 : i32
    %cond3A_316 = arith.cmpi ne, %convert_element_type3A_314, %cond3A_315 : i32
    scf.if %cond3A_316 {
      %rem3A_349 = arith.constant 2 : i32
      %rem3A_350 = arith.constant 4 : i32
      %rem3A_351 = arith.remsi %rem3A_349, %rem3A_350 : i32
      %add3A_352 = arith.constant 2 : i32
      %add3A_353 = arith.addi %add3A_8, %add3A_352 : i32
      %mul3A_354 = arith.constant 128 : i32
      %mul3A_355 = arith.muli %add3A_353, %mul3A_354 : i32
      %mul3A_356 = arith.constant 32 : i32
      %mul3A_357 = arith.muli %rem3A_351, %mul3A_356 : i32
      %dma_start3A = arith.constant 0 : i32
      %dma_start3A_358 = tpu.memref_slice %arg5[%mul3A_357, %dma_start3A] : memref<128x128xf32, #tpu.memory_space<vmem>> -> memref<32x128xf32, #tpu.memory_space<vmem>>
      %dma_start3A_359 = arith.constant 0 : i32
      %dma_start3A_360 = tpu.memref_slice %arg2[%dma_start3A_359, %mul3A_355] : memref<32x1000000xf32, #tpu.memory_space<hbm>> -> memref<32x128xf32, #tpu.memory_space<hbm>>
      %dma_start3A_361 = tpu.memref_slice %arg7[%rem3A_351] : memref<4x!tpu.dma_semaphore, #tpu.memory_space<semaphore_mem>> -> memref<1x!tpu.dma_semaphore, #tpu.memory_space<semaphore_mem>>
      %dma_start3A_362 = tpu.memref_squeeze %dma_start3A_361 : memref<1x!tpu.dma_semaphore, #tpu.memory_space<semaphore_mem>> -> memref<!tpu.dma_semaphore, #tpu.memory_space<semaphore_mem>>
      %dma_start3A_363 = arith.constant 0 : i32
      %dma_start3A_364 = tpu.memref_slice %arg5[%mul3A_357, %dma_start3A_363] : memref<128x128xf32, #tpu.memory_space<vmem>> -> memref<32x128xf32, #tpu.memory_space<vmem>>
      %dma_start3A_365 = arith.constant 0 : i32
      %dma_start3A_366 = tpu.memref_slice %arg2[%dma_start3A_365, %mul3A_355] : memref<32x1000000xf32, #tpu.memory_space<hbm>> -> memref<32x128xf32, #tpu.memory_space<hbm>>
      tpu.enqueue_dma source(%dma_start3A_366 : memref<32x128xf32, #tpu.memory_space<hbm>>) target(%dma_start3A_364 : memref<32x128xf32, #tpu.memory_space<vmem>>) target_semaphore(%dma_start3A_362 : memref<!tpu.dma_semaphore, #tpu.memory_space<semaphore_mem>>)
    } else {
    }
    %scan3A = arith.constant 0 : i32
    %scan3A_317 = arith.constant 0 : i32
    %scan3A_318 = arith.constant 245 : i32
    %scan3A_319 = arith.addi %scan3A_317, %scan3A_318 : i32
    %scan3A_320 = arith.constant 1 : i32
    scf.for %scan3A_349 = %scan3A_317 to %scan3A_319 step %scan3A_320  : i32 {
      %lt3A_350 = arith.cmpi slt, %scan3A_349, %add3A_4 : i32
      %convert_element_type3A_351 = arith.extui %lt3A_350 : i1 to i32
      %cond3A_352 = arith.constant 0 : i32
      %cond3A_353 = arith.cmpi ne, %convert_element_type3A_351, %cond3A_352 : i32
      scf.if %cond3A_353 {
        %rem3A_354 = arith.constant 4 : i32
        %rem3A_355 = arith.remsi %scan3A_349, %rem3A_354 : i32
        %rem3A_356 = arith.constant 2 : i32
        %rem3A_357 = arith.remsi %scan3A_349, %rem3A_356 : i32
        %dma_wait3A_358 = arith.constant 0 : i32
        %dma_wait3A_359 = arith.constant 0 : i32
        %dma_wait3A_360 = tpu.memref_slice %arg5[%dma_wait3A_358, %dma_wait3A_359] : memref<128x128xf32, #tpu.memory_space<vmem>> -> memref<32x128xf32, #tpu.memory_space<vmem>>
        %dma_wait3A_361 = arith.constant 0 : i32
        %dma_wait3A_362 = arith.constant 0 : i32
        %dma_wait3A_363 = tpu.memref_slice %arg2[%dma_wait3A_361, %dma_wait3A_362] : memref<32x1000000xf32, #tpu.memory_space<hbm>> -> memref<32x128xf32, #tpu.memory_space<hbm>>
        %dma_wait3A_364 = tpu.memref_slice %arg7[%rem3A_355] : memref<4x!tpu.dma_semaphore, #tpu.memory_space<semaphore_mem>> -> memref<1x!tpu.dma_semaphore, #tpu.memory_space<semaphore_mem>>
        %dma_wait3A_365 = tpu.memref_squeeze %dma_wait3A_364 : memref<1x!tpu.dma_semaphore, #tpu.memory_space<semaphore_mem>> -> memref<!tpu.dma_semaphore, #tpu.memory_space<semaphore_mem>>
        %dma_wait3A_366 = arith.constant 0 : i32
        %dma_wait3A_367 = arith.constant 0 : i32
        %dma_wait3A_368 = tpu.memref_slice %arg5[%dma_wait3A_366, %dma_wait3A_367] : memref<128x128xf32, #tpu.memory_space<vmem>> -> memref<32x128xf32, #tpu.memory_space<vmem>>
        %dma_wait3A_369 = arith.constant 0 : i32
        %dma_wait3A_370 = arith.constant 0 : i32
        %dma_wait3A_371 = tpu.memref_slice %arg2[%dma_wait3A_369, %dma_wait3A_370] : memref<32x1000000xf32, #tpu.memory_space<hbm>> -> memref<32x128xf32, #tpu.memory_space<hbm>>
        tpu.wait_dma2 semaphore(%dma_wait3A_365 : memref<!tpu.dma_semaphore, #tpu.memory_space<semaphore_mem>>) src(%dma_wait3A_371 : memref<32x128xf32, #tpu.memory_space<hbm>>) dst(%dma_wait3A_368 : memref<32x128xf32, #tpu.memory_space<vmem>>)
        %add3A_372 = arith.constant 4 : i32
        %add3A_373 = arith.addi %scan3A_349, %add3A_372 : i32
        %sub3A_374 = arith.constant 1 : i32
        %sub3A_375 = arith.subi %add3A_373, %sub3A_374 : i32
        %lt3A_376 = arith.cmpi slt, %sub3A_375, %add3A_4 : i32
        %convert_element_type3A_377 = arith.extui %lt3A_376 : i1 to i32
        %cond3A_378 = arith.constant 0 : i32
        %cond3A_379 = arith.cmpi ne, %convert_element_type3A_377, %cond3A_378 : i32
        scf.if %cond3A_379 {
          %add3A_443 = arith.constant 4 : i32
          %add3A_444 = arith.addi %scan3A_349, %add3A_443 : i32
          %sub3A_445 = arith.constant 1 : i32
          %sub3A_446 = arith.subi %add3A_444, %sub3A_445 : i32
          %rem3A_447 = arith.constant 4 : i32
          %rem3A_448 = arith.remsi %sub3A_446, %rem3A_447 : i32
          %add3A_449 = arith.addi %add3A_8, %sub3A_446 : i32
          %mul3A_450 = arith.constant 128 : i32
          %mul3A_451 = arith.muli %add3A_449, %mul3A_450 : i32
          %mul3A_452 = arith.constant 32 : i32
          %mul3A_453 = arith.muli %rem3A_448, %mul3A_452 : i32
          %dma_start3A = arith.constant 0 : i32
          %dma_start3A_454 = tpu.memref_slice %arg5[%mul3A_453, %dma_start3A] : memref<128x128xf32, #tpu.memory_space<vmem>> -> memref<32x128xf32, #tpu.memory_space<vmem>>
          %dma_start3A_455 = arith.constant 0 : i32
          %dma_start3A_456 = tpu.memref_slice %arg2[%dma_start3A_455, %mul3A_451] : memref<32x1000000xf32, #tpu.memory_space<hbm>> -> memref<32x128xf32, #tpu.memory_space<hbm>>
          %dma_start3A_457 = tpu.memref_slice %arg7[%rem3A_448] : memref<4x!tpu.dma_semaphore, #tpu.memory_space<semaphore_mem>> -> memref<1x!tpu.dma_semaphore, #tpu.memory_space<semaphore_mem>>
          %dma_start3A_458 = tpu.memref_squeeze %dma_start3A_457 : memref<1x!tpu.dma_semaphore, #tpu.memory_space<semaphore_mem>> -> memref<!tpu.dma_semaphore, #tpu.memory_space<semaphore_mem>>
          %dma_start3A_459 = arith.constant 0 : i32
          %dma_start3A_460 = tpu.memref_slice %arg5[%mul3A_453, %dma_start3A_459] : memref<128x128xf32, #tpu.memory_space<vmem>> -> memref<32x128xf32, #tpu.memory_space<vmem>>
          %dma_start3A_461 = arith.constant 0 : i32
          %dma_start3A_462 = tpu.memref_slice %arg2[%dma_start3A_461, %mul3A_451] : memref<32x1000000xf32, #tpu.memory_space<hbm>> -> memref<32x128xf32, #tpu.memory_space<hbm>>
          tpu.enqueue_dma source(%dma_start3A_462 : memref<32x128xf32, #tpu.memory_space<hbm>>) target(%dma_start3A_460 : memref<32x128xf32, #tpu.memory_space<vmem>>) target_semaphore(%dma_start3A_458 : memref<!tpu.dma_semaphore, #tpu.memory_space<semaphore_mem>>)
        } else {
        }
        %ge3A = arith.constant 2 : i32
        %ge3A_380 = arith.cmpi sge, %scan3A_349, %ge3A : i32
        %eq3A_381 = arith.constant 0 : i32
        %eq3A_382 = arith.cmpi eq, %rem3A_357, %eq3A_381 : i32
        %and3A_383 = arith.andi %ge3A_380, %eq3A_382 : i1
        %convert_element_type3A_384 = arith.extui %and3A_383 : i1 to i32
        %cond3A_385 = arith.constant 0 : i32
        %cond3A_386 = arith.cmpi ne, %convert_element_type3A_384, %cond3A_385 : i32
        scf.if %cond3A_386 {
          %dma_wait3A_443 = arith.constant 0 : i32
          %dma_wait3A_444 = arith.constant 0 : i32
          %dma_wait3A_445 = tpu.memref_slice %arg6[%dma_wait3A_443, %dma_wait3A_444] : memref<64x130xf32, #tpu.memory_space<vmem>> -> memref<32x128xf32, #tpu.memory_space<vmem>>
          %dma_wait3A_446 = arith.constant 0 : i32
          %dma_wait3A_447 = arith.constant 0 : i32
          %dma_wait3A_448 = tpu.memref_slice %arg4[%dma_wait3A_446, %dma_wait3A_447] : memref<250000x128xf32, #tpu.memory_space<hbm>> -> memref<32x128xf32, #tpu.memory_space<hbm>>
          %dma_wait3A_449 = arith.constant 0 : i32
          %dma_wait3A_450 = arith.constant 0 : i32
          %dma_wait3A_451 = tpu.memref_slice %arg4[%dma_wait3A_449, %dma_wait3A_450] : memref<250000x128xf32, #tpu.memory_space<hbm>> -> memref<32x128xf32, #tpu.memory_space<hbm>>
          %dma_wait3A_452 = arith.constant 0 : i32
          %dma_wait3A_453 = arith.constant 0 : i32
          %dma_wait3A_454 = tpu.memref_slice %arg6[%dma_wait3A_452, %dma_wait3A_453] : memref<64x130xf32, #tpu.memory_space<vmem>> -> memref<32x128xf32, #tpu.memory_space<vmem>>
          tpu.wait_dma2 semaphore(%arg8 : memref<!tpu.dma_semaphore, #tpu.memory_space<semaphore_mem>>) src(%dma_wait3A_454 : memref<32x128xf32, #tpu.memory_space<vmem>>) dst(%dma_wait3A_451 : memref<32x128xf32, #tpu.memory_space<hbm>>)
        } else {
        }
        %ge3A_387 = arith.constant 2 : i32
        %ge3A_388 = arith.cmpi sge, %scan3A_349, %ge3A_387 : i32
        %eq3A_389 = arith.constant 1 : i32
        %eq3A_390 = arith.cmpi eq, %rem3A_357, %eq3A_389 : i32
        %and3A_391 = arith.andi %ge3A_388, %eq3A_390 : i1
        %convert_element_type3A_392 = arith.extui %and3A_391 : i1 to i32
        %cond3A_393 = arith.constant 0 : i32
        %cond3A_394 = arith.cmpi ne, %convert_element_type3A_392, %cond3A_393 : i32
        scf.if %cond3A_394 {
          %dma_wait3A_443 = arith.constant 0 : i32
          %dma_wait3A_444 = arith.constant 0 : i32
          %dma_wait3A_445 = tpu.memref_slice %arg6[%dma_wait3A_443, %dma_wait3A_444] : memref<64x130xf32, #tpu.memory_space<vmem>> -> memref<32x128xf32, #tpu.memory_space<vmem>>
          %dma_wait3A_446 = arith.constant 0 : i32
          %dma_wait3A_447 = arith.constant 0 : i32
          %dma_wait3A_448 = tpu.memref_slice %arg4[%dma_wait3A_446, %dma_wait3A_447] : memref<250000x128xf32, #tpu.memory_space<hbm>> -> memref<32x128xf32, #tpu.memory_space<hbm>>
          %dma_wait3A_449 = arith.constant 0 : i32
          %dma_wait3A_450 = arith.constant 0 : i32
          %dma_wait3A_451 = tpu.memref_slice %arg4[%dma_wait3A_449, %dma_wait3A_450] : memref<250000x128xf32, #tpu.memory_space<hbm>> -> memref<32x128xf32, #tpu.memory_space<hbm>>
          %dma_wait3A_452 = arith.constant 0 : i32
          %dma_wait3A_453 = arith.constant 0 : i32
          %dma_wait3A_454 = tpu.memref_slice %arg6[%dma_wait3A_452, %dma_wait3A_453] : memref<64x130xf32, #tpu.memory_space<vmem>> -> memref<32x128xf32, #tpu.memory_space<vmem>>
          tpu.wait_dma2 semaphore(%arg9 : memref<!tpu.dma_semaphore, #tpu.memory_space<semaphore_mem>>) src(%dma_wait3A_454 : memref<32x128xf32, #tpu.memory_space<vmem>>) dst(%dma_wait3A_451 : memref<32x128xf32, #tpu.memory_space<hbm>>)
        } else {
        }
        %mul3A_395 = arith.constant 32 : i32
        %mul3A_396 = arith.muli %rem3A_357, %mul3A_395 : i32
        %add3A_397 = vector.broadcast %mul3A_396 : i32 to vector<16xi32>
        %add3A_398 = arith.addi %add3A_397, %add3A_60 : vector<16xi32>
        %mul3A_399 = arith.constant 32 : i32
        %mul3A_400 = arith.muli %rem3A_357, %mul3A_399 : i32
        %add3A_401 = vector.broadcast %mul3A_400 : i32 to vector<16xi32>
        %add3A_402 = arith.addi %add3A_401, %add3A_94 : vector<16xi32>
        %mul3A_403 = arith.constant 32 : i32
        %mul3A_404 = arith.muli %rem3A_357, %mul3A_403 : i32
        %add3A_405 = vector.broadcast %mul3A_404 : i32 to vector<16xi32>
        %add3A_406 = arith.addi %add3A_405, %add3A_128 : vector<16xi32>
        %mul3A_407 = arith.constant 32 : i32
        %mul3A_408 = arith.muli %rem3A_357, %mul3A_407 : i32
        %add3A_409 = vector.broadcast %mul3A_408 : i32 to vector<16xi32>
        %add3A_410 = arith.addi %add3A_409, %add3A_162 : vector<16xi32>
        %mul3A_411 = arith.constant 32 : i32
        %mul3A_412 = arith.muli %rem3A_357, %mul3A_411 : i32
        %add3A_413 = vector.broadcast %mul3A_412 : i32 to vector<16xi32>
        %add3A_414 = arith.addi %add3A_413, %add3A_196 : vector<16xi32>
        %mul3A_415 = arith.constant 32 : i32
        %mul3A_416 = arith.muli %rem3A_357, %mul3A_415 : i32
        %add3A_417 = vector.broadcast %mul3A_416 : i32 to vector<16xi32>
        %add3A_418 = arith.addi %add3A_417, %add3A_230 : vector<16xi32>
        %mul3A_419 = arith.constant 32 : i32
        %mul3A_420 = arith.muli %rem3A_357, %mul3A_419 : i32
        %add3A_421 = vector.broadcast %mul3A_420 : i32 to vector<16xi32>
        %add3A_422 = arith.addi %add3A_421, %add3A_264 : vector<16xi32>
        %mul3A_423 = arith.constant 32 : i32
        %mul3A_424 = arith.muli %rem3A_357, %mul3A_423 : i32
        %add3A_425 = vector.broadcast %mul3A_424 : i32 to vector<16xi32>
        %add3A_426 = arith.addi %add3A_425, %add3A_298 : vector<16xi32>
        %scan3A_427 = arith.constant 0 : i32
        %scan3A_428 = arith.constant 0 : i32
        %scan3A_429 = arith.constant 32 : i32
        %scan3A_430 = arith.addi %scan3A_428, %scan3A_429 : i32
        %scan3A_431 = arith.constant 4 : i32
        scf.for %scan3A_443 = %scan3A_428 to %scan3A_430 step %scan3A_431  : i32 {
          %add3A_444 = vector.broadcast %scan3A_443 : i32 to vector<16xi32>
          %add3A_445 = arith.addi %add3A_444, %iota3A : vector<16xi32>
          %and3A_446 = arith.constant 31 : i32
          %and3A_447 = vector.broadcast %and3A_446 : i32 to vector<16xi32>
          %and3A_448 = arith.andi %add3A_445, %and3A_447 : vector<16xi32>
          %mul3A_449 = arith.constant 32 : i32
          %mul3A_450 = arith.muli %rem3A_355, %mul3A_449 : i32
          %add3A_451 = vector.broadcast %mul3A_450 : i32 to vector<16xi32>
          %add3A_452 = arith.addi %add3A_451, %and3A_448 : vector<16xi32>
          %add3A_453 = arith.addi %mul3A_304, %and3A_448 : vector<16xi32>
          %gather3A = tpu.vector_load_idx %arg5[%add3A_452, %add3A_11] : memref<128x128xf32, #tpu.memory_space<vmem>>[vector<16xi32>, vector<16xi32>], vector<16xf32>,
          tpu.vector_store_idx %arg6[%add3A_398, %add3A_453], %gather3A : memref<64x130xf32, #tpu.memory_space<vmem>>[vector<16xi32>, vector<16xi32>], vector<16xf32>,
          %gather3A_454 = tpu.vector_load_idx %arg5[%add3A_452, %add3A_14] : memref<128x128xf32, #tpu.memory_space<vmem>>[vector<16xi32>, vector<16xi32>], vector<16xf32>,
          tpu.vector_store_idx %arg6[%add3A_402, %add3A_453], %gather3A_454 : memref<64x130xf32, #tpu.memory_space<vmem>>[vector<16xi32>, vector<16xi32>], vector<16xf32>,
          %gather3A_455 = tpu.vector_load_idx %arg5[%add3A_452, %add3A_17] : memref<128x128xf32, #tpu.memory_space<vmem>>[vector<16xi32>, vector<16xi32>], vector<16xf32>,
          tpu.vector_store_idx %arg6[%add3A_406, %add3A_453], %gather3A_455 : memref<64x130xf32, #tpu.memory_space<vmem>>[vector<16xi32>, vector<16xi32>], vector<16xf32>,
          %gather3A_456 = tpu.vector_load_idx %arg5[%add3A_452, %add3A_20] : memref<128x128xf32, #tpu.memory_space<vmem>>[vector<16xi32>, vector<16xi32>], vector<16xf32>,
          tpu.vector_store_idx %arg6[%add3A_410, %add3A_453], %gather3A_456 : memref<64x130xf32, #tpu.memory_space<vmem>>[vector<16xi32>, vector<16xi32>], vector<16xf32>,
          %gather3A_457 = tpu.vector_load_idx %arg5[%add3A_452, %add3A_23] : memref<128x128xf32, #tpu.memory_space<vmem>>[vector<16xi32>, vector<16xi32>], vector<16xf32>,
          tpu.vector_store_idx %arg6[%add3A_414, %add3A_453], %gather3A_457 : memref<64x130xf32, #tpu.memory_space<vmem>>[vector<16xi32>, vector<16xi32>], vector<16xf32>,
          %gather3A_458 = tpu.vector_load_idx %arg5[%add3A_452, %add3A_26] : memref<128x128xf32, #tpu.memory_space<vmem>>[vector<16xi32>, vector<16xi32>], vector<16xf32>,
          tpu.vector_store_idx %arg6[%add3A_418, %add3A_453], %gather3A_458 : memref<64x130xf32, #tpu.memory_space<vmem>>[vector<16xi32>, vector<16xi32>], vector<16xf32>,
          %gather3A_459 = tpu.vector_load_idx %arg5[%add3A_452, %add3A_29] : memref<128x128xf32, #tpu.memory_space<vmem>>[vector<16xi32>, vector<16xi32>], vector<16xf32>,
          tpu.vector_store_idx %arg6[%add3A_422, %add3A_453], %gather3A_459 : memref<64x130xf32, #tpu.memory_space<vmem>>[vector<16xi32>, vector<16xi32>], vector<16xf32>,
          %gather3A_460 = tpu.vector_load_idx %arg5[%add3A_452, %add3A_32] : memref<128x128xf32, #tpu.memory_space<vmem>>[vector<16xi32>, vector<16xi32>], vector<16xf32>,
          tpu.vector_store_idx %arg6[%add3A_426, %add3A_453], %gather3A_460 : memref<64x130xf32, #tpu.memory_space<vmem>>[vector<16xi32>, vector<16xi32>], vector<16xf32>,
          %scan3A_461 = arith.constant 1 : i32
          %scan3A_462 = arith.addi %scan3A_443, %scan3A_461 : i32
          %add3A_463 = vector.broadcast %scan3A_462 : i32 to vector<16xi32>
          %add3A_464 = arith.addi %add3A_463, %iota3A : vector<16xi32>
          %and3A_465 = arith.constant 31 : i32
          %and3A_466 = vector.broadcast %and3A_465 : i32 to vector<16xi32>
          %and3A_467 = arith.andi %add3A_464, %and3A_466 : vector<16xi32>
          %mul3A_468 = arith.constant 32 : i32
          %mul3A_469 = arith.muli %rem3A_355, %mul3A_468 : i32
          %add3A_470 = vector.broadcast %mul3A_469 : i32 to vector<16xi32>
          %add3A_471 = arith.addi %add3A_470, %and3A_467 : vector<16xi32>
          %add3A_472 = arith.addi %mul3A_304, %and3A_467 : vector<16xi32>
          %gather3A_473 = tpu.vector_load_idx %arg5[%add3A_471, %add3A_11] : memref<128x128xf32, #tpu.memory_space<vmem>>[vector<16xi32>, vector<16xi32>], vector<16xf32>,
          tpu.vector_store_idx %arg6[%add3A_398, %add3A_472], %gather3A_473 : memref<64x130xf32, #tpu.memory_space<vmem>>[vector<16xi32>, vector<16xi32>], vector<16xf32>,
          %gather3A_474 = tpu.vector_load_idx %arg5[%add3A_471, %add3A_14] : memref<128x128xf32, #tpu.memory_space<vmem>>[vector<16xi32>, vector<16xi32>], vector<16xf32>,
          tpu.vector_store_idx %arg6[%add3A_402, %add3A_472], %gather3A_474 : memref<64x130xf32, #tpu.memory_space<vmem>>[vector<16xi32>, vector<16xi32>], vector<16xf32>,
          %gather3A_475 = tpu.vector_load_idx %arg5[%add3A_471, %add3A_17] : memref<128x128xf32, #tpu.memory_space<vmem>>[vector<16xi32>, vector<16xi32>], vector<16xf32>,
          tpu.vector_store_idx %arg6[%add3A_406, %add3A_472], %gather3A_475 : memref<64x130xf32, #tpu.memory_space<vmem>>[vector<16xi32>, vector<16xi32>], vector<16xf32>,
          %gather3A_476 = tpu.vector_load_idx %arg5[%add3A_471, %add3A_20] : memref<128x128xf32, #tpu.memory_space<vmem>>[vector<16xi32>, vector<16xi32>], vector<16xf32>,
          tpu.vector_store_idx %arg6[%add3A_410, %add3A_472], %gather3A_476 : memref<64x130xf32, #tpu.memory_space<vmem>>[vector<16xi32>, vector<16xi32>], vector<16xf32>,
          %gather3A_477 = tpu.vector_load_idx %arg5[%add3A_471, %add3A_23] : memref<128x128xf32, #tpu.memory_space<vmem>>[vector<16xi32>, vector<16xi32>], vector<16xf32>,
          tpu.vector_store_idx %arg6[%add3A_414, %add3A_472], %gather3A_477 : memref<64x130xf32, #tpu.memory_space<vmem>>[vector<16xi32>, vector<16xi32>], vector<16xf32>,
          %gather3A_478 = tpu.vector_load_idx %arg5[%add3A_471, %add3A_26] : memref<128x128xf32, #tpu.memory_space<vmem>>[vector<16xi32>, vector<16xi32>], vector<16xf32>,
          tpu.vector_store_idx %arg6[%add3A_418, %add3A_472], %gather3A_478 : memref<64x130xf32, #tpu.memory_space<vmem>>[vector<16xi32>, vector<16xi32>], vector<16xf32>,
          %gather3A_479 = tpu.vector_load_idx %arg5[%add3A_471, %add3A_29] : memref<128x128xf32, #tpu.memory_space<vmem>>[vector<16xi32>, vector<16xi32>], vector<16xf32>,
          tpu.vector_store_idx %arg6[%add3A_422, %add3A_472], %gather3A_479 : memref<64x130xf32, #tpu.memory_space<vmem>>[vector<16xi32>, vector<16xi32>], vector<16xf32>,
          %gather3A_480 = tpu.vector_load_idx %arg5[%add3A_471, %add3A_32] : memref<128x128xf32, #tpu.memory_space<vmem>>[vector<16xi32>, vector<16xi32>], vector<16xf32>,
          tpu.vector_store_idx %arg6[%add3A_426, %add3A_472], %gather3A_480 : memref<64x130xf32, #tpu.memory_space<vmem>>[vector<16xi32>, vector<16xi32>], vector<16xf32>,
          %scan3A_481 = arith.constant 2 : i32
          %scan3A_482 = arith.addi %scan3A_443, %scan3A_481 : i32
          %add3A_483 = vector.broadcast %scan3A_482 : i32 to vector<16xi32>
          %add3A_484 = arith.addi %add3A_483, %iota3A : vector<16xi32>
          %and3A_485 = arith.constant 31 : i32
          %and3A_486 = vector.broadcast %and3A_485 : i32 to vector<16xi32>
          %and3A_487 = arith.andi %add3A_484, %and3A_486 : vector<16xi32>
          %mul3A_488 = arith.constant 32 : i32
          %mul3A_489 = arith.muli %rem3A_355, %mul3A_488 : i32
          %add3A_490 = vector.broadcast %mul3A_489 : i32 to vector<16xi32>
          %add3A_491 = arith.addi %add3A_490, %and3A_487 : vector<16xi32>
          %add3A_492 = arith.addi %mul3A_304, %and3A_487 : vector<16xi32>
          %gather3A_493 = tpu.vector_load_idx %arg5[%add3A_491, %add3A_11] : memref<128x128xf32, #tpu.memory_space<vmem>>[vector<16xi32>, vector<16xi32>], vector<16xf32>,
          tpu.vector_store_idx %arg6[%add3A_398, %add3A_492], %gather3A_493 : memref<64x130xf32, #tpu.memory_space<vmem>>[vector<16xi32>, vector<16xi32>], vector<16xf32>,
          %gather3A_494 = tpu.vector_load_idx %arg5[%add3A_491, %add3A_14] : memref<128x128xf32, #tpu.memory_space<vmem>>[vector<16xi32>, vector<16xi32>], vector<16xf32>,
          tpu.vector_store_idx %arg6[%add3A_402, %add3A_492], %gather3A_494 : memref<64x130xf32, #tpu.memory_space<vmem>>[vector<16xi32>, vector<16xi32>], vector<16xf32>,
          %gather3A_495 = tpu.vector_load_idx %arg5[%add3A_491, %add3A_17] : memref<128x128xf32, #tpu.memory_space<vmem>>[vector<16xi32>, vector<16xi32>], vector<16xf32>,
          tpu.vector_store_idx %arg6[%add3A_406, %add3A_492], %gather3A_495 : memref<64x130xf32, #tpu.memory_space<vmem>>[vector<16xi32>, vector<16xi32>], vector<16xf32>,
          %gather3A_496 = tpu.vector_load_idx %arg5[%add3A_491, %add3A_20] : memref<128x128xf32, #tpu.memory_space<vmem>>[vector<16xi32>, vector<16xi32>], vector<16xf32>,
          tpu.vector_store_idx %arg6[%add3A_410, %add3A_492], %gather3A_496 : memref<64x130xf32, #tpu.memory_space<vmem>>[vector<16xi32>, vector<16xi32>], vector<16xf32>,
          %gather3A_497 = tpu.vector_load_idx %arg5[%add3A_491, %add3A_23] : memref<128x128xf32, #tpu.memory_space<vmem>>[vector<16xi32>, vector<16xi32>], vector<16xf32>,
          tpu.vector_store_idx %arg6[%add3A_414, %add3A_492], %gather3A_497 : memref<64x130xf32, #tpu.memory_space<vmem>>[vector<16xi32>, vector<16xi32>], vector<16xf32>,
          %gather3A_498 = tpu.vector_load_idx %arg5[%add3A_491, %add3A_26] : memref<128x128xf32, #tpu.memory_space<vmem>>[vector<16xi32>, vector<16xi32>], vector<16xf32>,
          tpu.vector_store_idx %arg6[%add3A_418, %add3A_492], %gather3A_498 : memref<64x130xf32, #tpu.memory_space<vmem>>[vector<16xi32>, vector<16xi32>], vector<16xf32>,
          %gather3A_499 = tpu.vector_load_idx %arg5[%add3A_491, %add3A_29] : memref<128x128xf32, #tpu.memory_space<vmem>>[vector<16xi32>, vector<16xi32>], vector<16xf32>,
          tpu.vector_store_idx %arg6[%add3A_422, %add3A_492], %gather3A_499 : memref<64x130xf32, #tpu.memory_space<vmem>>[vector<16xi32>, vector<16xi32>], vector<16xf32>,
          %gather3A_500 = tpu.vector_load_idx %arg5[%add3A_491, %add3A_32] : memref<128x128xf32, #tpu.memory_space<vmem>>[vector<16xi32>, vector<16xi32>], vector<16xf32>,
          tpu.vector_store_idx %arg6[%add3A_426, %add3A_492], %gather3A_500 : memref<64x130xf32, #tpu.memory_space<vmem>>[vector<16xi32>, vector<16xi32>], vector<16xf32>,
          %scan3A_501 = arith.constant 3 : i32
          %scan3A_502 = arith.addi %scan3A_443, %scan3A_501 : i32
          %add3A_503 = vector.broadcast %scan3A_502 : i32 to vector<16xi32>
          %add3A_504 = arith.addi %add3A_503, %iota3A : vector<16xi32>
          %and3A_505 = arith.constant 31 : i32
          %and3A_506 = vector.broadcast %and3A_505 : i32 to vector<16xi32>
          %and3A_507 = arith.andi %add3A_504, %and3A_506 : vector<16xi32>
          %mul3A_508 = arith.constant 32 : i32
          %mul3A_509 = arith.muli %rem3A_355, %mul3A_508 : i32
          %add3A_510 = vector.broadcast %mul3A_509 : i32 to vector<16xi32>
          %add3A_511 = arith.addi %add3A_510, %and3A_507 : vector<16xi32>
          %add3A_512 = arith.addi %mul3A_304, %and3A_507 : vector<16xi32>
          %gather3A_513 = tpu.vector_load_idx %arg5[%add3A_511, %add3A_11] : memref<128x128xf32, #tpu.memory_space<vmem>>[vector<16xi32>, vector<16xi32>], vector<16xf32>,
          tpu.vector_store_idx %arg6[%add3A_398, %add3A_512], %gather3A_513 : memref<64x130xf32, #tpu.memory_space<vmem>>[vector<16xi32>, vector<16xi32>], vector<16xf32>,
          %gather3A_514 = tpu.vector_load_idx %arg5[%add3A_511, %add3A_14] : memref<128x128xf32, #tpu.memory_space<vmem>>[vector<16xi32>, vector<16xi32>], vector<16xf32>,
          tpu.vector_store_idx %arg6[%add3A_402, %add3A_512], %gather3A_514 : memref<64x130xf32, #tpu.memory_space<vmem>>[vector<16xi32>, vector<16xi32>], vector<16xf32>,
          %gather3A_515 = tpu.vector_load_idx %arg5[%add3A_511, %add3A_17] : memref<128x128xf32, #tpu.memory_space<vmem>>[vector<16xi32>, vector<16xi32>], vector<16xf32>,
          tpu.vector_store_idx %arg6[%add3A_406, %add3A_512], %gather3A_515 : memref<64x130xf32, #tpu.memory_space<vmem>>[vector<16xi32>, vector<16xi32>], vector<16xf32>,
          %gather3A_516 = tpu.vector_load_idx %arg5[%add3A_511, %add3A_20] : memref<128x128xf32, #tpu.memory_space<vmem>>[vector<16xi32>, vector<16xi32>], vector<16xf32>,
          tpu.vector_store_idx %arg6[%add3A_410, %add3A_512], %gather3A_516 : memref<64x130xf32, #tpu.memory_space<vmem>>[vector<16xi32>, vector<16xi32>], vector<16xf32>,
          %gather3A_517 = tpu.vector_load_idx %arg5[%add3A_511, %add3A_23] : memref<128x128xf32, #tpu.memory_space<vmem>>[vector<16xi32>, vector<16xi32>], vector<16xf32>,
          tpu.vector_store_idx %arg6[%add3A_414, %add3A_512], %gather3A_517 : memref<64x130xf32, #tpu.memory_space<vmem>>[vector<16xi32>, vector<16xi32>], vector<16xf32>,
          %gather3A_518 = tpu.vector_load_idx %arg5[%add3A_511, %add3A_26] : memref<128x128xf32, #tpu.memory_space<vmem>>[vector<16xi32>, vector<16xi32>], vector<16xf32>,
          tpu.vector_store_idx %arg6[%add3A_418, %add3A_512], %gather3A_518 : memref<64x130xf32, #tpu.memory_space<vmem>>[vector<16xi32>, vector<16xi32>], vector<16xf32>,
          %gather3A_519 = tpu.vector_load_idx %arg5[%add3A_511, %add3A_29] : memref<128x128xf32, #tpu.memory_space<vmem>>[vector<16xi32>, vector<16xi32>], vector<16xf32>,
          tpu.vector_store_idx %arg6[%add3A_422, %add3A_512], %gather3A_519 : memref<64x130xf32, #tpu.memory_space<vmem>>[vector<16xi32>, vector<16xi32>], vector<16xf32>,
          %gather3A_520 = tpu.vector_load_idx %arg5[%add3A_511, %add3A_32] : memref<128x128xf32, #tpu.memory_space<vmem>>[vector<16xi32>, vector<16xi32>], vector<16xf32>,
          tpu.vector_store_idx %arg6[%add3A_426, %add3A_512], %gather3A_520 : memref<64x130xf32, #tpu.memory_space<vmem>>[vector<16xi32>, vector<16xi32>], vector<16xf32>,
        }
        %scan3A_432 = arith.constant 32 : i32
        %eq3A_433 = arith.constant 0 : i32
        %eq3A_434 = arith.cmpi eq, %rem3A_357, %eq3A_433 : i32
        %convert_element_type3A_435 = arith.extui %eq3A_434 : i1 to i32
        %cond3A_436 = arith.constant 0 : i32
        %cond3A_437 = arith.cmpi ne, %convert_element_type3A_435, %cond3A_436 : i32
        scf.if %cond3A_437 {
          %add3A_443 = arith.addi %add3A_8, %scan3A_349 : i32
          %mul3A_444 = arith.constant 32 : i32
          %mul3A_445 = arith.muli %add3A_443, %mul3A_444 : i32
          %dma_start3A = arith.constant 0 : i32
          %dma_start3A_446 = arith.constant 0 : i32
          %dma_start3A_447 = tpu.memref_slice %arg6[%dma_start3A, %dma_start3A_446] : memref<64x130xf32, #tpu.memory_space<vmem>> -> memref<32x128xf32, #tpu.memory_space<vmem>>
          %dma_start3A_448 = arith.constant 0 : i32
          %dma_start3A_449 = tpu.memref_slice %arg4[%mul3A_445, %dma_start3A_448] : memref<250000x128xf32, #tpu.memory_space<hbm>> -> memref<32x128xf32, #tpu.memory_space<hbm>>
          %dma_start3A_450 = arith.constant 0 : i32
          %dma_start3A_451 = tpu.memref_slice %arg4[%mul3A_445, %dma_start3A_450] : memref<250000x128xf32, #tpu.memory_space<hbm>> -> memref<32x128xf32, #tpu.memory_space<hbm>>
          %dma_start3A_452 = arith.constant 0 : i32
          %dma_start3A_453 = arith.constant 0 : i32
          %dma_start3A_454 = tpu.memref_slice %arg6[%dma_start3A_452, %dma_start3A_453] : memref<64x130xf32, #tpu.memory_space<vmem>> -> memref<32x128xf32, #tpu.memory_space<vmem>>
          tpu.enqueue_dma source(%dma_start3A_454 : memref<32x128xf32, #tpu.memory_space<vmem>>) target(%dma_start3A_451 : memref<32x128xf32, #tpu.memory_space<hbm>>) target_semaphore(%arg8 : memref<!tpu.dma_semaphore, #tpu.memory_space<semaphore_mem>>)
        } else {
        }
        %eq3A_438 = arith.constant 1 : i32
        %eq3A_439 = arith.cmpi eq, %rem3A_357, %eq3A_438 : i32
        %convert_element_type3A_440 = arith.extui %eq3A_439 : i1 to i32
        %cond3A_441 = arith.constant 0 : i32
        %cond3A_442 = arith.cmpi ne, %convert_element_type3A_440, %cond3A_441 : i32
        scf.if %cond3A_442 {
          %add3A_443 = arith.addi %add3A_8, %scan3A_349 : i32
          %mul3A_444 = arith.constant 32 : i32
          %mul3A_445 = arith.muli %add3A_443, %mul3A_444 : i32
          %dma_start3A = arith.constant 32 : i32
          %dma_start3A_446 = arith.constant 0 : i32
          %dma_start3A_447 = tpu.memref_slice %arg6[%dma_start3A, %dma_start3A_446] : memref<64x130xf32, #tpu.memory_space<vmem>> -> memref<32x128xf32, #tpu.memory_space<vmem>>
          %dma_start3A_448 = arith.constant 0 : i32
          %dma_start3A_449 = tpu.memref_slice %arg4[%mul3A_445, %dma_start3A_448] : memref<250000x128xf32, #tpu.memory_space<hbm>> -> memref<32x128xf32, #tpu.memory_space<hbm>>
          %dma_start3A_450 = arith.constant 0 : i32
          %dma_start3A_451 = tpu.memref_slice %arg4[%mul3A_445, %dma_start3A_450] : memref<250000x128xf32, #tpu.memory_space<hbm>> -> memref<32x128xf32, #tpu.memory_space<hbm>>
          %dma_start3A_452 = arith.constant 32 : i32
          %dma_start3A_453 = arith.constant 0 : i32
          %dma_start3A_454 = tpu.memref_slice %arg6[%dma_start3A_452, %dma_start3A_453] : memref<64x130xf32, #tpu.memory_space<vmem>> -> memref<32x128xf32, #tpu.memory_space<vmem>>
          tpu.enqueue_dma source(%dma_start3A_454 : memref<32x128xf32, #tpu.memory_space<vmem>>) target(%dma_start3A_451 : memref<32x128xf32, #tpu.memory_space<hbm>>) target_semaphore(%arg9 : memref<!tpu.dma_semaphore, #tpu.memory_space<semaphore_mem>>)
        } else {
        }
      } else {
      }
    }
    %scan3A_321 = arith.constant 245 : i32
    %dma_wait3A = arith.constant 0 : i32
    %dma_wait3A_322 = arith.constant 0 : i32
    %dma_wait3A_323 = tpu.memref_slice %arg6[%dma_wait3A, %dma_wait3A_322] : memref<64x130xf32, #tpu.memory_space<vmem>> -> memref<32x128xf32, #tpu.memory_space<vmem>>
    %dma_wait3A_324 = arith.constant 0 : i32
    %dma_wait3A_325 = arith.constant 0 : i32
    %dma_wait3A_326 = tpu.memref_slice %arg4[%dma_wait3A_324, %dma_wait3A_325] : memref<250000x128xf32, #tpu.memory_space<hbm>> -> memref<32x128xf32, #tpu.memory_space<hbm>>
    %dma_wait3A_327 = arith.constant 0 : i32
    %dma_wait3A_328 = arith.constant 0 : i32
    %dma_wait3A_329 = tpu.memref_slice %arg4[%dma_wait3A_327, %dma_wait3A_328] : memref<250000x128xf32, #tpu.memory_space<hbm>> -> memref<32x128xf32, #tpu.memory_space<hbm>>
    %dma_wait3A_330 = arith.constant 0 : i32
    %dma_wait3A_331 = arith.constant 0 : i32
    %dma_wait3A_332 = tpu.memref_slice %arg6[%dma_wait3A_330, %dma_wait3A_331] : memref<64x130xf32, #tpu.memory_space<vmem>> -> memref<32x128xf32, #tpu.memory_space<vmem>>
    tpu.wait_dma2 semaphore(%arg8 : memref<!tpu.dma_semaphore, #tpu.memory_space<semaphore_mem>>) src(%dma_wait3A_332 : memref<32x128xf32, #tpu.memory_space<vmem>>) dst(%dma_wait3A_329 : memref<32x128xf32, #tpu.memory_space<hbm>>)
    %dma_wait3A_333 = arith.constant 0 : i32
    %dma_wait3A_334 = arith.constant 0 : i32
    %dma_wait3A_335 = tpu.memref_slice %arg6[%dma_wait3A_333, %dma_wait3A_334] : memref<64x130xf32, #tpu.memory_space<vmem>> -> memref<32x128xf32, #tpu.memory_space<vmem>>
    %dma_wait3A_336 = arith.constant 0 : i32
    %dma_wait3A_337 = arith.constant 0 : i32
    %dma_wait3A_338 = tpu.memref_slice %arg4[%dma_wait3A_336, %dma_wait3A_337] : memref<250000x128xf32, #tpu.memory_space<hbm>> -> memref<32x128xf32, #tpu.memory_space<hbm>>
    %dma_wait3A_339 = arith.constant 0 : i32
    %dma_wait3A_340 = arith.constant 0 : i32
    %dma_wait3A_341 = tpu.memref_slice %arg4[%dma_wait3A_339, %dma_wait3A_340] : memref<250000x128xf32, #tpu.memory_space<hbm>> -> memref<32x128xf32, #tpu.memory_space<hbm>>
    %dma_wait3A_342 = arith.constant 0 : i32
    %dma_wait3A_343 = arith.constant 0 : i32
    %dma_wait3A_344 = tpu.memref_slice %arg6[%dma_wait3A_342, %dma_wait3A_343] : memref<64x130xf32, #tpu.memory_space<vmem>> -> memref<32x128xf32, #tpu.memory_space<vmem>>
    tpu.wait_dma2 semaphore(%arg9 : memref<!tpu.dma_semaphore, #tpu.memory_space<semaphore_mem>>) src(%dma_wait3A_344 : memref<32x128xf32, #tpu.memory_space<vmem>>) dst(%dma_wait3A_341 : memref<32x128xf32, #tpu.memory_space<hbm>>)
    %eq3A = arith.constant 31 : i32
    %eq3A_345 = arith.cmpi eq, %add3A, %eq3A : i32
    %convert_element_type3A_346 = arith.extui %eq3A_345 : i1 to i32
    %cond3A_347 = arith.constant 0 : i32
    %cond3A_348 = arith.cmpi ne, %convert_element_type3A_346, %cond3A_347 : i32
    scf.if %cond3A_348 {
      "tpu.region"() ({
        %run_scoped3A = tpu.sem_alloc : memref<!tpu.dma_semaphore, #tpu.memory_space<semaphore_mem>>
        %dma_start3A = arith.constant 0 : i32
        %dma_start3A_349 = arith.constant 0 : i32
        %dma_start3A_350 = tpu.memref_slice %arg5[%dma_start3A, %dma_start3A_349] : memref<128x128xf32, #tpu.memory_space<vmem>> -> memref<16x128xf32, #tpu.memory_space<vmem>>
        %dma_start3A_351 = arith.constant 0 : i32
        %dma_start3A_352 = arith.constant 0 : i32
        %dma_start3A_353 = tpu.memref_slice %arg5[%dma_start3A_351, %dma_start3A_352] : memref<128x128xf32, #tpu.memory_space<vmem>> -> memref<16x128xf32, #tpu.memory_space<vmem>>
        tpu.enqueue_dma source(%arg3 : memref<16x128xf32, #tpu.memory_space<hbm>>) target(%dma_start3A_353 : memref<16x128xf32, #tpu.memory_space<vmem>>) target_semaphore(%run_scoped3A : memref<!tpu.dma_semaphore, #tpu.memory_space<semaphore_mem>>)
        %dma_wait3A_354 = arith.constant 0 : i32
        %dma_wait3A_355 = arith.constant 0 : i32
        %dma_wait3A_356 = tpu.memref_slice %arg5[%dma_wait3A_354, %dma_wait3A_355] : memref<128x128xf32, #tpu.memory_space<vmem>> -> memref<16x128xf32, #tpu.memory_space<vmem>>
        %dma_wait3A_357 = arith.constant 0 : i32
        %dma_wait3A_358 = arith.constant 0 : i32
        %dma_wait3A_359 = tpu.memref_slice %arg5[%dma_wait3A_357, %dma_wait3A_358] : memref<128x128xf32, #tpu.memory_space<vmem>> -> memref<16x128xf32, #tpu.memory_space<vmem>>
        tpu.wait_dma2 semaphore(%run_scoped3A : memref<!tpu.dma_semaphore, #tpu.memory_space<semaphore_mem>>) src(%arg3 : memref<16x128xf32, #tpu.memory_space<hbm>>) dst(%dma_wait3A_359 : memref<16x128xf32, #tpu.memory_space<vmem>>)
        tpu.yield
      }) : () -> ()
      "tpu.region"() ({
        %run_scoped3A = tpu.sem_alloc : memref<!tpu.dma_semaphore, #tpu.memory_space<semaphore_mem>>
        %dma_start3A = arith.constant 0 : i32
        %dma_start3A_349 = arith.constant 0 : i32
        %dma_start3A_350 = tpu.memref_slice %arg5[%dma_start3A, %dma_start3A_349] : memref<128x128xf32, #tpu.memory_space<vmem>> -> memref<16x128xf32, #tpu.memory_space<vmem>>
        %dma_start3A_351 = arith.constant 249984 : i32
        %dma_start3A_352 = arith.constant 0 : i32
        %dma_start3A_353 = tpu.memref_slice %arg4[%dma_start3A_351, %dma_start3A_352] : memref<250000x128xf32, #tpu.memory_space<hbm>> -> memref<16x128xf32, #tpu.memory_space<hbm>>
        %dma_start3A_354 = arith.constant 249984 : i32
        %dma_start3A_355 = arith.constant 0 : i32
        %dma_start3A_356 = tpu.memref_slice %arg4[%dma_start3A_354, %dma_start3A_355] : memref<250000x128xf32, #tpu.memory_space<hbm>> -> memref<16x128xf32, #tpu.memory_space<hbm>>
        %dma_start3A_357 = arith.constant 0 : i32
        %dma_start3A_358 = arith.constant 0 : i32
        %dma_start3A_359 = tpu.memref_slice %arg5[%dma_start3A_357, %dma_start3A_358] : memref<128x128xf32, #tpu.memory_space<vmem>> -> memref<16x128xf32, #tpu.memory_space<vmem>>
        tpu.enqueue_dma source(%dma_start3A_359 : memref<16x128xf32, #tpu.memory_space<vmem>>) target(%dma_start3A_356 : memref<16x128xf32, #tpu.memory_space<hbm>>) target_semaphore(%run_scoped3A : memref<!tpu.dma_semaphore, #tpu.memory_space<semaphore_mem>>)
        %dma_wait3A_360 = arith.constant 0 : i32
        %dma_wait3A_361 = arith.constant 0 : i32
        %dma_wait3A_362 = tpu.memref_slice %arg5[%dma_wait3A_360, %dma_wait3A_361] : memref<128x128xf32, #tpu.memory_space<vmem>> -> memref<16x128xf32, #tpu.memory_space<vmem>>
        %dma_wait3A_363 = arith.constant 249984 : i32
        %dma_wait3A_364 = arith.constant 0 : i32
        %dma_wait3A_365 = tpu.memref_slice %arg4[%dma_wait3A_363, %dma_wait3A_364] : memref<250000x128xf32, #tpu.memory_space<hbm>> -> memref<16x128xf32, #tpu.memory_space<hbm>>
        %dma_wait3A_366 = arith.constant 249984 : i32
        %dma_wait3A_367 = arith.constant 0 : i32
        %dma_wait3A_368 = tpu.memref_slice %arg4[%dma_wait3A_366, %dma_wait3A_367] : memref<250000x128xf32, #tpu.memory_space<hbm>> -> memref<16x128xf32, #tpu.memory_space<hbm>>
        %dma_wait3A_369 = arith.constant 0 : i32
        %dma_wait3A_370 = arith.constant 0 : i32
        %dma_wait3A_371 = tpu.memref_slice %arg5[%dma_wait3A_369, %dma_wait3A_370] : memref<128x128xf32, #tpu.memory_space<vmem>> -> memref<16x128xf32, #tpu.memory_space<vmem>>
        tpu.wait_dma2 semaphore(%run_scoped3A : memref<!tpu.dma_semaphore, #tpu.memory_space<semaphore_mem>>) src(%dma_wait3A_371 : memref<16x128xf32, #tpu.memory_space<vmem>>) dst(%dma_wait3A_368 : memref<16x128xf32, #tpu.memory_space<hbm>>)
        tpu.yield
      }) : () -> ()
    } else {
    }
    return
  }
}

#map = affine_map<(d0, d1) -> (0)>
#map1 = affine_map<(d0, d1) -> (0, 0)>
#map2 = affine_map<(d0, d1) -> (0, 0, 0, 0, 0)>
module attributes {stable_mosaic.version = 14 : i64} {
  func.func @g_kernel(%arg0: i32, %arg1: i32, %arg2: memref<819200xi32, #tpu.memory_space<hbm>>, %arg3: memref<1000000x32xf32, #tpu.memory_space<hbm>>, %arg4: memref<200x4x32x8x128xf32, #tpu.memory_space<hbm>>, %arg5: memref<25600xi32, #tpu.memory_space<vmem>>, %arg6: memref<768x32xf32, #tpu.memory_space<vmem>>, %arg7: memref<64x130xf32, #tpu.memory_space<vmem>>, %arg8: memref<6x!tpu.dma_semaphore, #tpu.memory_space<semaphore_mem>>, %arg9: memref<!tpu.dma_semaphore, #tpu.memory_space<semaphore_mem>>, %arg10: memref<!tpu.dma_semaphore, #tpu.memory_space<semaphore_mem>>) attributes {dimension_semantics = [#tpu.dimension_semantics<core_parallel>, #tpu.dimension_semantics<subcore_parallel>], iteration_bounds = array<i64: 2, 16>, scalar_prefetch = 0 : i64, scratch_operands = 6 : i64, tpu.core_type = #tpu.core_type<sc_vector_subcore>, window_params = [{transform_indices = #map}, {transform_indices = #map1}, {transform_indices = #map2}]} {
    %mul3A = arith.constant 2 : i32
    %mul3A_0 = arith.muli %arg1, %mul3A : i32
    %add3A = arith.addi %mul3A_0, %arg0 : i32
    %mul3A_1 = arith.constant 200 : i32
    %mul3A_2 = arith.muli %add3A, %mul3A_1 : i32
    %iota3A = tpu.iota {dimensions = array<i32: 0>} : vector<16xi32>
    %add3A_3 = arith.constant 0 : i32
    %add3A_4 = vector.broadcast %add3A_3 : i32 to vector<16xi32>
    %add3A_5 = arith.addi %add3A_4, %iota3A : vector<16xi32>
    %add3A_6 = arith.constant 16 : i32
    %add3A_7 = vector.broadcast %add3A_6 : i32 to vector<16xi32>
    %add3A_8 = arith.addi %add3A_7, %iota3A : vector<16xi32>
    %add3A_9 = arith.constant 32 : i32
    %add3A_10 = vector.broadcast %add3A_9 : i32 to vector<16xi32>
    %add3A_11 = arith.addi %add3A_10, %iota3A : vector<16xi32>
    %add3A_12 = arith.constant 48 : i32
    %add3A_13 = vector.broadcast %add3A_12 : i32 to vector<16xi32>
    %add3A_14 = arith.addi %add3A_13, %iota3A : vector<16xi32>
    %add3A_15 = arith.constant 64 : i32
    %add3A_16 = vector.broadcast %add3A_15 : i32 to vector<16xi32>
    %add3A_17 = arith.addi %add3A_16, %iota3A : vector<16xi32>
    %add3A_18 = arith.constant 80 : i32
    %add3A_19 = vector.broadcast %add3A_18 : i32 to vector<16xi32>
    %add3A_20 = arith.addi %add3A_19, %iota3A : vector<16xi32>
    %add3A_21 = arith.constant 96 : i32
    %add3A_22 = vector.broadcast %add3A_21 : i32 to vector<16xi32>
    %add3A_23 = arith.addi %add3A_22, %iota3A : vector<16xi32>
    %add3A_24 = arith.constant 112 : i32
    %add3A_25 = vector.broadcast %add3A_24 : i32 to vector<16xi32>
    %add3A_26 = arith.addi %add3A_25, %iota3A : vector<16xi32>
    %mul3A_27 = arith.constant 128 : i32
    %mul3A_28 = arith.muli %mul3A_2, %mul3A_27 : i32
    "tpu.region"() ({
      %run_scoped3A = tpu.sem_alloc : memref<!tpu.dma_semaphore, #tpu.memory_space<semaphore_mem>>
      %dma_start3A_237 = tpu.memref_slice %arg2[%mul3A_28] : memref<819200xi32, #tpu.memory_space<hbm>> -> memref<25600xi32, #tpu.memory_space<hbm>>
      %dma_start3A_238 = tpu.memref_slice %arg2[%mul3A_28] : memref<819200xi32, #tpu.memory_space<hbm>> -> memref<25600xi32, #tpu.memory_space<hbm>>
      tpu.enqueue_dma source(%dma_start3A_238 : memref<25600xi32, #tpu.memory_space<hbm>>) target(%arg5 : memref<25600xi32, #tpu.memory_space<vmem>>) target_semaphore(%run_scoped3A : memref<!tpu.dma_semaphore, #tpu.memory_space<semaphore_mem>>)
      %dma_wait3A_239 = tpu.memref_slice %arg2[%mul3A_28] : memref<819200xi32, #tpu.memory_space<hbm>> -> memref<25600xi32, #tpu.memory_space<hbm>>
      %dma_wait3A_240 = tpu.memref_slice %arg2[%mul3A_28] : memref<819200xi32, #tpu.memory_space<hbm>> -> memref<25600xi32, #tpu.memory_space<hbm>>
      tpu.wait_dma2 semaphore(%run_scoped3A : memref<!tpu.dma_semaphore, #tpu.memory_space<semaphore_mem>>) src(%dma_wait3A_240 : memref<25600xi32, #tpu.memory_space<hbm>>) dst(%arg5 : memref<25600xi32, #tpu.memory_space<vmem>>)
      tpu.yield
    }) : () -> ()
    %rem3A = arith.constant 0 : i32
    %rem3A_29 = arith.constant 6 : i32
    %rem3A_30 = arith.remsi %rem3A, %rem3A_29 : i32
    %mul3A_31 = arith.constant 128 : i32
    %mul3A_32 = arith.muli %rem3A_30, %mul3A_31 : i32
    %dma_start3A = arith.constant 0 : i32
    %dma_start3A_33 = tpu.memref_slice %arg6[%mul3A_32, %dma_start3A] : memref<768x32xf32, #tpu.memory_space<vmem>> -> memref<128x32xf32, #tpu.memory_space<vmem>>
    %dma_start3A_34 = arith.constant 0 : i32
    %dma_start3A_35 = tpu.memref_slice %arg5[%dma_start3A_34] : memref<25600xi32, #tpu.memory_space<vmem>> -> memref<128xi32, #tpu.memory_space<vmem>>
    %dma_start3A_36 = arith.constant 0 : i32
    %dma_start3A_37 = arith.constant 0 : i32
    %dma_start3A_38 = tpu.memref_slice %arg3[%dma_start3A_36, %dma_start3A_37] : memref<1000000x32xf32, #tpu.memory_space<hbm>> -> memref<1000000x32xf32, #tpu.memory_space<hbm>>
    %dma_start3A_39 = tpu.memref_slice %arg8[%rem3A_30] : memref<6x!tpu.dma_semaphore, #tpu.memory_space<semaphore_mem>> -> memref<1x!tpu.dma_semaphore, #tpu.memory_space<semaphore_mem>>
    %dma_start3A_40 = tpu.memref_squeeze %dma_start3A_39 : memref<1x!tpu.dma_semaphore, #tpu.memory_space<semaphore_mem>> -> memref<!tpu.dma_semaphore, #tpu.memory_space<semaphore_mem>>
    tpu.enqueue_indirect_dma source(%dma_start3A_38 : memref<1000000x32xf32, #tpu.memory_space<hbm>>) target(%dma_start3A_33 : memref<128x32xf32, #tpu.memory_space<vmem>>) offsets(%dma_start3A_35 : memref<128xi32, #tpu.memory_space<vmem>>) semaphore(%dma_start3A_40 : memref<!tpu.dma_semaphore, #tpu.memory_space<semaphore_mem>>)
    %rem3A_41 = arith.constant 1 : i32
    %rem3A_42 = arith.constant 6 : i32
    %rem3A_43 = arith.remsi %rem3A_41, %rem3A_42 : i32
    %mul3A_44 = arith.constant 128 : i32
    %mul3A_45 = arith.muli %rem3A_43, %mul3A_44 : i32
    %dma_start3A_46 = arith.constant 0 : i32
    %dma_start3A_47 = tpu.memref_slice %arg6[%mul3A_45, %dma_start3A_46] : memref<768x32xf32, #tpu.memory_space<vmem>> -> memref<128x32xf32, #tpu.memory_space<vmem>>
    %dma_start3A_48 = arith.constant 128 : i32
    %dma_start3A_49 = tpu.memref_slice %arg5[%dma_start3A_48] : memref<25600xi32, #tpu.memory_space<vmem>> -> memref<128xi32, #tpu.memory_space<vmem>>
    %dma_start3A_50 = arith.constant 0 : i32
    %dma_start3A_51 = arith.constant 0 : i32
    %dma_start3A_52 = tpu.memref_slice %arg3[%dma_start3A_50, %dma_start3A_51] : memref<1000000x32xf32, #tpu.memory_space<hbm>> -> memref<1000000x32xf32, #tpu.memory_space<hbm>>
    %dma_start3A_53 = tpu.memref_slice %arg8[%rem3A_43] : memref<6x!tpu.dma_semaphore, #tpu.memory_space<semaphore_mem>> -> memref<1x!tpu.dma_semaphore, #tpu.memory_space<semaphore_mem>>
    %dma_start3A_54 = tpu.memref_squeeze %dma_start3A_53 : memref<1x!tpu.dma_semaphore, #tpu.memory_space<semaphore_mem>> -> memref<!tpu.dma_semaphore, #tpu.memory_space<semaphore_mem>>
    tpu.enqueue_indirect_dma source(%dma_start3A_52 : memref<1000000x32xf32, #tpu.memory_space<hbm>>) target(%dma_start3A_47 : memref<128x32xf32, #tpu.memory_space<vmem>>) offsets(%dma_start3A_49 : memref<128xi32, #tpu.memory_space<vmem>>) semaphore(%dma_start3A_54 : memref<!tpu.dma_semaphore, #tpu.memory_space<semaphore_mem>>)
    %rem3A_55 = arith.constant 2 : i32
    %rem3A_56 = arith.constant 6 : i32
    %rem3A_57 = arith.remsi %rem3A_55, %rem3A_56 : i32
    %mul3A_58 = arith.constant 128 : i32
    %mul3A_59 = arith.muli %rem3A_57, %mul3A_58 : i32
    %dma_start3A_60 = arith.constant 0 : i32
    %dma_start3A_61 = tpu.memref_slice %arg6[%mul3A_59, %dma_start3A_60] : memref<768x32xf32, #tpu.memory_space<vmem>> -> memref<128x32xf32, #tpu.memory_space<vmem>>
    %dma_start3A_62 = arith.constant 256 : i32
    %dma_start3A_63 = tpu.memref_slice %arg5[%dma_start3A_62] : memref<25600xi32, #tpu.memory_space<vmem>> -> memref<128xi32, #tpu.memory_space<vmem>>
    %dma_start3A_64 = arith.constant 0 : i32
    %dma_start3A_65 = arith.constant 0 : i32
    %dma_start3A_66 = tpu.memref_slice %arg3[%dma_start3A_64, %dma_start3A_65] : memref<1000000x32xf32, #tpu.memory_space<hbm>> -> memref<1000000x32xf32, #tpu.memory_space<hbm>>
    %dma_start3A_67 = tpu.memref_slice %arg8[%rem3A_57] : memref<6x!tpu.dma_semaphore, #tpu.memory_space<semaphore_mem>> -> memref<1x!tpu.dma_semaphore, #tpu.memory_space<semaphore_mem>>
    %dma_start3A_68 = tpu.memref_squeeze %dma_start3A_67 : memref<1x!tpu.dma_semaphore, #tpu.memory_space<semaphore_mem>> -> memref<!tpu.dma_semaphore, #tpu.memory_space<semaphore_mem>>
    tpu.enqueue_indirect_dma source(%dma_start3A_66 : memref<1000000x32xf32, #tpu.memory_space<hbm>>) target(%dma_start3A_61 : memref<128x32xf32, #tpu.memory_space<vmem>>) offsets(%dma_start3A_63 : memref<128xi32, #tpu.memory_space<vmem>>) semaphore(%dma_start3A_68 : memref<!tpu.dma_semaphore, #tpu.memory_space<semaphore_mem>>)
    %rem3A_69 = arith.constant 3 : i32
    %rem3A_70 = arith.constant 6 : i32
    %rem3A_71 = arith.remsi %rem3A_69, %rem3A_70 : i32
    %mul3A_72 = arith.constant 128 : i32
    %mul3A_73 = arith.muli %rem3A_71, %mul3A_72 : i32
    %dma_start3A_74 = arith.constant 0 : i32
    %dma_start3A_75 = tpu.memref_slice %arg6[%mul3A_73, %dma_start3A_74] : memref<768x32xf32, #tpu.memory_space<vmem>> -> memref<128x32xf32, #tpu.memory_space<vmem>>
    %dma_start3A_76 = arith.constant 384 : i32
    %dma_start3A_77 = tpu.memref_slice %arg5[%dma_start3A_76] : memref<25600xi32, #tpu.memory_space<vmem>> -> memref<128xi32, #tpu.memory_space<vmem>>
    %dma_start3A_78 = arith.constant 0 : i32
    %dma_start3A_79 = arith.constant 0 : i32
    %dma_start3A_80 = tpu.memref_slice %arg3[%dma_start3A_78, %dma_start3A_79] : memref<1000000x32xf32, #tpu.memory_space<hbm>> -> memref<1000000x32xf32, #tpu.memory_space<hbm>>
    %dma_start3A_81 = tpu.memref_slice %arg8[%rem3A_71] : memref<6x!tpu.dma_semaphore, #tpu.memory_space<semaphore_mem>> -> memref<1x!tpu.dma_semaphore, #tpu.memory_space<semaphore_mem>>
    %dma_start3A_82 = tpu.memref_squeeze %dma_start3A_81 : memref<1x!tpu.dma_semaphore, #tpu.memory_space<semaphore_mem>> -> memref<!tpu.dma_semaphore, #tpu.memory_space<semaphore_mem>>
    tpu.enqueue_indirect_dma source(%dma_start3A_80 : memref<1000000x32xf32, #tpu.memory_space<hbm>>) target(%dma_start3A_75 : memref<128x32xf32, #tpu.memory_space<vmem>>) offsets(%dma_start3A_77 : memref<128xi32, #tpu.memory_space<vmem>>) semaphore(%dma_start3A_82 : memref<!tpu.dma_semaphore, #tpu.memory_space<semaphore_mem>>)
    %rem3A_83 = arith.constant 4 : i32
    %rem3A_84 = arith.constant 6 : i32
    %rem3A_85 = arith.remsi %rem3A_83, %rem3A_84 : i32
    %mul3A_86 = arith.constant 128 : i32
    %mul3A_87 = arith.muli %rem3A_85, %mul3A_86 : i32
    %dma_start3A_88 = arith.constant 0 : i32
    %dma_start3A_89 = tpu.memref_slice %arg6[%mul3A_87, %dma_start3A_88] : memref<768x32xf32, #tpu.memory_space<vmem>> -> memref<128x32xf32, #tpu.memory_space<vmem>>
    %dma_start3A_90 = arith.constant 512 : i32
    %dma_start3A_91 = tpu.memref_slice %arg5[%dma_start3A_90] : memref<25600xi32, #tpu.memory_space<vmem>> -> memref<128xi32, #tpu.memory_space<vmem>>
    %dma_start3A_92 = arith.constant 0 : i32
    %dma_start3A_93 = arith.constant 0 : i32
    %dma_start3A_94 = tpu.memref_slice %arg3[%dma_start3A_92, %dma_start3A_93] : memref<1000000x32xf32, #tpu.memory_space<hbm>> -> memref<1000000x32xf32, #tpu.memory_space<hbm>>
    %dma_start3A_95 = tpu.memref_slice %arg8[%rem3A_85] : memref<6x!tpu.dma_semaphore, #tpu.memory_space<semaphore_mem>> -> memref<1x!tpu.dma_semaphore, #tpu.memory_space<semaphore_mem>>
    %dma_start3A_96 = tpu.memref_squeeze %dma_start3A_95 : memref<1x!tpu.dma_semaphore, #tpu.memory_space<semaphore_mem>> -> memref<!tpu.dma_semaphore, #tpu.memory_space<semaphore_mem>>
    tpu.enqueue_indirect_dma source(%dma_start3A_94 : memref<1000000x32xf32, #tpu.memory_space<hbm>>) target(%dma_start3A_89 : memref<128x32xf32, #tpu.memory_space<vmem>>) offsets(%dma_start3A_91 : memref<128xi32, #tpu.memory_space<vmem>>) semaphore(%dma_start3A_96 : memref<!tpu.dma_semaphore, #tpu.memory_space<semaphore_mem>>)
    %scan3A = arith.constant 0 : i32
    %scan3A_97 = arith.constant 0 : i32
    %scan3A_98 = arith.constant 200 : i32
    %scan3A_99 = arith.addi %scan3A_97, %scan3A_98 : i32
    %scan3A_100 = arith.constant 1 : i32
    scf.for %scan3A_237 = %scan3A_97 to %scan3A_99 step %scan3A_100  : i32 {
      %rem3A_238 = arith.constant 6 : i32
      %rem3A_239 = arith.remsi %scan3A_237, %rem3A_238 : i32
      %rem3A_240 = arith.constant 2 : i32
      %rem3A_241 = arith.remsi %scan3A_237, %rem3A_240 : i32
      %add3A_242 = arith.addi %mul3A_2, %scan3A_237 : i32
      %jit3A = arith.constant 32 : i32
      %div3A = arith.divsi %add3A_242, %jit3A : i32
      %sign3A = arith.constant 0 : i32
      %sign3A_243 = arith.cmpi sgt, %add3A_242, %sign3A : i32
      %sign3A_244 = arith.extui %sign3A_243 : i1 to i32
      %sign3A_245 = arith.constant 0 : i32
      %sign3A_246 = arith.cmpi slt, %add3A_242, %sign3A_245 : i32
      %sign3A_247 = arith.extui %sign3A_246 : i1 to i32
      %sign3A_248 = arith.subi %sign3A_244, %sign3A_247 : i32
      %sign3A_249 = arith.constant 0 : i32
      %sign3A_250 = arith.cmpi sgt, %jit3A, %sign3A_249 : i32
      %sign3A_251 = arith.extui %sign3A_250 : i1 to i32
      %sign3A_252 = arith.constant 0 : i32
      %sign3A_253 = arith.cmpi slt, %jit3A, %sign3A_252 : i32
      %sign3A_254 = arith.extui %sign3A_253 : i1 to i32
      %sign3A_255 = arith.subi %sign3A_251, %sign3A_254 : i32
      %ne3A = arith.cmpi ne, %sign3A_248, %sign3A_255 : i32
      %rem3A_256 = arith.remsi %add3A_242, %jit3A : i32
      %ne3A_257 = arith.constant 0 : i32
      %ne3A_258 = arith.cmpi ne, %rem3A_256, %ne3A_257 : i32
      %and3A = arith.andi %ne3A, %ne3A_258 : i1
      %sub3A = arith.constant 1 : i32
      %sub3A_259 = arith.subi %div3A, %sub3A : i32
      %select_n3A = arith.select %and3A, %sub3A_259, %div3A : i32
      %rem3A_260 = arith.constant 32 : i32
      %rem3A_261 = arith.remsi %add3A_242, %rem3A_260 : i32
      %dma_wait3A_262 = arith.constant 0 : i32
      %dma_wait3A_263 = arith.constant 0 : i32
      %dma_wait3A_264 = tpu.memref_slice %arg6[%dma_wait3A_262, %dma_wait3A_263] : memref<768x32xf32, #tpu.memory_space<vmem>> -> memref<128x32xf32, #tpu.memory_space<vmem>>
      %dma_wait3A_265 = arith.constant 0 : i32
      %dma_wait3A_266 = tpu.memref_slice %arg5[%dma_wait3A_265] : memref<25600xi32, #tpu.memory_space<vmem>> -> memref<128xi32, #tpu.memory_space<vmem>>
      %dma_wait3A_267 = arith.constant 0 : i32
      %dma_wait3A_268 = arith.constant 0 : i32
      %dma_wait3A_269 = tpu.memref_slice %arg3[%dma_wait3A_267, %dma_wait3A_268] : memref<1000000x32xf32, #tpu.memory_space<hbm>> -> memref<1000000x32xf32, #tpu.memory_space<hbm>>
      %dma_wait3A_270 = tpu.memref_slice %arg8[%rem3A_239] : memref<6x!tpu.dma_semaphore, #tpu.memory_space<semaphore_mem>> -> memref<1x!tpu.dma_semaphore, #tpu.memory_space<semaphore_mem>>
      %dma_wait3A_271 = tpu.memref_squeeze %dma_wait3A_270 : memref<1x!tpu.dma_semaphore, #tpu.memory_space<semaphore_mem>> -> memref<!tpu.dma_semaphore, #tpu.memory_space<semaphore_mem>>
      tpu.wait_indirect_dma semaphore(%dma_wait3A_271 : memref<!tpu.dma_semaphore, #tpu.memory_space<semaphore_mem>>) src(%dma_wait3A_269 : memref<1000000x32xf32, #tpu.memory_space<hbm>>) dst(%dma_wait3A_264 : memref<128x32xf32, #tpu.memory_space<vmem>>)
      %add3A_272 = arith.constant 6 : i32
      %add3A_273 = arith.addi %scan3A_237, %add3A_272 : i32
      %sub3A_274 = arith.constant 1 : i32
      %sub3A_275 = arith.subi %add3A_273, %sub3A_274 : i32
      %lt3A = arith.constant 200 : i32
      %lt3A_276 = arith.cmpi slt, %sub3A_275, %lt3A : i32
      %convert_element_type3A = arith.extui %lt3A_276 : i1 to i32
      %cond3A = arith.constant 0 : i32
      %cond3A_277 = arith.cmpi ne, %convert_element_type3A, %cond3A : i32
      scf.if %cond3A_277 {
        %add3A_340 = arith.constant 6 : i32
        %add3A_341 = arith.addi %scan3A_237, %add3A_340 : i32
        %sub3A_342 = arith.constant 1 : i32
        %sub3A_343 = arith.subi %add3A_341, %sub3A_342 : i32
        %rem3A_344 = arith.constant 6 : i32
        %rem3A_345 = arith.remsi %sub3A_343, %rem3A_344 : i32
        %mul3A_346 = arith.constant 128 : i32
        %mul3A_347 = arith.muli %sub3A_343, %mul3A_346 : i32
        %mul3A_348 = arith.constant 128 : i32
        %mul3A_349 = arith.muli %rem3A_345, %mul3A_348 : i32
        %dma_start3A_350 = arith.constant 0 : i32
        %dma_start3A_351 = tpu.memref_slice %arg6[%mul3A_349, %dma_start3A_350] : memref<768x32xf32, #tpu.memory_space<vmem>> -> memref<128x32xf32, #tpu.memory_space<vmem>>
        %dma_start3A_352 = tpu.memref_slice %arg5[%mul3A_347] : memref<25600xi32, #tpu.memory_space<vmem>> -> memref<128xi32, #tpu.memory_space<vmem>>
        %dma_start3A_353 = arith.constant 0 : i32
        %dma_start3A_354 = arith.constant 0 : i32
        %dma_start3A_355 = tpu.memref_slice %arg3[%dma_start3A_353, %dma_start3A_354] : memref<1000000x32xf32, #tpu.memory_space<hbm>> -> memref<1000000x32xf32, #tpu.memory_space<hbm>>
        %dma_start3A_356 = tpu.memref_slice %arg8[%rem3A_345] : memref<6x!tpu.dma_semaphore, #tpu.memory_space<semaphore_mem>> -> memref<1x!tpu.dma_semaphore, #tpu.memory_space<semaphore_mem>>
        %dma_start3A_357 = tpu.memref_squeeze %dma_start3A_356 : memref<1x!tpu.dma_semaphore, #tpu.memory_space<semaphore_mem>> -> memref<!tpu.dma_semaphore, #tpu.memory_space<semaphore_mem>>
        tpu.enqueue_indirect_dma source(%dma_start3A_355 : memref<1000000x32xf32, #tpu.memory_space<hbm>>) target(%dma_start3A_351 : memref<128x32xf32, #tpu.memory_space<vmem>>) offsets(%dma_start3A_352 : memref<128xi32, #tpu.memory_space<vmem>>) semaphore(%dma_start3A_357 : memref<!tpu.dma_semaphore, #tpu.memory_space<semaphore_mem>>)
      } else {
      }
      %ge3A = arith.constant 2 : i32
      %ge3A_278 = arith.cmpi sge, %scan3A_237, %ge3A : i32
      %eq3A = arith.constant 0 : i32
      %eq3A_279 = arith.cmpi eq, %rem3A_241, %eq3A : i32
      %and3A_280 = arith.andi %ge3A_278, %eq3A_279 : i1
      %convert_element_type3A_281 = arith.extui %and3A_280 : i1 to i32
      %cond3A_282 = arith.constant 0 : i32
      %cond3A_283 = arith.cmpi ne, %convert_element_type3A_281, %cond3A_282 : i32
      scf.if %cond3A_283 {
        %dma_wait3A_340 = arith.constant 0 : i32
        %dma_wait3A_341 = arith.constant 0 : i32
        %dma_wait3A_342 = arith.constant 0 : i32
        %dma_wait3A_343 = arith.constant 0 : i32
        %dma_wait3A_344 = arith.constant 0 : i32
        %dma_wait3A_345 = tpu.memref_slice %arg7[%dma_wait3A_343, %dma_wait3A_344] : memref<64x130xf32, #tpu.memory_space<vmem>> -> memref<8x128xf32, #tpu.memory_space<vmem>>
        %dma_wait3A_346 = arith.constant 0 : i32
        %dma_wait3A_347 = arith.constant 0 : i32
        %dma_wait3A_348 = tpu.memref_slice %arg4[%dma_wait3A_340, %dma_wait3A_341, %dma_wait3A_342, %dma_wait3A_346, %dma_wait3A_347] : memref<200x4x32x8x128xf32, #tpu.memory_space<hbm>> -> memref<1x1x1x8x128xf32, #tpu.memory_space<hbm>>
        %dma_wait3A_349 = tpu.memref_squeeze %dma_wait3A_348 : memref<1x1x1x8x128xf32, #tpu.memory_space<hbm>> -> memref<8x128xf32, #tpu.memory_space<hbm>>
        %dma_wait3A_350 = arith.constant 0 : i32
        %dma_wait3A_351 = arith.constant 0 : i32
        %dma_wait3A_352 = tpu.memref_slice %arg4[%dma_wait3A_340, %dma_wait3A_341, %dma_wait3A_342, %dma_wait3A_350, %dma_wait3A_351] : memref<200x4x32x8x128xf32, #tpu.memory_space<hbm>> -> memref<1x1x1x8x128xf32, #tpu.memory_space<hbm>>
        %dma_wait3A_353 = tpu.memref_squeeze %dma_wait3A_352 : memref<1x1x1x8x128xf32, #tpu.memory_space<hbm>> -> memref<8x128xf32, #tpu.memory_space<hbm>>
        %dma_wait3A_354 = arith.constant 0 : i32
        %dma_wait3A_355 = arith.constant 0 : i32
        %dma_wait3A_356 = tpu.memref_slice %arg7[%dma_wait3A_354, %dma_wait3A_355] : memref<64x130xf32, #tpu.memory_space<vmem>> -> memref<8x128xf32, #tpu.memory_space<vmem>>
        tpu.wait_dma2 semaphore(%arg9 : memref<!tpu.dma_semaphore, #tpu.memory_space<semaphore_mem>>) src(%dma_wait3A_356 : memref<8x128xf32, #tpu.memory_space<vmem>>) dst(%dma_wait3A_353 : memref<8x128xf32, #tpu.memory_space<hbm>>)
        %dma_wait3A_357 = arith.constant 0 : i32
        %dma_wait3A_358 = arith.constant 1 : i32
        %dma_wait3A_359 = arith.constant 0 : i32
        %dma_wait3A_360 = arith.constant 0 : i32
        %dma_wait3A_361 = arith.constant 0 : i32
        %dma_wait3A_362 = tpu.memref_slice %arg7[%dma_wait3A_360, %dma_wait3A_361] : memref<64x130xf32, #tpu.memory_space<vmem>> -> memref<8x128xf32, #tpu.memory_space<vmem>>
        %dma_wait3A_363 = arith.constant 0 : i32
        %dma_wait3A_364 = arith.constant 0 : i32
        %dma_wait3A_365 = tpu.memref_slice %arg4[%dma_wait3A_357, %dma_wait3A_358, %dma_wait3A_359, %dma_wait3A_363, %dma_wait3A_364] : memref<200x4x32x8x128xf32, #tpu.memory_space<hbm>> -> memref<1x1x1x8x128xf32, #tpu.memory_space<hbm>>
        %dma_wait3A_366 = tpu.memref_squeeze %dma_wait3A_365 : memref<1x1x1x8x128xf32, #tpu.memory_space<hbm>> -> memref<8x128xf32, #tpu.memory_space<hbm>>
        %dma_wait3A_367 = arith.constant 0 : i32
        %dma_wait3A_368 = arith.constant 0 : i32
        %dma_wait3A_369 = tpu.memref_slice %arg4[%dma_wait3A_357, %dma_wait3A_358, %dma_wait3A_359, %dma_wait3A_367, %dma_wait3A_368] : memref<200x4x32x8x128xf32, #tpu.memory_space<hbm>> -> memref<1x1x1x8x128xf32, #tpu.memory_space<hbm>>
        %dma_wait3A_370 = tpu.memref_squeeze %dma_wait3A_369 : memref<1x1x1x8x128xf32, #tpu.memory_space<hbm>> -> memref<8x128xf32, #tpu.memory_space<hbm>>
        %dma_wait3A_371 = arith.constant 0 : i32
        %dma_wait3A_372 = arith.constant 0 : i32
        %dma_wait3A_373 = tpu.memref_slice %arg7[%dma_wait3A_371, %dma_wait3A_372] : memref<64x130xf32, #tpu.memory_space<vmem>> -> memref<8x128xf32, #tpu.memory_space<vmem>>
        tpu.wait_dma2 semaphore(%arg9 : memref<!tpu.dma_semaphore, #tpu.memory_space<semaphore_mem>>) src(%dma_wait3A_373 : memref<8x128xf32, #tpu.memory_space<vmem>>) dst(%dma_wait3A_370 : memref<8x128xf32, #tpu.memory_space<hbm>>)
        %dma_wait3A_374 = arith.constant 0 : i32
        %dma_wait3A_375 = arith.constant 2 : i32
        %dma_wait3A_376 = arith.constant 0 : i32
        %dma_wait3A_377 = arith.constant 0 : i32
        %dma_wait3A_378 = arith.constant 0 : i32
        %dma_wait3A_379 = tpu.memref_slice %arg7[%dma_wait3A_377, %dma_wait3A_378] : memref<64x130xf32, #tpu.memory_space<vmem>> -> memref<8x128xf32, #tpu.memory_space<vmem>>
        %dma_wait3A_380 = arith.constant 0 : i32
        %dma_wait3A_381 = arith.constant 0 : i32
        %dma_wait3A_382 = tpu.memref_slice %arg4[%dma_wait3A_374, %dma_wait3A_375, %dma_wait3A_376, %dma_wait3A_380, %dma_wait3A_381] : memref<200x4x32x8x128xf32, #tpu.memory_space<hbm>> -> memref<1x1x1x8x128xf32, #tpu.memory_space<hbm>>
        %dma_wait3A_383 = tpu.memref_squeeze %dma_wait3A_382 : memref<1x1x1x8x128xf32, #tpu.memory_space<hbm>> -> memref<8x128xf32, #tpu.memory_space<hbm>>
        %dma_wait3A_384 = arith.constant 0 : i32
        %dma_wait3A_385 = arith.constant 0 : i32
        %dma_wait3A_386 = tpu.memref_slice %arg4[%dma_wait3A_374, %dma_wait3A_375, %dma_wait3A_376, %dma_wait3A_384, %dma_wait3A_385] : memref<200x4x32x8x128xf32, #tpu.memory_space<hbm>> -> memref<1x1x1x8x128xf32, #tpu.memory_space<hbm>>
        %dma_wait3A_387 = tpu.memref_squeeze %dma_wait3A_386 : memref<1x1x1x8x128xf32, #tpu.memory_space<hbm>> -> memref<8x128xf32, #tpu.memory_space<hbm>>
        %dma_wait3A_388 = arith.constant 0 : i32
        %dma_wait3A_389 = arith.constant 0 : i32
        %dma_wait3A_390 = tpu.memref_slice %arg7[%dma_wait3A_388, %dma_wait3A_389] : memref<64x130xf32, #tpu.memory_space<vmem>> -> memref<8x128xf32, #tpu.memory_space<vmem>>
        tpu.wait_dma2 semaphore(%arg9 : memref<!tpu.dma_semaphore, #tpu.memory_space<semaphore_mem>>) src(%dma_wait3A_390 : memref<8x128xf32, #tpu.memory_space<vmem>>) dst(%dma_wait3A_387 : memref<8x128xf32, #tpu.memory_space<hbm>>)
        %dma_wait3A_391 = arith.constant 0 : i32
        %dma_wait3A_392 = arith.constant 3 : i32
        %dma_wait3A_393 = arith.constant 0 : i32
        %dma_wait3A_394 = arith.constant 0 : i32
        %dma_wait3A_395 = arith.constant 0 : i32
        %dma_wait3A_396 = tpu.memref_slice %arg7[%dma_wait3A_394, %dma_wait3A_395] : memref<64x130xf32, #tpu.memory_space<vmem>> -> memref<8x128xf32, #tpu.memory_space<vmem>>
        %dma_wait3A_397 = arith.constant 0 : i32
        %dma_wait3A_398 = arith.constant 0 : i32
        %dma_wait3A_399 = tpu.memref_slice %arg4[%dma_wait3A_391, %dma_wait3A_392, %dma_wait3A_393, %dma_wait3A_397, %dma_wait3A_398] : memref<200x4x32x8x128xf32, #tpu.memory_space<hbm>> -> memref<1x1x1x8x128xf32, #tpu.memory_space<hbm>>
        %dma_wait3A_400 = tpu.memref_squeeze %dma_wait3A_399 : memref<1x1x1x8x128xf32, #tpu.memory_space<hbm>> -> memref<8x128xf32, #tpu.memory_space<hbm>>
        %dma_wait3A_401 = arith.constant 0 : i32
        %dma_wait3A_402 = arith.constant 0 : i32
        %dma_wait3A_403 = tpu.memref_slice %arg4[%dma_wait3A_391, %dma_wait3A_392, %dma_wait3A_393, %dma_wait3A_401, %dma_wait3A_402] : memref<200x4x32x8x128xf32, #tpu.memory_space<hbm>> -> memref<1x1x1x8x128xf32, #tpu.memory_space<hbm>>
        %dma_wait3A_404 = tpu.memref_squeeze %dma_wait3A_403 : memref<1x1x1x8x128xf32, #tpu.memory_space<hbm>> -> memref<8x128xf32, #tpu.memory_space<hbm>>
        %dma_wait3A_405 = arith.constant 0 : i32
        %dma_wait3A_406 = arith.constant 0 : i32
        %dma_wait3A_407 = tpu.memref_slice %arg7[%dma_wait3A_405, %dma_wait3A_406] : memref<64x130xf32, #tpu.memory_space<vmem>> -> memref<8x128xf32, #tpu.memory_space<vmem>>
        tpu.wait_dma2 semaphore(%arg9 : memref<!tpu.dma_semaphore, #tpu.memory_space<semaphore_mem>>) src(%dma_wait3A_407 : memref<8x128xf32, #tpu.memory_space<vmem>>) dst(%dma_wait3A_404 : memref<8x128xf32, #tpu.memory_space<hbm>>)
      } else {
      }
      %ge3A_284 = arith.constant 2 : i32
      %ge3A_285 = arith.cmpi sge, %scan3A_237, %ge3A_284 : i32
      %eq3A_286 = arith.constant 1 : i32
      %eq3A_287 = arith.cmpi eq, %rem3A_241, %eq3A_286 : i32
      %and3A_288 = arith.andi %ge3A_285, %eq3A_287 : i1
      %convert_element_type3A_289 = arith.extui %and3A_288 : i1 to i32
      %cond3A_290 = arith.constant 0 : i32
      %cond3A_291 = arith.cmpi ne, %convert_element_type3A_289, %cond3A_290 : i32
      scf.if %cond3A_291 {
        %dma_wait3A_340 = arith.constant 0 : i32
        %dma_wait3A_341 = arith.constant 0 : i32
        %dma_wait3A_342 = arith.constant 0 : i32
        %dma_wait3A_343 = arith.constant 0 : i32
        %dma_wait3A_344 = arith.constant 0 : i32
        %dma_wait3A_345 = tpu.memref_slice %arg7[%dma_wait3A_343, %dma_wait3A_344] : memref<64x130xf32, #tpu.memory_space<vmem>> -> memref<8x128xf32, #tpu.memory_space<vmem>>
        %dma_wait3A_346 = arith.constant 0 : i32
        %dma_wait3A_347 = arith.constant 0 : i32
        %dma_wait3A_348 = tpu.memref_slice %arg4[%dma_wait3A_340, %dma_wait3A_341, %dma_wait3A_342, %dma_wait3A_346, %dma_wait3A_347] : memref<200x4x32x8x128xf32, #tpu.memory_space<hbm>> -> memref<1x1x1x8x128xf32, #tpu.memory_space<hbm>>
        %dma_wait3A_349 = tpu.memref_squeeze %dma_wait3A_348 : memref<1x1x1x8x128xf32, #tpu.memory_space<hbm>> -> memref<8x128xf32, #tpu.memory_space<hbm>>
        %dma_wait3A_350 = arith.constant 0 : i32
        %dma_wait3A_351 = arith.constant 0 : i32
        %dma_wait3A_352 = tpu.memref_slice %arg4[%dma_wait3A_340, %dma_wait3A_341, %dma_wait3A_342, %dma_wait3A_350, %dma_wait3A_351] : memref<200x4x32x8x128xf32, #tpu.memory_space<hbm>> -> memref<1x1x1x8x128xf32, #tpu.memory_space<hbm>>
        %dma_wait3A_353 = tpu.memref_squeeze %dma_wait3A_352 : memref<1x1x1x8x128xf32, #tpu.memory_space<hbm>> -> memref<8x128xf32, #tpu.memory_space<hbm>>
        %dma_wait3A_354 = arith.constant 0 : i32
        %dma_wait3A_355 = arith.constant 0 : i32
        %dma_wait3A_356 = tpu.memref_slice %arg7[%dma_wait3A_354, %dma_wait3A_355] : memref<64x130xf32, #tpu.memory_space<vmem>> -> memref<8x128xf32, #tpu.memory_space<vmem>>
        tpu.wait_dma2 semaphore(%arg10 : memref<!tpu.dma_semaphore, #tpu.memory_space<semaphore_mem>>) src(%dma_wait3A_356 : memref<8x128xf32, #tpu.memory_space<vmem>>) dst(%dma_wait3A_353 : memref<8x128xf32, #tpu.memory_space<hbm>>)
        %dma_wait3A_357 = arith.constant 0 : i32
        %dma_wait3A_358 = arith.constant 1 : i32
        %dma_wait3A_359 = arith.constant 0 : i32
        %dma_wait3A_360 = arith.constant 0 : i32
        %dma_wait3A_361 = arith.constant 0 : i32
        %dma_wait3A_362 = tpu.memref_slice %arg7[%dma_wait3A_360, %dma_wait3A_361] : memref<64x130xf32, #tpu.memory_space<vmem>> -> memref<8x128xf32, #tpu.memory_space<vmem>>
        %dma_wait3A_363 = arith.constant 0 : i32
        %dma_wait3A_364 = arith.constant 0 : i32
        %dma_wait3A_365 = tpu.memref_slice %arg4[%dma_wait3A_357, %dma_wait3A_358, %dma_wait3A_359, %dma_wait3A_363, %dma_wait3A_364] : memref<200x4x32x8x128xf32, #tpu.memory_space<hbm>> -> memref<1x1x1x8x128xf32, #tpu.memory_space<hbm>>
        %dma_wait3A_366 = tpu.memref_squeeze %dma_wait3A_365 : memref<1x1x1x8x128xf32, #tpu.memory_space<hbm>> -> memref<8x128xf32, #tpu.memory_space<hbm>>
        %dma_wait3A_367 = arith.constant 0 : i32
        %dma_wait3A_368 = arith.constant 0 : i32
        %dma_wait3A_369 = tpu.memref_slice %arg4[%dma_wait3A_357, %dma_wait3A_358, %dma_wait3A_359, %dma_wait3A_367, %dma_wait3A_368] : memref<200x4x32x8x128xf32, #tpu.memory_space<hbm>> -> memref<1x1x1x8x128xf32, #tpu.memory_space<hbm>>
        %dma_wait3A_370 = tpu.memref_squeeze %dma_wait3A_369 : memref<1x1x1x8x128xf32, #tpu.memory_space<hbm>> -> memref<8x128xf32, #tpu.memory_space<hbm>>
        %dma_wait3A_371 = arith.constant 0 : i32
        %dma_wait3A_372 = arith.constant 0 : i32
        %dma_wait3A_373 = tpu.memref_slice %arg7[%dma_wait3A_371, %dma_wait3A_372] : memref<64x130xf32, #tpu.memory_space<vmem>> -> memref<8x128xf32, #tpu.memory_space<vmem>>
        tpu.wait_dma2 semaphore(%arg10 : memref<!tpu.dma_semaphore, #tpu.memory_space<semaphore_mem>>) src(%dma_wait3A_373 : memref<8x128xf32, #tpu.memory_space<vmem>>) dst(%dma_wait3A_370 : memref<8x128xf32, #tpu.memory_space<hbm>>)
        %dma_wait3A_374 = arith.constant 0 : i32
        %dma_wait3A_375 = arith.constant 2 : i32
        %dma_wait3A_376 = arith.constant 0 : i32
        %dma_wait3A_377 = arith.constant 0 : i32
        %dma_wait3A_378 = arith.constant 0 : i32
        %dma_wait3A_379 = tpu.memref_slice %arg7[%dma_wait3A_377, %dma_wait3A_378] : memref<64x130xf32, #tpu.memory_space<vmem>> -> memref<8x128xf32, #tpu.memory_space<vmem>>
        %dma_wait3A_380 = arith.constant 0 : i32
        %dma_wait3A_381 = arith.constant 0 : i32
        %dma_wait3A_382 = tpu.memref_slice %arg4[%dma_wait3A_374, %dma_wait3A_375, %dma_wait3A_376, %dma_wait3A_380, %dma_wait3A_381] : memref<200x4x32x8x128xf32, #tpu.memory_space<hbm>> -> memref<1x1x1x8x128xf32, #tpu.memory_space<hbm>>
        %dma_wait3A_383 = tpu.memref_squeeze %dma_wait3A_382 : memref<1x1x1x8x128xf32, #tpu.memory_space<hbm>> -> memref<8x128xf32, #tpu.memory_space<hbm>>
        %dma_wait3A_384 = arith.constant 0 : i32
        %dma_wait3A_385 = arith.constant 0 : i32
        %dma_wait3A_386 = tpu.memref_slice %arg4[%dma_wait3A_374, %dma_wait3A_375, %dma_wait3A_376, %dma_wait3A_384, %dma_wait3A_385] : memref<200x4x32x8x128xf32, #tpu.memory_space<hbm>> -> memref<1x1x1x8x128xf32, #tpu.memory_space<hbm>>
        %dma_wait3A_387 = tpu.memref_squeeze %dma_wait3A_386 : memref<1x1x1x8x128xf32, #tpu.memory_space<hbm>> -> memref<8x128xf32, #tpu.memory_space<hbm>>
        %dma_wait3A_388 = arith.constant 0 : i32
        %dma_wait3A_389 = arith.constant 0 : i32
        %dma_wait3A_390 = tpu.memref_slice %arg7[%dma_wait3A_388, %dma_wait3A_389] : memref<64x130xf32, #tpu.memory_space<vmem>> -> memref<8x128xf32, #tpu.memory_space<vmem>>
        tpu.wait_dma2 semaphore(%arg10 : memref<!tpu.dma_semaphore, #tpu.memory_space<semaphore_mem>>) src(%dma_wait3A_390 : memref<8x128xf32, #tpu.memory_space<vmem>>) dst(%dma_wait3A_387 : memref<8x128xf32, #tpu.memory_space<hbm>>)
        %dma_wait3A_391 = arith.constant 0 : i32
        %dma_wait3A_392 = arith.constant 3 : i32
        %dma_wait3A_393 = arith.constant 0 : i32
        %dma_wait3A_394 = arith.constant 0 : i32
        %dma_wait3A_395 = arith.constant 0 : i32
        %dma_wait3A_396 = tpu.memref_slice %arg7[%dma_wait3A_394, %dma_wait3A_395] : memref<64x130xf32, #tpu.memory_space<vmem>> -> memref<8x128xf32, #tpu.memory_space<vmem>>
        %dma_wait3A_397 = arith.constant 0 : i32
        %dma_wait3A_398 = arith.constant 0 : i32
        %dma_wait3A_399 = tpu.memref_slice %arg4[%dma_wait3A_391, %dma_wait3A_392, %dma_wait3A_393, %dma_wait3A_397, %dma_wait3A_398] : memref<200x4x32x8x128xf32, #tpu.memory_space<hbm>> -> memref<1x1x1x8x128xf32, #tpu.memory_space<hbm>>
        %dma_wait3A_400 = tpu.memref_squeeze %dma_wait3A_399 : memref<1x1x1x8x128xf32, #tpu.memory_space<hbm>> -> memref<8x128xf32, #tpu.memory_space<hbm>>
        %dma_wait3A_401 = arith.constant 0 : i32
        %dma_wait3A_402 = arith.constant 0 : i32
        %dma_wait3A_403 = tpu.memref_slice %arg4[%dma_wait3A_391, %dma_wait3A_392, %dma_wait3A_393, %dma_wait3A_401, %dma_wait3A_402] : memref<200x4x32x8x128xf32, #tpu.memory_space<hbm>> -> memref<1x1x1x8x128xf32, #tpu.memory_space<hbm>>
        %dma_wait3A_404 = tpu.memref_squeeze %dma_wait3A_403 : memref<1x1x1x8x128xf32, #tpu.memory_space<hbm>> -> memref<8x128xf32, #tpu.memory_space<hbm>>
        %dma_wait3A_405 = arith.constant 0 : i32
        %dma_wait3A_406 = arith.constant 0 : i32
        %dma_wait3A_407 = tpu.memref_slice %arg7[%dma_wait3A_405, %dma_wait3A_406] : memref<64x130xf32, #tpu.memory_space<vmem>> -> memref<8x128xf32, #tpu.memory_space<vmem>>
        tpu.wait_dma2 semaphore(%arg10 : memref<!tpu.dma_semaphore, #tpu.memory_space<semaphore_mem>>) src(%dma_wait3A_407 : memref<8x128xf32, #tpu.memory_space<vmem>>) dst(%dma_wait3A_404 : memref<8x128xf32, #tpu.memory_space<hbm>>)
      } else {
      }
      %mul3A_292 = arith.constant 128 : i32
      %mul3A_293 = arith.muli %rem3A_239, %mul3A_292 : i32
      %add3A_294 = vector.broadcast %mul3A_293 : i32 to vector<16xi32>
      %add3A_295 = arith.addi %add3A_294, %add3A_5 : vector<16xi32>
      %mul3A_296 = arith.constant 128 : i32
      %mul3A_297 = arith.muli %rem3A_239, %mul3A_296 : i32
      %add3A_298 = vector.broadcast %mul3A_297 : i32 to vector<16xi32>
      %add3A_299 = arith.addi %add3A_298, %add3A_8 : vector<16xi32>
      %mul3A_300 = arith.constant 128 : i32
      %mul3A_301 = arith.muli %rem3A_239, %mul3A_300 : i32
      %add3A_302 = vector.broadcast %mul3A_301 : i32 to vector<16xi32>
      %add3A_303 = arith.addi %add3A_302, %add3A_11 : vector<16xi32>
      %mul3A_304 = arith.constant 128 : i32
      %mul3A_305 = arith.muli %rem3A_239, %mul3A_304 : i32
      %add3A_306 = vector.broadcast %mul3A_305 : i32 to vector<16xi32>
      %add3A_307 = arith.addi %add3A_306, %add3A_14 : vector<16xi32>
      %mul3A_308 = arith.constant 128 : i32
      %mul3A_309 = arith.muli %rem3A_239, %mul3A_308 : i32
      %add3A_310 = vector.broadcast %mul3A_309 : i32 to vector<16xi32>
      %add3A_311 = arith.addi %add3A_310, %add3A_17 : vector<16xi32>
      %mul3A_312 = arith.constant 128 : i32
      %mul3A_313 = arith.muli %rem3A_239, %mul3A_312 : i32
      %add3A_314 = vector.broadcast %mul3A_313 : i32 to vector<16xi32>
      %add3A_315 = arith.addi %add3A_314, %add3A_20 : vector<16xi32>
      %mul3A_316 = arith.constant 128 : i32
      %mul3A_317 = arith.muli %rem3A_239, %mul3A_316 : i32
      %add3A_318 = vector.broadcast %mul3A_317 : i32 to vector<16xi32>
      %add3A_319 = arith.addi %add3A_318, %add3A_23 : vector<16xi32>
      %mul3A_320 = arith.constant 128 : i32
      %mul3A_321 = arith.muli %rem3A_239, %mul3A_320 : i32
      %add3A_322 = vector.broadcast %mul3A_321 : i32 to vector<16xi32>
      %add3A_323 = arith.addi %add3A_322, %add3A_26 : vector<16xi32>
      %scan3A_324 = arith.constant 0 : i32
      %scan3A_325 = arith.constant 0 : i32
      %scan3A_326 = arith.constant 32 : i32
      %scan3A_327 = arith.addi %scan3A_325, %scan3A_326 : i32
      %scan3A_328 = arith.constant 4 : i32
      scf.for %scan3A_340 = %scan3A_325 to %scan3A_327 step %scan3A_328  : i32 {
        %add3A_341 = vector.broadcast %scan3A_340 : i32 to vector<16xi32>
        %add3A_342 = arith.addi %add3A_341, %iota3A : vector<16xi32>
        %and3A_343 = arith.constant 31 : i32
        %and3A_344 = vector.broadcast %and3A_343 : i32 to vector<16xi32>
        %and3A_345 = arith.andi %add3A_342, %and3A_344 : vector<16xi32>
        %mul3A_346 = arith.constant 32 : i32
        %mul3A_347 = arith.muli %rem3A_241, %mul3A_346 : i32
        %add3A_348 = vector.broadcast %mul3A_347 : i32 to vector<16xi32>
        %add3A_349 = arith.addi %and3A_345, %add3A_348 : vector<16xi32>
        %gather3A = tpu.vector_load_idx %arg6[%add3A_295, %and3A_345] : memref<768x32xf32, #tpu.memory_space<vmem>>[vector<16xi32>, vector<16xi32>], vector<16xf32>,
        tpu.vector_store_idx %arg7[%add3A_349, %add3A_5], %gather3A : memref<64x130xf32, #tpu.memory_space<vmem>>[vector<16xi32>, vector<16xi32>], vector<16xf32>,
        %gather3A_350 = tpu.vector_load_idx %arg6[%add3A_299, %and3A_345] : memref<768x32xf32, #tpu.memory_space<vmem>>[vector<16xi32>, vector<16xi32>], vector<16xf32>,
        tpu.vector_store_idx %arg7[%add3A_349, %add3A_8], %gather3A_350 : memref<64x130xf32, #tpu.memory_space<vmem>>[vector<16xi32>, vector<16xi32>], vector<16xf32>,
        %gather3A_351 = tpu.vector_load_idx %arg6[%add3A_303, %and3A_345] : memref<768x32xf32, #tpu.memory_space<vmem>>[vector<16xi32>, vector<16xi32>], vector<16xf32>,
        tpu.vector_store_idx %arg7[%add3A_349, %add3A_11], %gather3A_351 : memref<64x130xf32, #tpu.memory_space<vmem>>[vector<16xi32>, vector<16xi32>], vector<16xf32>,
        %gather3A_352 = tpu.vector_load_idx %arg6[%add3A_307, %and3A_345] : memref<768x32xf32, #tpu.memory_space<vmem>>[vector<16xi32>, vector<16xi32>], vector<16xf32>,
        tpu.vector_store_idx %arg7[%add3A_349, %add3A_14], %gather3A_352 : memref<64x130xf32, #tpu.memory_space<vmem>>[vector<16xi32>, vector<16xi32>], vector<16xf32>,
        %gather3A_353 = tpu.vector_load_idx %arg6[%add3A_311, %and3A_345] : memref<768x32xf32, #tpu.memory_space<vmem>>[vector<16xi32>, vector<16xi32>], vector<16xf32>,
        tpu.vector_store_idx %arg7[%add3A_349, %add3A_17], %gather3A_353 : memref<64x130xf32, #tpu.memory_space<vmem>>[vector<16xi32>, vector<16xi32>], vector<16xf32>,
        %gather3A_354 = tpu.vector_load_idx %arg6[%add3A_315, %and3A_345] : memref<768x32xf32, #tpu.memory_space<vmem>>[vector<16xi32>, vector<16xi32>], vector<16xf32>,
        tpu.vector_store_idx %arg7[%add3A_349, %add3A_20], %gather3A_354 : memref<64x130xf32, #tpu.memory_space<vmem>>[vector<16xi32>, vector<16xi32>], vector<16xf32>,
        %gather3A_355 = tpu.vector_load_idx %arg6[%add3A_319, %and3A_345] : memref<768x32xf32, #tpu.memory_space<vmem>>[vector<16xi32>, vector<16xi32>], vector<16xf32>,
        tpu.vector_store_idx %arg7[%add3A_349, %add3A_23], %gather3A_355 : memref<64x130xf32, #tpu.memory_space<vmem>>[vector<16xi32>, vector<16xi32>], vector<16xf32>,
        %gather3A_356 = tpu.vector_load_idx %arg6[%add3A_323, %and3A_345] : memref<768x32xf32, #tpu.memory_space<vmem>>[vector<16xi32>, vector<16xi32>], vector<16xf32>,
        tpu.vector_store_idx %arg7[%add3A_349, %add3A_26], %gather3A_356 : memref<64x130xf32, #tpu.memory_space<vmem>>[vector<16xi32>, vector<16xi32>], vector<16xf32>,
        %scan3A_357 = arith.constant 1 : i32
        %scan3A_358 = arith.addi %scan3A_340, %scan3A_357 : i32
        %add3A_359 = vector.broadcast %scan3A_358 : i32 to vector<16xi32>
        %add3A_360 = arith.addi %add3A_359, %iota3A : vector<16xi32>
        %and3A_361 = arith.constant 31 : i32
        %and3A_362 = vector.broadcast %and3A_361 : i32 to vector<16xi32>
        %and3A_363 = arith.andi %add3A_360, %and3A_362 : vector<16xi32>
        %mul3A_364 = arith.constant 32 : i32
        %mul3A_365 = arith.muli %rem3A_241, %mul3A_364 : i32
        %add3A_366 = vector.broadcast %mul3A_365 : i32 to vector<16xi32>
        %add3A_367 = arith.addi %and3A_363, %add3A_366 : vector<16xi32>
        %gather3A_368 = tpu.vector_load_idx %arg6[%add3A_295, %and3A_363] : memref<768x32xf32, #tpu.memory_space<vmem>>[vector<16xi32>, vector<16xi32>], vector<16xf32>,
        tpu.vector_store_idx %arg7[%add3A_367, %add3A_5], %gather3A_368 : memref<64x130xf32, #tpu.memory_space<vmem>>[vector<16xi32>, vector<16xi32>], vector<16xf32>,
        %gather3A_369 = tpu.vector_load_idx %arg6[%add3A_299, %and3A_363] : memref<768x32xf32, #tpu.memory_space<vmem>>[vector<16xi32>, vector<16xi32>], vector<16xf32>,
        tpu.vector_store_idx %arg7[%add3A_367, %add3A_8], %gather3A_369 : memref<64x130xf32, #tpu.memory_space<vmem>>[vector<16xi32>, vector<16xi32>], vector<16xf32>,
        %gather3A_370 = tpu.vector_load_idx %arg6[%add3A_303, %and3A_363] : memref<768x32xf32, #tpu.memory_space<vmem>>[vector<16xi32>, vector<16xi32>], vector<16xf32>,
        tpu.vector_store_idx %arg7[%add3A_367, %add3A_11], %gather3A_370 : memref<64x130xf32, #tpu.memory_space<vmem>>[vector<16xi32>, vector<16xi32>], vector<16xf32>,
        %gather3A_371 = tpu.vector_load_idx %arg6[%add3A_307, %and3A_363] : memref<768x32xf32, #tpu.memory_space<vmem>>[vector<16xi32>, vector<16xi32>], vector<16xf32>,
        tpu.vector_store_idx %arg7[%add3A_367, %add3A_14], %gather3A_371 : memref<64x130xf32, #tpu.memory_space<vmem>>[vector<16xi32>, vector<16xi32>], vector<16xf32>,
        %gather3A_372 = tpu.vector_load_idx %arg6[%add3A_311, %and3A_363] : memref<768x32xf32, #tpu.memory_space<vmem>>[vector<16xi32>, vector<16xi32>], vector<16xf32>,
        tpu.vector_store_idx %arg7[%add3A_367, %add3A_17], %gather3A_372 : memref<64x130xf32, #tpu.memory_space<vmem>>[vector<16xi32>, vector<16xi32>], vector<16xf32>,
        %gather3A_373 = tpu.vector_load_idx %arg6[%add3A_315, %and3A_363] : memref<768x32xf32, #tpu.memory_space<vmem>>[vector<16xi32>, vector<16xi32>], vector<16xf32>,
        tpu.vector_store_idx %arg7[%add3A_367, %add3A_20], %gather3A_373 : memref<64x130xf32, #tpu.memory_space<vmem>>[vector<16xi32>, vector<16xi32>], vector<16xf32>,
        %gather3A_374 = tpu.vector_load_idx %arg6[%add3A_319, %and3A_363] : memref<768x32xf32, #tpu.memory_space<vmem>>[vector<16xi32>, vector<16xi32>], vector<16xf32>,
        tpu.vector_store_idx %arg7[%add3A_367, %add3A_23], %gather3A_374 : memref<64x130xf32, #tpu.memory_space<vmem>>[vector<16xi32>, vector<16xi32>], vector<16xf32>,
        %gather3A_375 = tpu.vector_load_idx %arg6[%add3A_323, %and3A_363] : memref<768x32xf32, #tpu.memory_space<vmem>>[vector<16xi32>, vector<16xi32>], vector<16xf32>,
        tpu.vector_store_idx %arg7[%add3A_367, %add3A_26], %gather3A_375 : memref<64x130xf32, #tpu.memory_space<vmem>>[vector<16xi32>, vector<16xi32>], vector<16xf32>,
        %scan3A_376 = arith.constant 2 : i32
        %scan3A_377 = arith.addi %scan3A_340, %scan3A_376 : i32
        %add3A_378 = vector.broadcast %scan3A_377 : i32 to vector<16xi32>
        %add3A_379 = arith.addi %add3A_378, %iota3A : vector<16xi32>
        %and3A_380 = arith.constant 31 : i32
        %and3A_381 = vector.broadcast %and3A_380 : i32 to vector<16xi32>
        %and3A_382 = arith.andi %add3A_379, %and3A_381 : vector<16xi32>
        %mul3A_383 = arith.constant 32 : i32
        %mul3A_384 = arith.muli %rem3A_241, %mul3A_383 : i32
        %add3A_385 = vector.broadcast %mul3A_384 : i32 to vector<16xi32>
        %add3A_386 = arith.addi %and3A_382, %add3A_385 : vector<16xi32>
        %gather3A_387 = tpu.vector_load_idx %arg6[%add3A_295, %and3A_382] : memref<768x32xf32, #tpu.memory_space<vmem>>[vector<16xi32>, vector<16xi32>], vector<16xf32>,
        tpu.vector_store_idx %arg7[%add3A_386, %add3A_5], %gather3A_387 : memref<64x130xf32, #tpu.memory_space<vmem>>[vector<16xi32>, vector<16xi32>], vector<16xf32>,
        %gather3A_388 = tpu.vector_load_idx %arg6[%add3A_299, %and3A_382] : memref<768x32xf32, #tpu.memory_space<vmem>>[vector<16xi32>, vector<16xi32>], vector<16xf32>,
        tpu.vector_store_idx %arg7[%add3A_386, %add3A_8], %gather3A_388 : memref<64x130xf32, #tpu.memory_space<vmem>>[vector<16xi32>, vector<16xi32>], vector<16xf32>,
        %gather3A_389 = tpu.vector_load_idx %arg6[%add3A_303, %and3A_382] : memref<768x32xf32, #tpu.memory_space<vmem>>[vector<16xi32>, vector<16xi32>], vector<16xf32>,
        tpu.vector_store_idx %arg7[%add3A_386, %add3A_11], %gather3A_389 : memref<64x130xf32, #tpu.memory_space<vmem>>[vector<16xi32>, vector<16xi32>], vector<16xf32>,
        %gather3A_390 = tpu.vector_load_idx %arg6[%add3A_307, %and3A_382] : memref<768x32xf32, #tpu.memory_space<vmem>>[vector<16xi32>, vector<16xi32>], vector<16xf32>,
        tpu.vector_store_idx %arg7[%add3A_386, %add3A_14], %gather3A_390 : memref<64x130xf32, #tpu.memory_space<vmem>>[vector<16xi32>, vector<16xi32>], vector<16xf32>,
        %gather3A_391 = tpu.vector_load_idx %arg6[%add3A_311, %and3A_382] : memref<768x32xf32, #tpu.memory_space<vmem>>[vector<16xi32>, vector<16xi32>], vector<16xf32>,
        tpu.vector_store_idx %arg7[%add3A_386, %add3A_17], %gather3A_391 : memref<64x130xf32, #tpu.memory_space<vmem>>[vector<16xi32>, vector<16xi32>], vector<16xf32>,
        %gather3A_392 = tpu.vector_load_idx %arg6[%add3A_315, %and3A_382] : memref<768x32xf32, #tpu.memory_space<vmem>>[vector<16xi32>, vector<16xi32>], vector<16xf32>,
        tpu.vector_store_idx %arg7[%add3A_386, %add3A_20], %gather3A_392 : memref<64x130xf32, #tpu.memory_space<vmem>>[vector<16xi32>, vector<16xi32>], vector<16xf32>,
        %gather3A_393 = tpu.vector_load_idx %arg6[%add3A_319, %and3A_382] : memref<768x32xf32, #tpu.memory_space<vmem>>[vector<16xi32>, vector<16xi32>], vector<16xf32>,
        tpu.vector_store_idx %arg7[%add3A_386, %add3A_23], %gather3A_393 : memref<64x130xf32, #tpu.memory_space<vmem>>[vector<16xi32>, vector<16xi32>], vector<16xf32>,
        %gather3A_394 = tpu.vector_load_idx %arg6[%add3A_323, %and3A_382] : memref<768x32xf32, #tpu.memory_space<vmem>>[vector<16xi32>, vector<16xi32>], vector<16xf32>,
        tpu.vector_store_idx %arg7[%add3A_386, %add3A_26], %gather3A_394 : memref<64x130xf32, #tpu.memory_space<vmem>>[vector<16xi32>, vector<16xi32>], vector<16xf32>,
        %scan3A_395 = arith.constant 3 : i32
        %scan3A_396 = arith.addi %scan3A_340, %scan3A_395 : i32
        %add3A_397 = vector.broadcast %scan3A_396 : i32 to vector<16xi32>
        %add3A_398 = arith.addi %add3A_397, %iota3A : vector<16xi32>
        %and3A_399 = arith.constant 31 : i32
        %and3A_400 = vector.broadcast %and3A_399 : i32 to vector<16xi32>
        %and3A_401 = arith.andi %add3A_398, %and3A_400 : vector<16xi32>
        %mul3A_402 = arith.constant 32 : i32
        %mul3A_403 = arith.muli %rem3A_241, %mul3A_402 : i32
        %add3A_404 = vector.broadcast %mul3A_403 : i32 to vector<16xi32>
        %add3A_405 = arith.addi %and3A_401, %add3A_404 : vector<16xi32>
        %gather3A_406 = tpu.vector_load_idx %arg6[%add3A_295, %and3A_401] : memref<768x32xf32, #tpu.memory_space<vmem>>[vector<16xi32>, vector<16xi32>], vector<16xf32>,
        tpu.vector_store_idx %arg7[%add3A_405, %add3A_5], %gather3A_406 : memref<64x130xf32, #tpu.memory_space<vmem>>[vector<16xi32>, vector<16xi32>], vector<16xf32>,
        %gather3A_407 = tpu.vector_load_idx %arg6[%add3A_299, %and3A_401] : memref<768x32xf32, #tpu.memory_space<vmem>>[vector<16xi32>, vector<16xi32>], vector<16xf32>,
        tpu.vector_store_idx %arg7[%add3A_405, %add3A_8], %gather3A_407 : memref<64x130xf32, #tpu.memory_space<vmem>>[vector<16xi32>, vector<16xi32>], vector<16xf32>,
        %gather3A_408 = tpu.vector_load_idx %arg6[%add3A_303, %and3A_401] : memref<768x32xf32, #tpu.memory_space<vmem>>[vector<16xi32>, vector<16xi32>], vector<16xf32>,
        tpu.vector_store_idx %arg7[%add3A_405, %add3A_11], %gather3A_408 : memref<64x130xf32, #tpu.memory_space<vmem>>[vector<16xi32>, vector<16xi32>], vector<16xf32>,
        %gather3A_409 = tpu.vector_load_idx %arg6[%add3A_307, %and3A_401] : memref<768x32xf32, #tpu.memory_space<vmem>>[vector<16xi32>, vector<16xi32>], vector<16xf32>,
        tpu.vector_store_idx %arg7[%add3A_405, %add3A_14], %gather3A_409 : memref<64x130xf32, #tpu.memory_space<vmem>>[vector<16xi32>, vector<16xi32>], vector<16xf32>,
        %gather3A_410 = tpu.vector_load_idx %arg6[%add3A_311, %and3A_401] : memref<768x32xf32, #tpu.memory_space<vmem>>[vector<16xi32>, vector<16xi32>], vector<16xf32>,
        tpu.vector_store_idx %arg7[%add3A_405, %add3A_17], %gather3A_410 : memref<64x130xf32, #tpu.memory_space<vmem>>[vector<16xi32>, vector<16xi32>], vector<16xf32>,
        %gather3A_411 = tpu.vector_load_idx %arg6[%add3A_315, %and3A_401] : memref<768x32xf32, #tpu.memory_space<vmem>>[vector<16xi32>, vector<16xi32>], vector<16xf32>,
        tpu.vector_store_idx %arg7[%add3A_405, %add3A_20], %gather3A_411 : memref<64x130xf32, #tpu.memory_space<vmem>>[vector<16xi32>, vector<16xi32>], vector<16xf32>,
        %gather3A_412 = tpu.vector_load_idx %arg6[%add3A_319, %and3A_401] : memref<768x32xf32, #tpu.memory_space<vmem>>[vector<16xi32>, vector<16xi32>], vector<16xf32>,
        tpu.vector_store_idx %arg7[%add3A_405, %add3A_23], %gather3A_412 : memref<64x130xf32, #tpu.memory_space<vmem>>[vector<16xi32>, vector<16xi32>], vector<16xf32>,
        %gather3A_413 = tpu.vector_load_idx %arg6[%add3A_323, %and3A_401] : memref<768x32xf32, #tpu.memory_space<vmem>>[vector<16xi32>, vector<16xi32>], vector<16xf32>,
        tpu.vector_store_idx %arg7[%add3A_405, %add3A_26], %gather3A_413 : memref<64x130xf32, #tpu.memory_space<vmem>>[vector<16xi32>, vector<16xi32>], vector<16xf32>,
      }
      %scan3A_329 = arith.constant 32 : i32
      %eq3A_330 = arith.constant 0 : i32
      %eq3A_331 = arith.cmpi eq, %rem3A_241, %eq3A_330 : i32
      %convert_element_type3A_332 = arith.extui %eq3A_331 : i1 to i32
      %cond3A_333 = arith.constant 0 : i32
      %cond3A_334 = arith.cmpi ne, %convert_element_type3A_332, %cond3A_333 : i32
      scf.if %cond3A_334 {
        %mul3A_340 = arith.constant 32 : i32
        %mul3A_341 = arith.muli %rem3A_241, %mul3A_340 : i32
        %add3A_342 = arith.constant 0 : i32
        %add3A_343 = arith.addi %mul3A_341, %add3A_342 : i32
        %dma_start3A_344 = arith.constant 0 : i32
        %dma_start3A_345 = arith.constant 0 : i32
        %dma_start3A_346 = tpu.memref_slice %arg7[%add3A_343, %dma_start3A_345] : memref<64x130xf32, #tpu.memory_space<vmem>> -> memref<8x128xf32, #tpu.memory_space<vmem>>
        %dma_start3A_347 = arith.constant 0 : i32
        %dma_start3A_348 = arith.constant 0 : i32
        %dma_start3A_349 = tpu.memref_slice %arg4[%select_n3A, %dma_start3A_344, %rem3A_261, %dma_start3A_347, %dma_start3A_348] : memref<200x4x32x8x128xf32, #tpu.memory_space<hbm>> -> memref<1x1x1x8x128xf32, #tpu.memory_space<hbm>>
        %dma_start3A_350 = tpu.memref_squeeze %dma_start3A_349 : memref<1x1x1x8x128xf32, #tpu.memory_space<hbm>> -> memref<8x128xf32, #tpu.memory_space<hbm>>
        %dma_start3A_351 = arith.constant 0 : i32
        %dma_start3A_352 = arith.constant 0 : i32
        %dma_start3A_353 = tpu.memref_slice %arg4[%select_n3A, %dma_start3A_344, %rem3A_261, %dma_start3A_351, %dma_start3A_352] : memref<200x4x32x8x128xf32, #tpu.memory_space<hbm>> -> memref<1x1x1x8x128xf32, #tpu.memory_space<hbm>>
        %dma_start3A_354 = tpu.memref_squeeze %dma_start3A_353 : memref<1x1x1x8x128xf32, #tpu.memory_space<hbm>> -> memref<8x128xf32, #tpu.memory_space<hbm>>
        %dma_start3A_355 = arith.constant 0 : i32
        %dma_start3A_356 = tpu.memref_slice %arg7[%add3A_343, %dma_start3A_355] : memref<64x130xf32, #tpu.memory_space<vmem>> -> memref<8x128xf32, #tpu.memory_space<vmem>>
        tpu.enqueue_dma source(%dma_start3A_356 : memref<8x128xf32, #tpu.memory_space<vmem>>) target(%dma_start3A_354 : memref<8x128xf32, #tpu.memory_space<hbm>>) target_semaphore(%arg9 : memref<!tpu.dma_semaphore, #tpu.memory_space<semaphore_mem>>)
        %mul3A_357 = arith.constant 32 : i32
        %mul3A_358 = arith.muli %rem3A_241, %mul3A_357 : i32
        %add3A_359 = arith.constant 8 : i32
        %add3A_360 = arith.addi %mul3A_358, %add3A_359 : i32
        %dma_start3A_361 = arith.constant 1 : i32
        %dma_start3A_362 = arith.constant 0 : i32
        %dma_start3A_363 = tpu.memref_slice %arg7[%add3A_360, %dma_start3A_362] : memref<64x130xf32, #tpu.memory_space<vmem>> -> memref<8x128xf32, #tpu.memory_space<vmem>>
        %dma_start3A_364 = arith.constant 0 : i32
        %dma_start3A_365 = arith.constant 0 : i32
        %dma_start3A_366 = tpu.memref_slice %arg4[%select_n3A, %dma_start3A_361, %rem3A_261, %dma_start3A_364, %dma_start3A_365] : memref<200x4x32x8x128xf32, #tpu.memory_space<hbm>> -> memref<1x1x1x8x128xf32, #tpu.memory_space<hbm>>
        %dma_start3A_367 = tpu.memref_squeeze %dma_start3A_366 : memref<1x1x1x8x128xf32, #tpu.memory_space<hbm>> -> memref<8x128xf32, #tpu.memory_space<hbm>>
        %dma_start3A_368 = arith.constant 0 : i32
        %dma_start3A_369 = arith.constant 0 : i32
        %dma_start3A_370 = tpu.memref_slice %arg4[%select_n3A, %dma_start3A_361, %rem3A_261, %dma_start3A_368, %dma_start3A_369] : memref<200x4x32x8x128xf32, #tpu.memory_space<hbm>> -> memref<1x1x1x8x128xf32, #tpu.memory_space<hbm>>
        %dma_start3A_371 = tpu.memref_squeeze %dma_start3A_370 : memref<1x1x1x8x128xf32, #tpu.memory_space<hbm>> -> memref<8x128xf32, #tpu.memory_space<hbm>>
        %dma_start3A_372 = arith.constant 0 : i32
        %dma_start3A_373 = tpu.memref_slice %arg7[%add3A_360, %dma_start3A_372] : memref<64x130xf32, #tpu.memory_space<vmem>> -> memref<8x128xf32, #tpu.memory_space<vmem>>
        tpu.enqueue_dma source(%dma_start3A_373 : memref<8x128xf32, #tpu.memory_space<vmem>>) target(%dma_start3A_371 : memref<8x128xf32, #tpu.memory_space<hbm>>) target_semaphore(%arg9 : memref<!tpu.dma_semaphore, #tpu.memory_space<semaphore_mem>>)
        %mul3A_374 = arith.constant 32 : i32
        %mul3A_375 = arith.muli %rem3A_241, %mul3A_374 : i32
        %add3A_376 = arith.constant 16 : i32
        %add3A_377 = arith.addi %mul3A_375, %add3A_376 : i32
        %dma_start3A_378 = arith.constant 2 : i32
        %dma_start3A_379 = arith.constant 0 : i32
        %dma_start3A_380 = tpu.memref_slice %arg7[%add3A_377, %dma_start3A_379] : memref<64x130xf32, #tpu.memory_space<vmem>> -> memref<8x128xf32, #tpu.memory_space<vmem>>
        %dma_start3A_381 = arith.constant 0 : i32
        %dma_start3A_382 = arith.constant 0 : i32
        %dma_start3A_383 = tpu.memref_slice %arg4[%select_n3A, %dma_start3A_378, %rem3A_261, %dma_start3A_381, %dma_start3A_382] : memref<200x4x32x8x128xf32, #tpu.memory_space<hbm>> -> memref<1x1x1x8x128xf32, #tpu.memory_space<hbm>>
        %dma_start3A_384 = tpu.memref_squeeze %dma_start3A_383 : memref<1x1x1x8x128xf32, #tpu.memory_space<hbm>> -> memref<8x128xf32, #tpu.memory_space<hbm>>
        %dma_start3A_385 = arith.constant 0 : i32
        %dma_start3A_386 = arith.constant 0 : i32
        %dma_start3A_387 = tpu.memref_slice %arg4[%select_n3A, %dma_start3A_378, %rem3A_261, %dma_start3A_385, %dma_start3A_386] : memref<200x4x32x8x128xf32, #tpu.memory_space<hbm>> -> memref<1x1x1x8x128xf32, #tpu.memory_space<hbm>>
        %dma_start3A_388 = tpu.memref_squeeze %dma_start3A_387 : memref<1x1x1x8x128xf32, #tpu.memory_space<hbm>> -> memref<8x128xf32, #tpu.memory_space<hbm>>
        %dma_start3A_389 = arith.constant 0 : i32
        %dma_start3A_390 = tpu.memref_slice %arg7[%add3A_377, %dma_start3A_389] : memref<64x130xf32, #tpu.memory_space<vmem>> -> memref<8x128xf32, #tpu.memory_space<vmem>>
        tpu.enqueue_dma source(%dma_start3A_390 : memref<8x128xf32, #tpu.memory_space<vmem>>) target(%dma_start3A_388 : memref<8x128xf32, #tpu.memory_space<hbm>>) target_semaphore(%arg9 : memref<!tpu.dma_semaphore, #tpu.memory_space<semaphore_mem>>)
        %mul3A_391 = arith.constant 32 : i32
        %mul3A_392 = arith.muli %rem3A_241, %mul3A_391 : i32
        %add3A_393 = arith.constant 24 : i32
        %add3A_394 = arith.addi %mul3A_392, %add3A_393 : i32
        %dma_start3A_395 = arith.constant 3 : i32
        %dma_start3A_396 = arith.constant 0 : i32
        %dma_start3A_397 = tpu.memref_slice %arg7[%add3A_394, %dma_start3A_396] : memref<64x130xf32, #tpu.memory_space<vmem>> -> memref<8x128xf32, #tpu.memory_space<vmem>>
        %dma_start3A_398 = arith.constant 0 : i32
        %dma_start3A_399 = arith.constant 0 : i32
        %dma_start3A_400 = tpu.memref_slice %arg4[%select_n3A, %dma_start3A_395, %rem3A_261, %dma_start3A_398, %dma_start3A_399] : memref<200x4x32x8x128xf32, #tpu.memory_space<hbm>> -> memref<1x1x1x8x128xf32, #tpu.memory_space<hbm>>
        %dma_start3A_401 = tpu.memref_squeeze %dma_start3A_400 : memref<1x1x1x8x128xf32, #tpu.memory_space<hbm>> -> memref<8x128xf32, #tpu.memory_space<hbm>>
        %dma_start3A_402 = arith.constant 0 : i32
        %dma_start3A_403 = arith.constant 0 : i32
        %dma_start3A_404 = tpu.memref_slice %arg4[%select_n3A, %dma_start3A_395, %rem3A_261, %dma_start3A_402, %dma_start3A_403] : memref<200x4x32x8x128xf32, #tpu.memory_space<hbm>> -> memref<1x1x1x8x128xf32, #tpu.memory_space<hbm>>
        %dma_start3A_405 = tpu.memref_squeeze %dma_start3A_404 : memref<1x1x1x8x128xf32, #tpu.memory_space<hbm>> -> memref<8x128xf32, #tpu.memory_space<hbm>>
        %dma_start3A_406 = arith.constant 0 : i32
        %dma_start3A_407 = tpu.memref_slice %arg7[%add3A_394, %dma_start3A_406] : memref<64x130xf32, #tpu.memory_space<vmem>> -> memref<8x128xf32, #tpu.memory_space<vmem>>
        tpu.enqueue_dma source(%dma_start3A_407 : memref<8x128xf32, #tpu.memory_space<vmem>>) target(%dma_start3A_405 : memref<8x128xf32, #tpu.memory_space<hbm>>) target_semaphore(%arg9 : memref<!tpu.dma_semaphore, #tpu.memory_space<semaphore_mem>>)
      } else {
      }
      %eq3A_335 = arith.constant 1 : i32
      %eq3A_336 = arith.cmpi eq, %rem3A_241, %eq3A_335 : i32
      %convert_element_type3A_337 = arith.extui %eq3A_336 : i1 to i32
      %cond3A_338 = arith.constant 0 : i32
      %cond3A_339 = arith.cmpi ne, %convert_element_type3A_337, %cond3A_338 : i32
      scf.if %cond3A_339 {
        %mul3A_340 = arith.constant 32 : i32
        %mul3A_341 = arith.muli %rem3A_241, %mul3A_340 : i32
        %add3A_342 = arith.constant 0 : i32
        %add3A_343 = arith.addi %mul3A_341, %add3A_342 : i32
        %dma_start3A_344 = arith.constant 0 : i32
        %dma_start3A_345 = arith.constant 0 : i32
        %dma_start3A_346 = tpu.memref_slice %arg7[%add3A_343, %dma_start3A_345] : memref<64x130xf32, #tpu.memory_space<vmem>> -> memref<8x128xf32, #tpu.memory_space<vmem>>
        %dma_start3A_347 = arith.constant 0 : i32
        %dma_start3A_348 = arith.constant 0 : i32
        %dma_start3A_349 = tpu.memref_slice %arg4[%select_n3A, %dma_start3A_344, %rem3A_261, %dma_start3A_347, %dma_start3A_348] : memref<200x4x32x8x128xf32, #tpu.memory_space<hbm>> -> memref<1x1x1x8x128xf32, #tpu.memory_space<hbm>>
        %dma_start3A_350 = tpu.memref_squeeze %dma_start3A_349 : memref<1x1x1x8x128xf32, #tpu.memory_space<hbm>> -> memref<8x128xf32, #tpu.memory_space<hbm>>
        %dma_start3A_351 = arith.constant 0 : i32
        %dma_start3A_352 = arith.constant 0 : i32
        %dma_start3A_353 = tpu.memref_slice %arg4[%select_n3A, %dma_start3A_344, %rem3A_261, %dma_start3A_351, %dma_start3A_352] : memref<200x4x32x8x128xf32, #tpu.memory_space<hbm>> -> memref<1x1x1x8x128xf32, #tpu.memory_space<hbm>>
        %dma_start3A_354 = tpu.memref_squeeze %dma_start3A_353 : memref<1x1x1x8x128xf32, #tpu.memory_space<hbm>> -> memref<8x128xf32, #tpu.memory_space<hbm>>
        %dma_start3A_355 = arith.constant 0 : i32
        %dma_start3A_356 = tpu.memref_slice %arg7[%add3A_343, %dma_start3A_355] : memref<64x130xf32, #tpu.memory_space<vmem>> -> memref<8x128xf32, #tpu.memory_space<vmem>>
        tpu.enqueue_dma source(%dma_start3A_356 : memref<8x128xf32, #tpu.memory_space<vmem>>) target(%dma_start3A_354 : memref<8x128xf32, #tpu.memory_space<hbm>>) target_semaphore(%arg10 : memref<!tpu.dma_semaphore, #tpu.memory_space<semaphore_mem>>)
        %mul3A_357 = arith.constant 32 : i32
        %mul3A_358 = arith.muli %rem3A_241, %mul3A_357 : i32
        %add3A_359 = arith.constant 8 : i32
        %add3A_360 = arith.addi %mul3A_358, %add3A_359 : i32
        %dma_start3A_361 = arith.constant 1 : i32
        %dma_start3A_362 = arith.constant 0 : i32
        %dma_start3A_363 = tpu.memref_slice %arg7[%add3A_360, %dma_start3A_362] : memref<64x130xf32, #tpu.memory_space<vmem>> -> memref<8x128xf32, #tpu.memory_space<vmem>>
        %dma_start3A_364 = arith.constant 0 : i32
        %dma_start3A_365 = arith.constant 0 : i32
        %dma_start3A_366 = tpu.memref_slice %arg4[%select_n3A, %dma_start3A_361, %rem3A_261, %dma_start3A_364, %dma_start3A_365] : memref<200x4x32x8x128xf32, #tpu.memory_space<hbm>> -> memref<1x1x1x8x128xf32, #tpu.memory_space<hbm>>
        %dma_start3A_367 = tpu.memref_squeeze %dma_start3A_366 : memref<1x1x1x8x128xf32, #tpu.memory_space<hbm>> -> memref<8x128xf32, #tpu.memory_space<hbm>>
        %dma_start3A_368 = arith.constant 0 : i32
        %dma_start3A_369 = arith.constant 0 : i32
        %dma_start3A_370 = tpu.memref_slice %arg4[%select_n3A, %dma_start3A_361, %rem3A_261, %dma_start3A_368, %dma_start3A_369] : memref<200x4x32x8x128xf32, #tpu.memory_space<hbm>> -> memref<1x1x1x8x128xf32, #tpu.memory_space<hbm>>
        %dma_start3A_371 = tpu.memref_squeeze %dma_start3A_370 : memref<1x1x1x8x128xf32, #tpu.memory_space<hbm>> -> memref<8x128xf32, #tpu.memory_space<hbm>>
        %dma_start3A_372 = arith.constant 0 : i32
        %dma_start3A_373 = tpu.memref_slice %arg7[%add3A_360, %dma_start3A_372] : memref<64x130xf32, #tpu.memory_space<vmem>> -> memref<8x128xf32, #tpu.memory_space<vmem>>
        tpu.enqueue_dma source(%dma_start3A_373 : memref<8x128xf32, #tpu.memory_space<vmem>>) target(%dma_start3A_371 : memref<8x128xf32, #tpu.memory_space<hbm>>) target_semaphore(%arg10 : memref<!tpu.dma_semaphore, #tpu.memory_space<semaphore_mem>>)
        %mul3A_374 = arith.constant 32 : i32
        %mul3A_375 = arith.muli %rem3A_241, %mul3A_374 : i32
        %add3A_376 = arith.constant 16 : i32
        %add3A_377 = arith.addi %mul3A_375, %add3A_376 : i32
        %dma_start3A_378 = arith.constant 2 : i32
        %dma_start3A_379 = arith.constant 0 : i32
        %dma_start3A_380 = tpu.memref_slice %arg7[%add3A_377, %dma_start3A_379] : memref<64x130xf32, #tpu.memory_space<vmem>> -> memref<8x128xf32, #tpu.memory_space<vmem>>
        %dma_start3A_381 = arith.constant 0 : i32
        %dma_start3A_382 = arith.constant 0 : i32
        %dma_start3A_383 = tpu.memref_slice %arg4[%select_n3A, %dma_start3A_378, %rem3A_261, %dma_start3A_381, %dma_start3A_382] : memref<200x4x32x8x128xf32, #tpu.memory_space<hbm>> -> memref<1x1x1x8x128xf32, #tpu.memory_space<hbm>>
        %dma_start3A_384 = tpu.memref_squeeze %dma_start3A_383 : memref<1x1x1x8x128xf32, #tpu.memory_space<hbm>> -> memref<8x128xf32, #tpu.memory_space<hbm>>
        %dma_start3A_385 = arith.constant 0 : i32
        %dma_start3A_386 = arith.constant 0 : i32
        %dma_start3A_387 = tpu.memref_slice %arg4[%select_n3A, %dma_start3A_378, %rem3A_261, %dma_start3A_385, %dma_start3A_386] : memref<200x4x32x8x128xf32, #tpu.memory_space<hbm>> -> memref<1x1x1x8x128xf32, #tpu.memory_space<hbm>>
        %dma_start3A_388 = tpu.memref_squeeze %dma_start3A_387 : memref<1x1x1x8x128xf32, #tpu.memory_space<hbm>> -> memref<8x128xf32, #tpu.memory_space<hbm>>
        %dma_start3A_389 = arith.constant 0 : i32
        %dma_start3A_390 = tpu.memref_slice %arg7[%add3A_377, %dma_start3A_389] : memref<64x130xf32, #tpu.memory_space<vmem>> -> memref<8x128xf32, #tpu.memory_space<vmem>>
        tpu.enqueue_dma source(%dma_start3A_390 : memref<8x128xf32, #tpu.memory_space<vmem>>) target(%dma_start3A_388 : memref<8x128xf32, #tpu.memory_space<hbm>>) target_semaphore(%arg10 : memref<!tpu.dma_semaphore, #tpu.memory_space<semaphore_mem>>)
        %mul3A_391 = arith.constant 32 : i32
        %mul3A_392 = arith.muli %rem3A_241, %mul3A_391 : i32
        %add3A_393 = arith.constant 24 : i32
        %add3A_394 = arith.addi %mul3A_392, %add3A_393 : i32
        %dma_start3A_395 = arith.constant 3 : i32
        %dma_start3A_396 = arith.constant 0 : i32
        %dma_start3A_397 = tpu.memref_slice %arg7[%add3A_394, %dma_start3A_396] : memref<64x130xf32, #tpu.memory_space<vmem>> -> memref<8x128xf32, #tpu.memory_space<vmem>>
        %dma_start3A_398 = arith.constant 0 : i32
        %dma_start3A_399 = arith.constant 0 : i32
        %dma_start3A_400 = tpu.memref_slice %arg4[%select_n3A, %dma_start3A_395, %rem3A_261, %dma_start3A_398, %dma_start3A_399] : memref<200x4x32x8x128xf32, #tpu.memory_space<hbm>> -> memref<1x1x1x8x128xf32, #tpu.memory_space<hbm>>
        %dma_start3A_401 = tpu.memref_squeeze %dma_start3A_400 : memref<1x1x1x8x128xf32, #tpu.memory_space<hbm>> -> memref<8x128xf32, #tpu.memory_space<hbm>>
        %dma_start3A_402 = arith.constant 0 : i32
        %dma_start3A_403 = arith.constant 0 : i32
        %dma_start3A_404 = tpu.memref_slice %arg4[%select_n3A, %dma_start3A_395, %rem3A_261, %dma_start3A_402, %dma_start3A_403] : memref<200x4x32x8x128xf32, #tpu.memory_space<hbm>> -> memref<1x1x1x8x128xf32, #tpu.memory_space<hbm>>
        %dma_start3A_405 = tpu.memref_squeeze %dma_start3A_404 : memref<1x1x1x8x128xf32, #tpu.memory_space<hbm>> -> memref<8x128xf32, #tpu.memory_space<hbm>>
        %dma_start3A_406 = arith.constant 0 : i32
        %dma_start3A_407 = tpu.memref_slice %arg7[%add3A_394, %dma_start3A_406] : memref<64x130xf32, #tpu.memory_space<vmem>> -> memref<8x128xf32, #tpu.memory_space<vmem>>
        tpu.enqueue_dma source(%dma_start3A_407 : memref<8x128xf32, #tpu.memory_space<vmem>>) target(%dma_start3A_405 : memref<8x128xf32, #tpu.memory_space<hbm>>) target_semaphore(%arg10 : memref<!tpu.dma_semaphore, #tpu.memory_space<semaphore_mem>>)
      } else {
      }
    }
    %scan3A_101 = arith.constant 200 : i32
    %dma_wait3A = arith.constant 0 : i32
    %dma_wait3A_102 = arith.constant 0 : i32
    %dma_wait3A_103 = arith.constant 0 : i32
    %dma_wait3A_104 = arith.constant 0 : i32
    %dma_wait3A_105 = arith.constant 0 : i32
    %dma_wait3A_106 = tpu.memref_slice %arg7[%dma_wait3A_104, %dma_wait3A_105] : memref<64x130xf32, #tpu.memory_space<vmem>> -> memref<8x128xf32, #tpu.memory_space<vmem>>
    %dma_wait3A_107 = arith.constant 0 : i32
    %dma_wait3A_108 = arith.constant 0 : i32
    %dma_wait3A_109 = tpu.memref_slice %arg4[%dma_wait3A, %dma_wait3A_102, %dma_wait3A_103, %dma_wait3A_107, %dma_wait3A_108] : memref<200x4x32x8x128xf32, #tpu.memory_space<hbm>> -> memref<1x1x1x8x128xf32, #tpu.memory_space<hbm>>
    %dma_wait3A_110 = tpu.memref_squeeze %dma_wait3A_109 : memref<1x1x1x8x128xf32, #tpu.memory_space<hbm>> -> memref<8x128xf32, #tpu.memory_space<hbm>>
    %dma_wait3A_111 = arith.constant 0 : i32
    %dma_wait3A_112 = arith.constant 0 : i32
    %dma_wait3A_113 = tpu.memref_slice %arg4[%dma_wait3A, %dma_wait3A_102, %dma_wait3A_103, %dma_wait3A_111, %dma_wait3A_112] : memref<200x4x32x8x128xf32, #tpu.memory_space<hbm>> -> memref<1x1x1x8x128xf32, #tpu.memory_space<hbm>>
    %dma_wait3A_114 = tpu.memref_squeeze %dma_wait3A_113 : memref<1x1x1x8x128xf32, #tpu.memory_space<hbm>> -> memref<8x128xf32, #tpu.memory_space<hbm>>
    %dma_wait3A_115 = arith.constant 0 : i32
    %dma_wait3A_116 = arith.constant 0 : i32
    %dma_wait3A_117 = tpu.memref_slice %arg7[%dma_wait3A_115, %dma_wait3A_116] : memref<64x130xf32, #tpu.memory_space<vmem>> -> memref<8x128xf32, #tpu.memory_space<vmem>>
    tpu.wait_dma2 semaphore(%arg9 : memref<!tpu.dma_semaphore, #tpu.memory_space<semaphore_mem>>) src(%dma_wait3A_117 : memref<8x128xf32, #tpu.memory_space<vmem>>) dst(%dma_wait3A_114 : memref<8x128xf32, #tpu.memory_space<hbm>>)
    %dma_wait3A_118 = arith.constant 0 : i32
    %dma_wait3A_119 = arith.constant 1 : i32
    %dma_wait3A_120 = arith.constant 0 : i32
    %dma_wait3A_121 = arith.constant 0 : i32
    %dma_wait3A_122 = arith.constant 0 : i32
    %dma_wait3A_123 = tpu.memref_slice %arg7[%dma_wait3A_121, %dma_wait3A_122] : memref<64x130xf32, #tpu.memory_space<vmem>> -> memref<8x128xf32, #tpu.memory_space<vmem>>
    %dma_wait3A_124 = arith.constant 0 : i32
    %dma_wait3A_125 = arith.constant 0 : i32
    %dma_wait3A_126 = tpu.memref_slice %arg4[%dma_wait3A_118, %dma_wait3A_119, %dma_wait3A_120, %dma_wait3A_124, %dma_wait3A_125] : memref<200x4x32x8x128xf32, #tpu.memory_space<hbm>> -> memref<1x1x1x8x128xf32, #tpu.memory_space<hbm>>
    %dma_wait3A_127 = tpu.memref_squeeze %dma_wait3A_126 : memref<1x1x1x8x128xf32, #tpu.memory_space<hbm>> -> memref<8x128xf32, #tpu.memory_space<hbm>>
    %dma_wait3A_128 = arith.constant 0 : i32
    %dma_wait3A_129 = arith.constant 0 : i32
    %dma_wait3A_130 = tpu.memref_slice %arg4[%dma_wait3A_118, %dma_wait3A_119, %dma_wait3A_120, %dma_wait3A_128, %dma_wait3A_129] : memref<200x4x32x8x128xf32, #tpu.memory_space<hbm>> -> memref<1x1x1x8x128xf32, #tpu.memory_space<hbm>>
    %dma_wait3A_131 = tpu.memref_squeeze %dma_wait3A_130 : memref<1x1x1x8x128xf32, #tpu.memory_space<hbm>> -> memref<8x128xf32, #tpu.memory_space<hbm>>
    %dma_wait3A_132 = arith.constant 0 : i32
    %dma_wait3A_133 = arith.constant 0 : i32
    %dma_wait3A_134 = tpu.memref_slice %arg7[%dma_wait3A_132, %dma_wait3A_133] : memref<64x130xf32, #tpu.memory_space<vmem>> -> memref<8x128xf32, #tpu.memory_space<vmem>>
    tpu.wait_dma2 semaphore(%arg9 : memref<!tpu.dma_semaphore, #tpu.memory_space<semaphore_mem>>) src(%dma_wait3A_134 : memref<8x128xf32, #tpu.memory_space<vmem>>) dst(%dma_wait3A_131 : memref<8x128xf32, #tpu.memory_space<hbm>>)
    %dma_wait3A_135 = arith.constant 0 : i32
    %dma_wait3A_136 = arith.constant 2 : i32
    %dma_wait3A_137 = arith.constant 0 : i32
    %dma_wait3A_138 = arith.constant 0 : i32
    %dma_wait3A_139 = arith.constant 0 : i32
    %dma_wait3A_140 = tpu.memref_slice %arg7[%dma_wait3A_138, %dma_wait3A_139] : memref<64x130xf32, #tpu.memory_space<vmem>> -> memref<8x128xf32, #tpu.memory_space<vmem>>
    %dma_wait3A_141 = arith.constant 0 : i32
    %dma_wait3A_142 = arith.constant 0 : i32
    %dma_wait3A_143 = tpu.memref_slice %arg4[%dma_wait3A_135, %dma_wait3A_136, %dma_wait3A_137, %dma_wait3A_141, %dma_wait3A_142] : memref<200x4x32x8x128xf32, #tpu.memory_space<hbm>> -> memref<1x1x1x8x128xf32, #tpu.memory_space<hbm>>
    %dma_wait3A_144 = tpu.memref_squeeze %dma_wait3A_143 : memref<1x1x1x8x128xf32, #tpu.memory_space<hbm>> -> memref<8x128xf32, #tpu.memory_space<hbm>>
    %dma_wait3A_145 = arith.constant 0 : i32
    %dma_wait3A_146 = arith.constant 0 : i32
    %dma_wait3A_147 = tpu.memref_slice %arg4[%dma_wait3A_135, %dma_wait3A_136, %dma_wait3A_137, %dma_wait3A_145, %dma_wait3A_146] : memref<200x4x32x8x128xf32, #tpu.memory_space<hbm>> -> memref<1x1x1x8x128xf32, #tpu.memory_space<hbm>>
    %dma_wait3A_148 = tpu.memref_squeeze %dma_wait3A_147 : memref<1x1x1x8x128xf32, #tpu.memory_space<hbm>> -> memref<8x128xf32, #tpu.memory_space<hbm>>
    %dma_wait3A_149 = arith.constant 0 : i32
    %dma_wait3A_150 = arith.constant 0 : i32
    %dma_wait3A_151 = tpu.memref_slice %arg7[%dma_wait3A_149, %dma_wait3A_150] : memref<64x130xf32, #tpu.memory_space<vmem>> -> memref<8x128xf32, #tpu.memory_space<vmem>>
    tpu.wait_dma2 semaphore(%arg9 : memref<!tpu.dma_semaphore, #tpu.memory_space<semaphore_mem>>) src(%dma_wait3A_151 : memref<8x128xf32, #tpu.memory_space<vmem>>) dst(%dma_wait3A_148 : memref<8x128xf32, #tpu.memory_space<hbm>>)
    %dma_wait3A_152 = arith.constant 0 : i32
    %dma_wait3A_153 = arith.constant 3 : i32
    %dma_wait3A_154 = arith.constant 0 : i32
    %dma_wait3A_155 = arith.constant 0 : i32
    %dma_wait3A_156 = arith.constant 0 : i32
    %dma_wait3A_157 = tpu.memref_slice %arg7[%dma_wait3A_155, %dma_wait3A_156] : memref<64x130xf32, #tpu.memory_space<vmem>> -> memref<8x128xf32, #tpu.memory_space<vmem>>
    %dma_wait3A_158 = arith.constant 0 : i32
    %dma_wait3A_159 = arith.constant 0 : i32
    %dma_wait3A_160 = tpu.memref_slice %arg4[%dma_wait3A_152, %dma_wait3A_153, %dma_wait3A_154, %dma_wait3A_158, %dma_wait3A_159] : memref<200x4x32x8x128xf32, #tpu.memory_space<hbm>> -> memref<1x1x1x8x128xf32, #tpu.memory_space<hbm>>
    %dma_wait3A_161 = tpu.memref_squeeze %dma_wait3A_160 : memref<1x1x1x8x128xf32, #tpu.memory_space<hbm>> -> memref<8x128xf32, #tpu.memory_space<hbm>>
    %dma_wait3A_162 = arith.constant 0 : i32
    %dma_wait3A_163 = arith.constant 0 : i32
    %dma_wait3A_164 = tpu.memref_slice %arg4[%dma_wait3A_152, %dma_wait3A_153, %dma_wait3A_154, %dma_wait3A_162, %dma_wait3A_163] : memref<200x4x32x8x128xf32, #tpu.memory_space<hbm>> -> memref<1x1x1x8x128xf32, #tpu.memory_space<hbm>>
    %dma_wait3A_165 = tpu.memref_squeeze %dma_wait3A_164 : memref<1x1x1x8x128xf32, #tpu.memory_space<hbm>> -> memref<8x128xf32, #tpu.memory_space<hbm>>
    %dma_wait3A_166 = arith.constant 0 : i32
    %dma_wait3A_167 = arith.constant 0 : i32
    %dma_wait3A_168 = tpu.memref_slice %arg7[%dma_wait3A_166, %dma_wait3A_167] : memref<64x130xf32, #tpu.memory_space<vmem>> -> memref<8x128xf32, #tpu.memory_space<vmem>>
    tpu.wait_dma2 semaphore(%arg9 : memref<!tpu.dma_semaphore, #tpu.memory_space<semaphore_mem>>) src(%dma_wait3A_168 : memref<8x128xf32, #tpu.memory_space<vmem>>) dst(%dma_wait3A_165 : memref<8x128xf32, #tpu.memory_space<hbm>>)
    %dma_wait3A_169 = arith.constant 0 : i32
    %dma_wait3A_170 = arith.constant 0 : i32
    %dma_wait3A_171 = arith.constant 0 : i32
    %dma_wait3A_172 = arith.constant 0 : i32
    %dma_wait3A_173 = arith.constant 0 : i32
    %dma_wait3A_174 = tpu.memref_slice %arg7[%dma_wait3A_172, %dma_wait3A_173] : memref<64x130xf32, #tpu.memory_space<vmem>> -> memref<8x128xf32, #tpu.memory_space<vmem>>
    %dma_wait3A_175 = arith.constant 0 : i32
    %dma_wait3A_176 = arith.constant 0 : i32
    %dma_wait3A_177 = tpu.memref_slice %arg4[%dma_wait3A_169, %dma_wait3A_170, %dma_wait3A_171, %dma_wait3A_175, %dma_wait3A_176] : memref<200x4x32x8x128xf32, #tpu.memory_space<hbm>> -> memref<1x1x1x8x128xf32, #tpu.memory_space<hbm>>
    %dma_wait3A_178 = tpu.memref_squeeze %dma_wait3A_177 : memref<1x1x1x8x128xf32, #tpu.memory_space<hbm>> -> memref<8x128xf32, #tpu.memory_space<hbm>>
    %dma_wait3A_179 = arith.constant 0 : i32
    %dma_wait3A_180 = arith.constant 0 : i32
    %dma_wait3A_181 = tpu.memref_slice %arg4[%dma_wait3A_169, %dma_wait3A_170, %dma_wait3A_171, %dma_wait3A_179, %dma_wait3A_180] : memref<200x4x32x8x128xf32, #tpu.memory_space<hbm>> -> memref<1x1x1x8x128xf32, #tpu.memory_space<hbm>>
    %dma_wait3A_182 = tpu.memref_squeeze %dma_wait3A_181 : memref<1x1x1x8x128xf32, #tpu.memory_space<hbm>> -> memref<8x128xf32, #tpu.memory_space<hbm>>
    %dma_wait3A_183 = arith.constant 0 : i32
    %dma_wait3A_184 = arith.constant 0 : i32
    %dma_wait3A_185 = tpu.memref_slice %arg7[%dma_wait3A_183, %dma_wait3A_184] : memref<64x130xf32, #tpu.memory_space<vmem>> -> memref<8x128xf32, #tpu.memory_space<vmem>>
    tpu.wait_dma2 semaphore(%arg10 : memref<!tpu.dma_semaphore, #tpu.memory_space<semaphore_mem>>) src(%dma_wait3A_185 : memref<8x128xf32, #tpu.memory_space<vmem>>) dst(%dma_wait3A_182 : memref<8x128xf32, #tpu.memory_space<hbm>>)
    %dma_wait3A_186 = arith.constant 0 : i32
    %dma_wait3A_187 = arith.constant 1 : i32
    %dma_wait3A_188 = arith.constant 0 : i32
    %dma_wait3A_189 = arith.constant 0 : i32
    %dma_wait3A_190 = arith.constant 0 : i32
    %dma_wait3A_191 = tpu.memref_slice %arg7[%dma_wait3A_189, %dma_wait3A_190] : memref<64x130xf32, #tpu.memory_space<vmem>> -> memref<8x128xf32, #tpu.memory_space<vmem>>
    %dma_wait3A_192 = arith.constant 0 : i32
    %dma_wait3A_193 = arith.constant 0 : i32
    %dma_wait3A_194 = tpu.memref_slice %arg4[%dma_wait3A_186, %dma_wait3A_187, %dma_wait3A_188, %dma_wait3A_192, %dma_wait3A_193] : memref<200x4x32x8x128xf32, #tpu.memory_space<hbm>> -> memref<1x1x1x8x128xf32, #tpu.memory_space<hbm>>
    %dma_wait3A_195 = tpu.memref_squeeze %dma_wait3A_194 : memref<1x1x1x8x128xf32, #tpu.memory_space<hbm>> -> memref<8x128xf32, #tpu.memory_space<hbm>>
    %dma_wait3A_196 = arith.constant 0 : i32
    %dma_wait3A_197 = arith.constant 0 : i32
    %dma_wait3A_198 = tpu.memref_slice %arg4[%dma_wait3A_186, %dma_wait3A_187, %dma_wait3A_188, %dma_wait3A_196, %dma_wait3A_197] : memref<200x4x32x8x128xf32, #tpu.memory_space<hbm>> -> memref<1x1x1x8x128xf32, #tpu.memory_space<hbm>>
    %dma_wait3A_199 = tpu.memref_squeeze %dma_wait3A_198 : memref<1x1x1x8x128xf32, #tpu.memory_space<hbm>> -> memref<8x128xf32, #tpu.memory_space<hbm>>
    %dma_wait3A_200 = arith.constant 0 : i32
    %dma_wait3A_201 = arith.constant 0 : i32
    %dma_wait3A_202 = tpu.memref_slice %arg7[%dma_wait3A_200, %dma_wait3A_201] : memref<64x130xf32, #tpu.memory_space<vmem>> -> memref<8x128xf32, #tpu.memory_space<vmem>>
    tpu.wait_dma2 semaphore(%arg10 : memref<!tpu.dma_semaphore, #tpu.memory_space<semaphore_mem>>) src(%dma_wait3A_202 : memref<8x128xf32, #tpu.memory_space<vmem>>) dst(%dma_wait3A_199 : memref<8x128xf32, #tpu.memory_space<hbm>>)
    %dma_wait3A_203 = arith.constant 0 : i32
    %dma_wait3A_204 = arith.constant 2 : i32
    %dma_wait3A_205 = arith.constant 0 : i32
    %dma_wait3A_206 = arith.constant 0 : i32
    %dma_wait3A_207 = arith.constant 0 : i32
    %dma_wait3A_208 = tpu.memref_slice %arg7[%dma_wait3A_206, %dma_wait3A_207] : memref<64x130xf32, #tpu.memory_space<vmem>> -> memref<8x128xf32, #tpu.memory_space<vmem>>
    %dma_wait3A_209 = arith.constant 0 : i32
    %dma_wait3A_210 = arith.constant 0 : i32
    %dma_wait3A_211 = tpu.memref_slice %arg4[%dma_wait3A_203, %dma_wait3A_204, %dma_wait3A_205, %dma_wait3A_209, %dma_wait3A_210] : memref<200x4x32x8x128xf32, #tpu.memory_space<hbm>> -> memref<1x1x1x8x128xf32, #tpu.memory_space<hbm>>
    %dma_wait3A_212 = tpu.memref_squeeze %dma_wait3A_211 : memref<1x1x1x8x128xf32, #tpu.memory_space<hbm>> -> memref<8x128xf32, #tpu.memory_space<hbm>>
    %dma_wait3A_213 = arith.constant 0 : i32
    %dma_wait3A_214 = arith.constant 0 : i32
    %dma_wait3A_215 = tpu.memref_slice %arg4[%dma_wait3A_203, %dma_wait3A_204, %dma_wait3A_205, %dma_wait3A_213, %dma_wait3A_214] : memref<200x4x32x8x128xf32, #tpu.memory_space<hbm>> -> memref<1x1x1x8x128xf32, #tpu.memory_space<hbm>>
    %dma_wait3A_216 = tpu.memref_squeeze %dma_wait3A_215 : memref<1x1x1x8x128xf32, #tpu.memory_space<hbm>> -> memref<8x128xf32, #tpu.memory_space<hbm>>
    %dma_wait3A_217 = arith.constant 0 : i32
    %dma_wait3A_218 = arith.constant 0 : i32
    %dma_wait3A_219 = tpu.memref_slice %arg7[%dma_wait3A_217, %dma_wait3A_218] : memref<64x130xf32, #tpu.memory_space<vmem>> -> memref<8x128xf32, #tpu.memory_space<vmem>>
    tpu.wait_dma2 semaphore(%arg10 : memref<!tpu.dma_semaphore, #tpu.memory_space<semaphore_mem>>) src(%dma_wait3A_219 : memref<8x128xf32, #tpu.memory_space<vmem>>) dst(%dma_wait3A_216 : memref<8x128xf32, #tpu.memory_space<hbm>>)
    %dma_wait3A_220 = arith.constant 0 : i32
    %dma_wait3A_221 = arith.constant 3 : i32
    %dma_wait3A_222 = arith.constant 0 : i32
    %dma_wait3A_223 = arith.constant 0 : i32
    %dma_wait3A_224 = arith.constant 0 : i32
    %dma_wait3A_225 = tpu.memref_slice %arg7[%dma_wait3A_223, %dma_wait3A_224] : memref<64x130xf32, #tpu.memory_space<vmem>> -> memref<8x128xf32, #tpu.memory_space<vmem>>
    %dma_wait3A_226 = arith.constant 0 : i32
    %dma_wait3A_227 = arith.constant 0 : i32
    %dma_wait3A_228 = tpu.memref_slice %arg4[%dma_wait3A_220, %dma_wait3A_221, %dma_wait3A_222, %dma_wait3A_226, %dma_wait3A_227] : memref<200x4x32x8x128xf32, #tpu.memory_space<hbm>> -> memref<1x1x1x8x128xf32, #tpu.memory_space<hbm>>
    %dma_wait3A_229 = tpu.memref_squeeze %dma_wait3A_228 : memref<1x1x1x8x128xf32, #tpu.memory_space<hbm>> -> memref<8x128xf32, #tpu.memory_space<hbm>>
    %dma_wait3A_230 = arith.constant 0 : i32
    %dma_wait3A_231 = arith.constant 0 : i32
    %dma_wait3A_232 = tpu.memref_slice %arg4[%dma_wait3A_220, %dma_wait3A_221, %dma_wait3A_222, %dma_wait3A_230, %dma_wait3A_231] : memref<200x4x32x8x128xf32, #tpu.memory_space<hbm>> -> memref<1x1x1x8x128xf32, #tpu.memory_space<hbm>>
    %dma_wait3A_233 = tpu.memref_squeeze %dma_wait3A_232 : memref<1x1x1x8x128xf32, #tpu.memory_space<hbm>> -> memref<8x128xf32, #tpu.memory_space<hbm>>
    %dma_wait3A_234 = arith.constant 0 : i32
    %dma_wait3A_235 = arith.constant 0 : i32
    %dma_wait3A_236 = tpu.memref_slice %arg7[%dma_wait3A_234, %dma_wait3A_235] : memref<64x130xf32, #tpu.memory_space<vmem>> -> memref<8x128xf32, #tpu.memory_space<vmem>>
    tpu.wait_dma2 semaphore(%arg10 : memref<!tpu.dma_semaphore, #tpu.memory_space<semaphore_mem>>) src(%dma_wait3A_236 : memref<8x128xf32, #tpu.memory_space<vmem>>) dst(%dma_wait3A_233 : memref<8x128xf32, #tpu.memory_space<hbm>>)
    return
  }
}

</mosaic_0001>

<sc_bundles>
// kernel: kernel.4.cloned.1.call-start
scs
__scs_entry_jumppad:
0x0: {  	(pc) =	sbr.rel $0x88, $3  }
0x1: {  	(tag) =	ssettag $0x0;
	lr =	simm.s32 $0x1  }
0x2: {  	[smem:$0x3F9F] =	sst lr;
	_ =	strace $0xD0000000  }
0x3: {  	_ = 	snop  }
0x4: {  	_ = 	snop  }
0x5: {  	_ = 	snop  }
0x6: {  	_ = 	snop  }
0x7: {  	_ = 	snop  }
__scs_overlays_trampoline_lowered:
0x8: {  	[smem:$0x3FAE] =	sst s0  }
0x9: {  	[smem:$0x3FAF] =	sst s1  }
0xa: {  	[smem:$0x3FB0] =	sst s2  }
0xb: {  	[smem:$0x3FB1] =	sst s3  }
0xc: {  	[smem:$0x3FB2] =	sst s4  }
0xd: {  	[smem:$0x3FB3] =	sst s5  }
0xe: {  	[smem:$0x3FB4] =	sst s6  }
0xf: {  	[smem:$0x3FB5] =	sst s7  }
0x10: {  	[smem:$0x3FB6] =	sst s8  }
0x11: {  	[smem:$0x3FB7] =	sst s9;
	s0 =	simm.s32 @!p0 $0x0  }
0x12: {  	s1 =	sld [smem:$0x3F9D];
	s0 =	simm.s32 @p0 $0x1  }
0x13: {  	[smem:$0x3FB8] =	sst s0;
	s0 =	simm.s32 @!p1 $0x0  }
0x14: {  	s2 =	sld [smem:$0x3F9C];
	s0 =	simm.s32 @p1 $0x1  }
0x15: {  	[smem:$0x3FB9] =	sst s0;
	s0 =	simm.s32 @!p2 $0x0  }
0x16: {  	s3 =	sld [smem:$0x3FDB];
	s0 =	simm.s32 @p2 $0x1  }
0x17: {  	s4 =	simm.s32 $0x1BF5;
	[smem:$0x3FBB] =	sst s0  }
0x18: {  	s0 =	sld [smem:$0x3F9E];
	_ =	swait.ge [sflag:s4], $0x0  }
0x19: {  	s7 =	sld [smem:$0x3F9F]  }
0x1a: {  	s8 =	sadd.s32 $0xFFFFE003, lr  }
0x1b: {  	s9 =	sadd.s32 $0xFFFFFEF7, lr;
	s5 =	simm.s32 $0xFFFFFFFF;
	p2 =	slt.u32 s8, $0xFFFFF086  }
0x1c: {  	p1 =	slt.u32 s9, $0xF7A;
	s5 =	simm.s32 @!p2 $0x0  }
0x1d: {  	s5 =	simm.s32 @p1 $0x1;
	p0 =	seq.s32 s7, s2  }
0x1e: {  	s7 =	smul.u32 @!p0 $0xF7A, s2;
	p2 =	seq.s32 @!p0 s5, $0x0  }
0x1f: {  	s9 =	smul.u32 $0xF7A, s1;
	s8 =	simm.s32 @!p0 $0x1BF5;
	p2 =	por !p2, p0  }
0x20: {  	[sflag:s8] =	ssyncset.s32 @!p0 $0xFFFFF086;
	s6 =	sadd.s32 @!p0 s3, s7;
	s7 =	simm.s32 @!p0 $0x108  }
0x21: {  	s3 =	sadd.s32 s3, s9;
	s6 =	sadd.s32 @!p0 $0x88, s6;
	s7 =	simm.s32 @p2 $0x1082  }
0x22: {  	[simem:s7], [sflag:s8] =	dma.local @!p0 [hbm:s6], $0xF7A  }
0x23: {  	s9 =	sor.u32 $0xD0000000, s2;
	s6 =	simm.s32 $0x108;
	_ =	swait.ge @!p0 [sflag:s8], $0x0  }
0x24: {  	s3 =	sadd.s32 $0x88, s3;
	s6 =	simm.s32 @!p1 $0x1082;
	[sflag:s4] =	ssyncset.s32 $0xFFFFF086  }
0x25: {  	[simem:s6], [sflag:s4] =	dma.local [hbm:s3], $0xF7A  }
0x26: {  	[smem:$0x3F9F] =	sst s1;
	(tag) =	ssettag s2;
	_ =	strace s9  }
0x27: {  	s1 =	sld [smem:$0x3FAF]  }
0x28: {  	s2 =	sld [smem:$0x3FB0]  }
0x29: {  	s4 =	sld [smem:$0x3FB2]  }
0x2a: {  	p0 =	seq.s32 s5, $0x0;
	s5 =	sld [smem:$0x3FB3]  }
0x2b: {  	s6 =	sld [smem:$0x3FB4]  }
0x2c: {  	s7 =	sld [smem:$0x3FB5]  }
0x2d: {  	s3 =	simm.s32 $0x108;
	s8 =	sld [smem:$0x3FB6]  }
0x2e: {  	s3 =	simm.s32 @!p0 $0x1082;
	s9 =	sld [smem:$0x3FB7]  }
0x2f: {  	lr =	sadd.s32 s0, s3;
	s0 =	sld [smem:$0x3FAE]  }
0x30: {  	s3 =	sld [smem:$0x3FB1]  }
0x31: {  	[smem:$0x3FBA] =	sst s10  }
0x32: {  	s10 =	sld [smem:$0x3FB8];
	_ =	sdelay $0x3  }
0x33: {  	p0 =	seq.s32 s10, $0x1;
	s10 =	sld [smem:$0x3FBA];
	_ =	sdelay $0x3  }
0x34: {  	[smem:$0x3FBA] =	sst s10  }
0x35: {  	s10 =	sld [smem:$0x3FB9];
	_ =	sdelay $0x3  }
0x36: {  	p1 =	seq.s32 s10, $0x1;
	s10 =	sld [smem:$0x3FBA];
	_ =	sdelay $0x3  }
0x37: {  	[smem:$0x3FBA] =	sst s10  }
0x38: {  	s10 =	sld [smem:$0x3FBB]  }
0x39: {  	_ = 	snop;
	(pc) =	sbr.ind lr, $3  }
0x3a: {  	_ = 	snop  }
0x3b: {  	_ = 	snop  }
0x3c: {  	p2 =	seq.s32 s10, $0x1;
	s10 =	sld [smem:$0x3FBA]  }
0x3d: {  	_ =	shalt  }
0x3e: {  	_ =	shalt  }
0x3f: {  	_ =	shalt  }
0x40: {  	_ =	shalt  }
0x41: {  	_ =	shalt  }
0x42: {  	_ =	shalt  }
0x43: {  	_ =	shalt  }
0x44: {  	_ =	shalt  }
0x45: {  	_ =	shalt  }
0x46: {  	_ =	shalt  }
0x47: {  	_ =	shalt  }
0x48: {  	_ =	shalt  }
0x49: {  	_ =	shalt  }
0x4a: {  	_ =	shalt  }
0x4b: {  	_ =	shalt  }
0x4c: {  	_ =	shalt  }
0x4d: {  	_ =	shalt  }
0x4e: {  	_ =	shalt  }
0x4f: {  	_ =	shalt  }
0x50: {  	_ =	shalt  }
0x51: {  	_ =	shalt  }
0x52: {  	_ =	shalt  }
0x53: {  	_ =	shalt  }
0x54: {  	_ =	shalt  }
0x55: {  	_ =	shalt  }
0x56: {  	_ =	shalt  }
0x57: {  	_ =	shalt  }
0x58: {  	_ =	shalt  }
0x59: {  	_ =	shalt  }
0x5a: {  	_ =	shalt  }
0x5b: {  	_ =	shalt  }
0x5c: {  	_ =	shalt  }
0x5d: {  	_ =	shalt  }
0x5e: {  	_ =	shalt  }
0x5f: {  	_ =	shalt  }
0x60: {  	_ =	shalt  }
0x61: {  	_ =	shalt  }
0x62: {  	_ =	shalt  }
0x63: {  	_ =	shalt  }
0x64: {  	_ =	shalt  }
0x65: {  	_ =	shalt  }
0x66: {  	_ =	shalt  }
0x67: {  	_ =	shalt  }
0x68: {  	_ =	shalt  }
0x69: {  	_ =	shalt  }
0x6a: {  	_ =	shalt  }
0x6b: {  	_ =	shalt  }
0x6c: {  	_ =	shalt  }
0x6d: {  	_ =	shalt  }
0x6e: {  	_ =	shalt  }
0x6f: {  	_ =	shalt  }
0x70: {  	_ =	shalt  }
0x71: {  	_ =	shalt  }
0x72: {  	_ =	shalt  }
0x73: {  	_ =	shalt  }
0x74: {  	_ =	shalt  }
0x75: {  	_ =	shalt  }
0x76: {  	_ =	shalt  }
0x77: {  	_ =	shalt  }
0x78: {  	_ =	shalt  }
0x79: {  	_ =	shalt  }
0x7a: {  	_ =	shalt  }
0x7b: {  	_ =	shalt  }
0x7c: {  	_ =	shalt  }
0x7d: {  	_ =	shalt  }
0x7e: {  	_ =	shalt  }
0x7f: {  	_ =	shalt  }
0x80: {  	_ =	shalt  }
0x81: {  	_ =	shalt  }
0x82: {  	_ =	shalt  }
0x83: {  	_ =	shalt  }
0x84: {  	_ =	shalt  }
0x85: {  	_ =	shalt  }
0x86: {  	_ =	shalt  }
0x87: {  	_ =	shalt  }
.Lfunc_end0:
.L_simem_size_0:
called_computation_lowered:
.L_overlay_start_0:
0x88: {  	s2 =	sld [smem:$0x3FD9]  }
0x89: {  	s3 =	sld [smem:$0x3FFE];
	_ =	sdelay $0x1  }
0x8a: {  	s1 =	srdreg.scid  }
0x8b: {  	s0 =	sand.u32 $0x1, s1  }
0x8c: {  	s17 =	sshll.u32 s0, $0xA;
	s2 =	sadd.s32 s3, s2  }
0x8d: {  	s2 =	sadd.s32 s2, s17  }
0x8e: {  	[smem:$0x3FC6] =	sst s2  }
0x8f: {  	_ = 	snop  }
0x90: {  	s2 =	sld [smem:$0x3FC8]  }
0x91: {  	s18 =	sld [smem:$0x3FD0];
	(tm) =	ssettm $0x1  }
0x92: {  	s4 =	sld [smem:$0x3FFB];
	_ =	sdelay $0x3  }
0x93: {  	_ =	strace s4  }
0x94: {  	s4 =	sld [smem:$0x3FFC];
	_ =	sdelay $0x3  }
0x95: {  	_ =	strace s4  }
0x96: {  	s4 =	sld [smem:$0x3FFD];
	_ =	sdelay $0x3  }
0x97: {  	_ =	strace s4  }
0x98: {  	_ =	strace $0x8FFFFFFF  }
0x99: {  	s19 =	sld [smem:$0x3FDB];
	_ =	sdelay $0x1  }
0x9a: {  	s5 =	simm.s32 $_scs_section_size  }
0x9b: {  	s6 =	simm.s32 $_size__tile_overlayer_lowered;
	s7 =	simm.s32 $_tile_overlayer_lowered  }
0x9c: {  	s22 =	simm.s32 $0x1BFF;
	s21 =	sshll.u32 s7, $0x1;
	s4 =	sadd.s32 s5, s19  }
0x9d: {  	s8 =	simm.s32 $0x0;
	s20 =	sshll.u32 s6, $0x1;
	s6 =	sadd.s32 s21, s4  }
0x9e: {  	[timem:s8], [sflag:s22] =	dma.local [hbm:s6], s20  }
0x9f: {  	_ =	swait.ge [sflag:s22], s20  }
0xa0: {  	s5 =	ssub.s32 $0x0, s20;
	[sflag:s22] =	ssyncset.done $0x0  }
0xa1: {  	[sflag:s22] =	ssyncadd.s32 s5;
	_ =	sdelay $0x1  }
0xa2: {  	s23 =	simm.s32 $0x1B8B  }
0xa3: {  	_ =	swait.ge [sflag:s23], $0x1  }
0xa4: {  	[sflag:s23] =	ssyncset.done $0x0  }
0xa5: {  	s25 =	simm.s32 $0x1B8E;
	s24 =	sld [smem:$0x3FFE];
	[sflag:s23] =	ssyncadd.s32 $0xFFFFFFFF  }
0xa6: {  	s26 =	simm.s32 $execute0_lowered;
	[smem:$0x3FD2] =	sst s25  }
0xa7: {  	s6 =	sshll.u32 s26, $0x1;
	_ =	strace $0x80000046;
	[dreg:$0x1] =	wrdreg $0xFFFFFFFF  }
0xa8: {  	s28 =	simm.s32 $_size_execute0_lowered;
	s4 =	sadd.s32 s4, s6;
	[dreg:$0x0] =	wrdreg $0x0  }
0xa9: {  	s6 =	sshll.u32 s28, $0x1;
	[dreg:$0x2] =	wrdreg s4  }
0xaa: {  	[dreg:$0x3] =	wrdreg s6  }
0xab: {  	[dreg:$0x4] =	wrdreg $0xC0  }
0xac: {  	_ =	task [dreg:s8], $0x5FFFF  }
0xad: {  	[dreg:$0x1] =	wrdreg $0xFFFFFFFF  }
0xae: {  	[dreg:$0x0] =	wrdreg $0x60  }
0xaf: {  	[dreg:$0x2] =	wrdreg s2  }
0xb0: {  	[dreg:$0x3] =	wrdreg s18  }
0xb1: {  	[dreg:$0x4] =	wrdreg s24  }
0xb2: {  	[dreg:$0x5] =	wrdreg $0x9  }
0xb3: {  	_ =	task.clear_ibuf [dreg:s8], $0x6FFFF;
	_ =	strace $0x90000046  }
0xb4: {  	s29 =	simm.s32 $0x9;
	_ =	strace $0x80000048  }
0xb5: {  	_ =	swait.ge [sflag:s29], $0x1  }
0xb6: {  	[sflag:s29] =	ssyncadd.s32 $0xFFFFFFFF  }
0xb7: {  	_ =	strace $0x90000048  }
0xb8: {  	_ =	sfence  }
0xb9: {  	s30 =	sld [smem:$0x0];
	_ =	sdelay $0x2  }
0xba: {  	s31 =	sshll.u32 s1, $0xD;
	s1 =	sshrl.u32 s1, $0x2  }
0xbb: {  	s3 =	sand.u32 $0x4000, s31;
	s1 =	sadd.s32 s1, s30  }
0xbc: {  	s0 =	sor.u32 s3, s0;
	s1 =	sshll.u32 s1, $0x11  }
0xbd: {  	s0 =	sor.u32 s1, s0  }
0xbe: {  	s0 =	sadd.s32 $0x8F2B, s0  }
0xbf: {  	[sflag:s0] =	ssyncadd.remote.s32 $0x1  }
0xc0: {  	_ =	sfence.sel $0xFFFF  }
0xc1: {  	[dreg:$0x0] =	wrdreg $0xFFFFFFFF;
	(pc) =	sbr.abs _section_cstart, $3  }
0xc2: {  	[dreg:$0x1] =	wrdreg $0xFFFFFFFF  }
0xc3: {  	_ =	task.clear_ibuf [dreg:s8], $0x2FFFF;
	_ =	strace $0x9FFFFFFF  }
0xc4: {  	(tm) =	ssettm $0x7FFFFFFF  }
0xc5: {  	_ =	shalt  }
tec
execute0_lowered:
.L_overlay_start_1:
0x0: {  	(tag) =	ssettag $0x1  }
0x1: {  	s1 =	rddreg [dreg:$0x0]  }
0x2: {  	s2 =	srdreg.scid;
	s3 =	rddreg [dreg:$0x1]  }
0x3: {  	s0 =	stileid.u32;
	s11 =	rddreg [dreg:$0x2]  }
0x4: {  	s4 =	simm.s32 $0x0;
	s12 =	simm.s32 $0x400;
	s14 =	simm.s32 $0x7A1400  }
0x5: {  	s15 =	simm.s32 $0x1000;
	s16 =	simm.s32 $0x2000;
	s17 =	simm.s32 $0x4000  }
0x6: {  	s19 =	simm.s32 $0x6;
	s5 =	sand.u32 $0x1, s2;
	s2 =	rddreg [dreg:$0x3]  }
0x7: {  	s20 =	simm.s32 $0x0;
	s31 =	sshll.u32 s0, $0x1;
	[smem:$0x7FF] =	sst s4  }
0x8: {  	p0 =	slt.u32 s0, $0x2;
	s18 =	sor.u32 s5, s31;
	s9 =	ssub.s32 $0x2, s5  }
0x9: {  	_ =	strace $0x80000047;
	s6 =	smul.u32 $0xF4, s18;
	s10 =	sshrl.u32 s9, $0x1  }
.Ltmp0:
0xa: {  	v0 =	vlaneseq.u32;
	s7 =	smin.u32 s18, $0x4;
	s13 =	ssub.s32 s9, s10;
	(pc) =	sbr.rel .LBB2_1-.Ltmp0, $4  }
0xb: {  	v1 =	vshrl.u32 v0, $0x2;
	v3 =	vand.u32 $0x3, v0;
	v4 =	vor.u32 $0x10, v0;
	s5 =	sadd.s32 s7, s6;
	s6 =	sadd.s32 $0xA00, s11;
	s7 =	simm.s32 $0xF5  }
0xc: {  	v5 =	vor.u32 $0x20, v0;
	v6 =	vor.u32 $0x30, v0;
	v1 =	vmul.u32 $0x80, v1;
	s11 =	sadd.s32 $0x3D1200, s11;
	s13 =	smax.u32 s13, $0x1;
	s8 =	sshll.u32 s5, $0x7  }
0xd: {  	v7 =	vor.u32 $0x40, v0;
	v8 =	vor.u32 $0x50, v0;
	v9 =	vor.u32 $0x60, v0;
	s7 =	simm.s32 @!p0 $0xF4;
	p0 =	sne.s32 s18, $0x1F;
	s8 =	sadd.s32 s1, s8  }
0xe: {  	v10 =	vor.u32 $0x70, v0;
	v3 =	vmul.u32 $0x20, v3;
	v2 =	vor.u32 $0x200, v1;
	s18 =	simm.s32 $0x5;
	s9 =	sadd.s32 $0x80, s8;
	s10 =	sadd.s32 $0x100, s8  }
.LBB2_7:
0xf: {  	_ =	swait.ge [sflag:s18], $0x1000  }
0x10: {  	[sflag:s18] =	ssyncset.done $0x0  }
0x11: {  	[sflag:s18] =	ssyncadd.s32 $0xFFFFF000  }
0x12: {  	_ =	swait.ge [sflag:s19], $0x1000  }
0x13: {  	[sflag:s19] =	ssyncset.done $0x0  }
0x14: {  	s21 =	simm.s32 @!p0 $0x0;
	s22 =	simm.s32 @!p0 $0x7;
	[sflag:s19] =	ssyncadd.s32 $0xFFFFF000  }
0x15: {  	[tilespmem:s21], [sflag:$0x7] =	stream.linear.gather @!p0 [hbm4b:s3+s21], $0x800, $0x38;
	[tilespmem:$0x8000] =	vst v63  }
0x16: {  	s20 =	sadd.s32 $0x1, s20;
	_ =	swait.ge @!p0 [sflag:s22], $0x800  }
0x17: {  	p1 =	sne.s32 s20, s13;
	[sflag:s22] =	ssyncset.done @!p0 $0x0  }
.Ltmp1:
0x18: {  	[sflag:s22] =	ssyncadd.s32 @!p0 $0xFFFFF800;
	(pc) =	sbr.rel @!p1 .LBB2_8-.Ltmp1, $4  }
0x19: {  	[hbm4b:s11+s21] =	stream.linear.scatter @!p0 [tilespmem:s21], [sflag:$0x7], $0x800, $0x38;
	[tilespmem:$0x8000] =	vst v63  }
0x1a: {  	_ =	swait.ge @!p0 [sflag:s22], $0x800  }
0x1b: {  	[sflag:s22] =	ssyncset.done @!p0 $0x0  }
0x1c: {  	[sflag:s22] =	ssyncadd.s32 @!p0 $0xFFFFF800  }
.LBB2_1:
0x1d: {  	[tilespmem:s4], [sflag:$0x1] =	stream.strided.gather [hbm4b:s8+s12], $0x1000, s14, s12, $0x38;
	[tilespmem:$0x8000] =	vst v63  }
.Ltmp2:
0x1e: {  	_ = 	snop;
	(pc) =	sbr.rel .LBB2_2-.Ltmp2, $4  }
0x1f: {  	_ = 	snop  }
0x20: {  	[tilespmem:s15], [sflag:$0x2] =	stream.strided.gather [hbm4b:s9+s12], $0x1000, s14, s12, $0x38;
	[tilespmem:$0x8000] =	vst v63  }
0x21: {  	s21 =	simm.s32 $0x0  }
0x22: {  	[tilespmem:s16], [sflag:$0x3] =	stream.strided.gather [hbm4b:s10+s12], $0x1000, s14, s12, $0x38;
	[tilespmem:$0x8000] =	vst v63  }
.LBB2_6:
0x23: {  	s21 =	sadd.s32 $0x1, s21  }
0x24: {  	p1 =	sne.s32 s21, $0xF5  }
.Ltmp3:
0x25: {  	_ = 	snop;
	(pc) =	sbr.rel @!p1 .LBB2_7-.Ltmp3, $1  }
0x26: {  	_ =	sdelay $0x3  }
.LBB2_2:
0x27: {  	p1 =	sge.u32 s21, s7  }
.Ltmp4:
0x28: {  	_ = 	snop;
	(pc) =	sbr.rel @p1 .LBB2_6-.Ltmp4, $1  }
0x29: {  	_ =	sdelay $0x3  }
0x2a: {  	s23 =	sand.u32 $0x3, s21  }
0x2b: {  	s24 =	sadd.s32 $0x3, s21;
	s22 =	sadd.s32 $0x1, s23  }
0x2c: {  	p1 =	sge.u32 s24, s7;
	_ =	swait.ge [sflag:s22], $0x1000  }
0x2d: {  	s25 =	sadd.s32 @!p1 s5, s24;
	s26 =	simm.s32 @!p1 $0x400;
	[sflag:s22] =	ssyncset.done $0x0  }
0x2e: {  	[sflag:s22] =	ssyncadd.s32 $0xFFFFF000;
	s22 =	sand.u32 @!p1 $0x3, s24;
	s24 =	sshll.u32 @!p1 s25, $0x7  }
0x2f: {  	s28 =	simm.s32 @!p1 $0x7A1400;
	s24 =	sand.u32 @!p1 $0x1FFFFF80, s24  }
0x30: {  	s25 =	sshll.u32 @!p1 s22, $0xC;
	s22 =	sadd.s32 @!p1 $0x1, s22;
	s24 =	sadd.s32 @!p1 s1, s24  }
0x31: {  	[tilespmem:s25], [sflag:s22] =	stream.strided.gather @!p1 [hbm4b:s24+s26], $0x1000, s28, s26, $0x38;
	[tilespmem:$0x8000] =	vst v63  }
0x32: {  	p2 =	slt.u32 s21, $0x2;
	s22 =	sand.u32 $0x1, s21;
	s26 =	simm.s32 $0x0  }
0x33: {  	s23 =	sshll.u32 s23, $0x5;
	p1 =	sne.s32 @!p2 s22, $0x0;
	v12 =	vadd.s32 s26, v0  }
0x34: {  	v11 =	vmov s23;
	p3 =	por p1, p2;
	v13 =	vand.u32 $0x1F, v12  }
0x35: {  	s23 =	simm.s32 @!p3 $0x5;
	v12 =	vor.u32 v11, v13  }
0x36: {  	p1 =	seq.s32 s22, $0x1;
	_ =	swait.ge @!p3 [sflag:s23], $0x1000;
	v19 =	vshll.u32 v12, $0x7  }
0x37: {  	p2 =	por !p1, p2;
	[sflag:s23] =	ssyncset.done @!p3 $0x0;
	v14 =	vor.u32 v0, v19  }
0x38: {  	s28 =	sshll.u32 s22, $0x5;
	[sflag:s23] =	ssyncadd.s32 @!p3 $0xFFFFF000;
	s23 =	simm.s32 @!p2 $0x6  }
0x39: {  	v12 =	vmov s28;
	_ =	swait.ge @!p2 [sflag:s23], $0x1000  }
0x3a: {  	v20 =	vshll.u32 v12, $0x8;
	[sflag:s23] =	ssyncset.done @!p2 $0x0  }
0x3b: {  	v21 =	vor.u32 v3, v13;
	v12 =	vor.u32 v1, v20;
	[sflag:s23] =	ssyncadd.s32 @!p2 $0xFFFFF000  }
0x3c: {  	v15 =	vor.u32 v12, v21;
	v14 =	vld.idx.msk [tilespmem:v14+s4+$0x0], $0xffff  }
0x3d: {  	v16 =	vor.u32 v4, v19;
	_ =	sdelay $0x3  }
0x3e: {  	v13 =	vor.u32 v2, v20;
	[tilespmem:v15+s17+$0x0] =	vst.idx.msk $0xffff, v14  }
0x3f: {  	v15 =	vld.idx.msk [tilespmem:v16+s4+$0x0], $0xffff;
	v16 =	vor.u32 v13, v21  }
0x40: {  	v17 =	vor.u32 v5, v19;
	_ =	sdelay $0x3  }
0x41: {  	v14 =	vor.u32 $0x800, v12;
	[tilespmem:v16+s17+$0x0] =	vst.idx.msk $0xffff, v15  }
0x42: {  	v16 =	vld.idx.msk [tilespmem:v17+s4+$0x0], $0xffff;
	v17 =	vor.u32 v14, v21  }
0x43: {  	v18 =	vor.u32 v6, v19;
	_ =	sdelay $0x1  }
0x44: {  	v15 =	vor.u32 $0xC00, v20  }
0x45: {  	v15 =	vand.u32 $0x2800, v15  }
0x46: {  	v15 =	vor.u32 v2, v15;
	[tilespmem:v17+s17+$0x0] =	vst.idx.msk $0xffff, v16  }
0x47: {  	v17 =	vld.idx.msk [tilespmem:v18+s4+$0x0], $0xffff;
	v18 =	vor.u32 v15, v21  }
0x48: {  	v22 =	vor.u32 v7, v19;
	_ =	sdelay $0x3  }
0x49: {  	v16 =	vor.u32 $0x1000, v12;
	[tilespmem:v18+s17+$0x0] =	vst.idx.msk $0xffff, v17  }
0x4a: {  	v18 =	vld.idx.msk [tilespmem:v22+s4+$0x0], $0xffff;
	v22 =	vor.u32 v16, v21  }
0x4b: {  	v23 =	vor.u32 v8, v19;
	_ =	sdelay $0x1  }
0x4c: {  	v17 =	vor.u32 $0x1400, v20  }
0x4d: {  	v17 =	vand.u32 $0x3000, v17  }
0x4e: {  	v17 =	vor.u32 v2, v17;
	[tilespmem:v22+s17+$0x0] =	vst.idx.msk $0xffff, v18  }
0x4f: {  	v22 =	vld.idx.msk [tilespmem:v23+s4+$0x0], $0xffff;
	v23 =	vor.u32 v17, v21  }
0x50: {  	v24 =	vor.u32 v9, v19;
	_ =	sdelay $0x3  }
0x51: {  	v18 =	vor.u32 $0x1800, v12;
	[tilespmem:v23+s17+$0x0] =	vst.idx.msk $0xffff, v22  }
0x52: {  	v23 =	vor.u32 v18, v21;
	v22 =	vld.idx.msk [tilespmem:v24+s4+$0x0], $0xffff  }
0x53: {  	v24 =	vor.u32 v10, v19  }
0x54: {  	s29 =	simm.s32 $0x1  }
0x55: {  	v19 =	vor.u32 $0x1C00, v20;
	v20 =	vadd.s32 s29, v0  }
0x56: {  	v19 =	vand.u32 $0x3800, v19;
	v20 =	vand.u32 $0x1F, v20  }
0x57: {  	v19 =	vor.u32 v2, v19;
	[tilespmem:v23+s17+$0x0] =	vst.idx.msk $0xffff, v22;
	v22 =	vor.u32 v11, v20  }
0x58: {  	v21 =	vor.u32 v19, v21;
	v23 =	vld.idx.msk [tilespmem:v24+s4+$0x0], $0xffff;
	v22 =	vshll.u32 v22, $0x7  }
0x59: {  	v24 =	vor.u32 v0, v22;
	_ =	sdelay $0x3  }
0x5a: {  	v20 =	vor.u32 v3, v20;
	[tilespmem:v21+s17+$0x0] =	vst.idx.msk $0xffff, v23  }
0x5b: {  	v23 =	vor.u32 v12, v20;
	v21 =	vld.idx.msk [tilespmem:v24+s4+$0x0], $0xffff  }
0x5c: {  	v24 =	vor.u32 v4, v22;
	_ =	sdelay $0x3  }
0x5d: {  	[tilespmem:v23+s17+$0x0] =	vst.idx.msk $0xffff, v21  }
0x5e: {  	v23 =	vor.u32 v13, v20;
	v21 =	vld.idx.msk [tilespmem:v24+s4+$0x0], $0xffff  }
0x5f: {  	v24 =	vor.u32 v5, v22;
	_ =	sdelay $0x3  }
0x60: {  	[tilespmem:v23+s17+$0x0] =	vst.idx.msk $0xffff, v21  }
0x61: {  	v23 =	vor.u32 v14, v20;
	v21 =	vld.idx.msk [tilespmem:v24+s4+$0x0], $0xffff  }
0x62: {  	v24 =	vor.u32 v6, v22;
	_ =	sdelay $0x3  }
0x63: {  	[tilespmem:v23+s17+$0x0] =	vst.idx.msk $0xffff, v21  }
0x64: {  	v23 =	vor.u32 v15, v20;
	v21 =	vld.idx.msk [tilespmem:v24+s4+$0x0], $0xffff  }
0x65: {  	v24 =	vor.u32 v7, v22;
	_ =	sdelay $0x3  }
0x66: {  	[tilespmem:v23+s17+$0x0] =	vst.idx.msk $0xffff, v21  }
0x67: {  	v23 =	vor.u32 v16, v20;
	v21 =	vld.idx.msk [tilespmem:v24+s4+$0x0], $0xffff  }
0x68: {  	v24 =	vor.u32 v8, v22;
	_ =	sdelay $0x3  }
0x69: {  	[tilespmem:v23+s17+$0x0] =	vst.idx.msk $0xffff, v21  }
0x6a: {  	v23 =	vor.u32 v17, v20;
	v21 =	vld.idx.msk [tilespmem:v24+s4+$0x0], $0xffff  }
0x6b: {  	v24 =	vor.u32 v9, v22;
	_ =	sdelay $0x3  }
0x6c: {  	[tilespmem:v23+s17+$0x0] =	vst.idx.msk $0xffff, v21  }
0x6d: {  	v23 =	vor.u32 v18, v20;
	v21 =	vld.idx.msk [tilespmem:v24+s4+$0x0], $0xffff  }
0x6e: {  	v22 =	vor.u32 v10, v22  }
0x6f: {  	s30 =	simm.s32 $0x2  }
0x70: {  	v24 =	vadd.s32 s30, v0  }
0x71: {  	v24 =	vand.u32 $0x1F, v24  }
0x72: {  	[tilespmem:v23+s17+$0x0] =	vst.idx.msk $0xffff, v21;
	v21 =	vor.u32 v11, v24  }
0x73: {  	v20 =	vor.u32 v19, v20;
	v22 =	vld.idx.msk [tilespmem:v22+s4+$0x0], $0xffff;
	v21 =	vshll.u32 v21, $0x7  }
0x74: {  	v23 =	vor.u32 v0, v21;
	_ =	sdelay $0x3  }
0x75: {  	[tilespmem:v20+s17+$0x0] =	vst.idx.msk $0xffff, v22;
	v20 =	vor.u32 v3, v24  }
0x76: {  	v22 =	vld.idx.msk [tilespmem:v23+s4+$0x0], $0xffff;
	v23 =	vor.u32 v12, v20  }
0x77: {  	v24 =	vor.u32 v4, v21;
	_ =	sdelay $0x3  }
0x78: {  	[tilespmem:v23+s17+$0x0] =	vst.idx.msk $0xffff, v22  }
0x79: {  	v23 =	vor.u32 v13, v20;
	v22 =	vld.idx.msk [tilespmem:v24+s4+$0x0], $0xffff  }
0x7a: {  	v24 =	vor.u32 v5, v21;
	_ =	sdelay $0x3  }
0x7b: {  	[tilespmem:v23+s17+$0x0] =	vst.idx.msk $0xffff, v22  }
0x7c: {  	v23 =	vor.u32 v14, v20;
	v22 =	vld.idx.msk [tilespmem:v24+s4+$0x0], $0xffff  }
0x7d: {  	v24 =	vor.u32 v6, v21;
	_ =	sdelay $0x3  }
0x7e: {  	[tilespmem:v23+s17+$0x0] =	vst.idx.msk $0xffff, v22  }
0x7f: {  	v23 =	vor.u32 v15, v20;
	v22 =	vld.idx.msk [tilespmem:v24+s4+$0x0], $0xffff  }
0x80: {  	v24 =	vor.u32 v7, v21;
	_ =	sdelay $0x3  }
0x81: {  	[tilespmem:v23+s17+$0x0] =	vst.idx.msk $0xffff, v22  }
0x82: {  	v23 =	vor.u32 v16, v20;
	v22 =	vld.idx.msk [tilespmem:v24+s4+$0x0], $0xffff  }
0x83: {  	v24 =	vor.u32 v8, v21;
	_ =	sdelay $0x3  }
0x84: {  	[tilespmem:v23+s17+$0x0] =	vst.idx.msk $0xffff, v22  }
0x85: {  	v23 =	vor.u32 v17, v20;
	v22 =	vld.idx.msk [tilespmem:v24+s4+$0x0], $0xffff  }
0x86: {  	v24 =	vor.u32 v9, v21;
	_ =	sdelay $0x3  }
0x87: {  	[tilespmem:v23+s17+$0x0] =	vst.idx.msk $0xffff, v22  }
0x88: {  	v23 =	vor.u32 v18, v20;
	v22 =	vld.idx.msk [tilespmem:v24+s4+$0x0], $0xffff  }
0x89: {  	v21 =	vor.u32 v10, v21  }
0x8a: {  	s31 =	simm.s32 $0x3  }
0x8b: {  	v24 =	vadd.s32 s31, v0  }
0x8c: {  	v24 =	vand.u32 $0x1F, v24  }
0x8d: {  	[tilespmem:v23+s17+$0x0] =	vst.idx.msk $0xffff, v22;
	v22 =	vor.u32 v11, v24  }
0x8e: {  	v20 =	vor.u32 v19, v20;
	v21 =	vld.idx.msk [tilespmem:v21+s4+$0x0], $0xffff;
	v22 =	vshll.u32 v22, $0x7  }
0x8f: {  	v23 =	vor.u32 v0, v22;
	_ =	sdelay $0x3  }
0x90: {  	[tilespmem:v20+s17+$0x0] =	vst.idx.msk $0xffff, v21;
	v20 =	vor.u32 v3, v24  }
0x91: {  	v21 =	vld.idx.msk [tilespmem:v23+s4+$0x0], $0xffff;
	v23 =	vor.u32 v12, v20  }
0x92: {  	v24 =	vor.u32 v4, v22;
	_ =	sdelay $0x3  }
0x93: {  	[tilespmem:v23+s17+$0x0] =	vst.idx.msk $0xffff, v21  }
0x94: {  	v23 =	vor.u32 v13, v20;
	v21 =	vld.idx.msk [tilespmem:v24+s4+$0x0], $0xffff  }
0x95: {  	v24 =	vor.u32 v5, v22;
	_ =	sdelay $0x3  }
0x96: {  	[tilespmem:v23+s17+$0x0] =	vst.idx.msk $0xffff, v21  }
0x97: {  	v23 =	vor.u32 v14, v20;
	v21 =	vld.idx.msk [tilespmem:v24+s4+$0x0], $0xffff  }
0x98: {  	v24 =	vor.u32 v6, v22;
	_ =	sdelay $0x3  }
0x99: {  	[tilespmem:v23+s17+$0x0] =	vst.idx.msk $0xffff, v21  }
0x9a: {  	v23 =	vor.u32 v15, v20;
	v21 =	vld.idx.msk [tilespmem:v24+s4+$0x0], $0xffff  }
0x9b: {  	v24 =	vor.u32 v7, v22;
	_ =	sdelay $0x3  }
0x9c: {  	[tilespmem:v23+s17+$0x0] =	vst.idx.msk $0xffff, v21  }
0x9d: {  	v23 =	vor.u32 v16, v20;
	v21 =	vld.idx.msk [tilespmem:v24+s4+$0x0], $0xffff  }
0x9e: {  	v24 =	vor.u32 v8, v22;
	_ =	sdelay $0x3  }
0x9f: {  	[tilespmem:v23+s17+$0x0] =	vst.idx.msk $0xffff, v21  }
0xa0: {  	v23 =	vor.u32 v17, v20;
	v21 =	vld.idx.msk [tilespmem:v24+s4+$0x0], $0xffff  }
0xa1: {  	v24 =	vor.u32 v9, v22;
	_ =	sdelay $0x3  }
0xa2: {  	[tilespmem:v23+s17+$0x0] =	vst.idx.msk $0xffff, v21  }
0xa3: {  	v23 =	vor.u32 v18, v20;
	v21 =	vld.idx.msk [tilespmem:v24+s4+$0x0], $0xffff  }
0xa4: {  	v22 =	vor.u32 v10, v22;
	_ =	sdelay $0x1  }
0xa5: {  	s23 =	simm.s32 $0x4  }
0xa6: {  	s24 =	simm.s32 $0x8;
	v24 =	vadd.s32 s23, v0  }
.LBB2_4:
0xa7: {  	p2 =	slt.u32 s24, $0x1C;
	v24 =	vand.u32 $0x1F, v24;
	[tilespmem:v23+s17+$0x0] =	vst.idx.msk $0xffff, v21  }
0xa8: {  	v21 =	vor.u32 v11, v24;
	v22 =	vld.idx.msk [tilespmem:v22+s4+$0x0], $0xffff  }
0xa9: {  	v20 =	vor.u32 v19, v20;
	v21 =	vshll.u32 v21, $0x7  }
0xaa: {  	v23 =	vor.u32 v0, v21;
	_ =	sdelay $0x3  }
0xab: {  	[tilespmem:v20+s17+$0x0] =	vst.idx.msk $0xffff, v22  }
0xac: {  	v20 =	vor.u32 v3, v24;
	v22 =	vld.idx.msk [tilespmem:v23+s4+$0x0], $0xffff  }
0xad: {  	v23 =	vor.u32 v12, v20  }
0xae: {  	v24 =	vor.u32 v4, v21;
	_ =	sdelay $0x3  }
0xaf: {  	[tilespmem:v23+s17+$0x0] =	vst.idx.msk $0xffff, v22  }
0xb0: {  	v22 =	vld.idx.msk [tilespmem:v24+s4+$0x0], $0xffff  }
0xb1: {  	v23 =	vor.u32 v13, v20  }
0xb2: {  	v24 =	vor.u32 v5, v21;
	_ =	sdelay $0x3  }
0xb3: {  	[tilespmem:v23+s17+$0x0] =	vst.idx.msk $0xffff, v22  }
0xb4: {  	v22 =	vld.idx.msk [tilespmem:v24+s4+$0x0], $0xffff  }
0xb5: {  	v23 =	vor.u32 v14, v20  }
0xb6: {  	v24 =	vor.u32 v6, v21;
	_ =	sdelay $0x3  }
0xb7: {  	[tilespmem:v23+s17+$0x0] =	vst.idx.msk $0xffff, v22  }
0xb8: {  	v22 =	vld.idx.msk [tilespmem:v24+s4+$0x0], $0xffff  }
0xb9: {  	v23 =	vor.u32 v15, v20  }
0xba: {  	v24 =	vor.u32 v7, v21;
	_ =	sdelay $0x3  }
0xbb: {  	[tilespmem:v23+s17+$0x0] =	vst.idx.msk $0xffff, v22  }
0xbc: {  	v22 =	vld.idx.msk [tilespmem:v24+s4+$0x0], $0xffff  }
0xbd: {  	v23 =	vor.u32 v16, v20  }
0xbe: {  	v24 =	vor.u32 v8, v21;
	_ =	sdelay $0x3  }
0xbf: {  	[tilespmem:v23+s17+$0x0] =	vst.idx.msk $0xffff, v22  }
0xc0: {  	v22 =	vld.idx.msk [tilespmem:v24+s4+$0x0], $0xffff  }
0xc1: {  	v23 =	vor.u32 v17, v20  }
0xc2: {  	v24 =	vor.u32 v9, v21;
	_ =	sdelay $0x3  }
0xc3: {  	[tilespmem:v23+s17+$0x0] =	vst.idx.msk $0xffff, v22  }
0xc4: {  	v22 =	vld.idx.msk [tilespmem:v24+s4+$0x0], $0xffff  }
0xc5: {  	v23 =	vor.u32 v18, v20  }
0xc6: {  	v21 =	vor.u32 v10, v21;
	_ =	sdelay $0x1  }
0xc7: {  	s25 =	sadd.s32 $0x1, s23  }
0xc8: {  	v24 =	vadd.s32 s25, v0  }
0xc9: {  	[tilespmem:v23+s17+$0x0] =	vst.idx.msk $0xffff, v22;
	v22 =	vand.u32 $0x1F, v24  }
0xca: {  	v21 =	vld.idx.msk [tilespmem:v21+s4+$0x0], $0xffff;
	v23 =	vor.u32 v11, v22  }
0xcb: {  	v20 =	vor.u32 v19, v20;
	v23 =	vshll.u32 v23, $0x7  }
0xcc: {  	v24 =	vor.u32 v0, v23;
	_ =	sdelay $0x3  }
0xcd: {  	[tilespmem:v20+s17+$0x0] =	vst.idx.msk $0xffff, v21  }
0xce: {  	v20 =	vor.u32 v3, v22;
	v21 =	vld.idx.msk [tilespmem:v24+s4+$0x0], $0xffff  }
0xcf: {  	v22 =	vor.u32 v12, v20  }
0xd0: {  	v24 =	vor.u32 v4, v23;
	_ =	sdelay $0x3  }
0xd1: {  	[tilespmem:v22+s17+$0x0] =	vst.idx.msk $0xffff, v21  }
0xd2: {  	v21 =	vld.idx.msk [tilespmem:v24+s4+$0x0], $0xffff  }
0xd3: {  	v22 =	vor.u32 v13, v20  }
0xd4: {  	v24 =	vor.u32 v5, v23;
	_ =	sdelay $0x3  }
0xd5: {  	[tilespmem:v22+s17+$0x0] =	vst.idx.msk $0xffff, v21  }
0xd6: {  	v21 =	vld.idx.msk [tilespmem:v24+s4+$0x0], $0xffff  }
0xd7: {  	v22 =	vor.u32 v14, v20  }
0xd8: {  	v24 =	vor.u32 v6, v23;
	_ =	sdelay $0x3  }
0xd9: {  	[tilespmem:v22+s17+$0x0] =	vst.idx.msk $0xffff, v21  }
0xda: {  	v21 =	vld.idx.msk [tilespmem:v24+s4+$0x0], $0xffff  }
0xdb: {  	v22 =	vor.u32 v15, v20  }
0xdc: {  	v24 =	vor.u32 v7, v23;
	_ =	sdelay $0x3  }
0xdd: {  	[tilespmem:v22+s17+$0x0] =	vst.idx.msk $0xffff, v21  }
0xde: {  	v21 =	vld.idx.msk [tilespmem:v24+s4+$0x0], $0xffff  }
0xdf: {  	v22 =	vor.u32 v16, v20  }
0xe0: {  	v24 =	vor.u32 v8, v23;
	_ =	sdelay $0x3  }
0xe1: {  	[tilespmem:v22+s17+$0x0] =	vst.idx.msk $0xffff, v21  }
0xe2: {  	v21 =	vld.idx.msk [tilespmem:v24+s4+$0x0], $0xffff  }
0xe3: {  	v22 =	vor.u32 v17, v20  }
0xe4: {  	v24 =	vor.u32 v9, v23;
	_ =	sdelay $0x3  }
0xe5: {  	[tilespmem:v22+s17+$0x0] =	vst.idx.msk $0xffff, v21  }
0xe6: {  	v21 =	vld.idx.msk [tilespmem:v24+s4+$0x0], $0xffff  }
0xe7: {  	v22 =	vor.u32 v18, v20  }
0xe8: {  	v23 =	vor.u32 v10, v23;
	_ =	sdelay $0x1  }
0xe9: {  	s25 =	sadd.s32 $0x2, s23  }
0xea: {  	v24 =	vadd.s32 s25, v0  }
0xeb: {  	[tilespmem:v22+s17+$0x0] =	vst.idx.msk $0xffff, v21;
	v21 =	vand.u32 $0x1F, v24  }
0xec: {  	v22 =	vld.idx.msk [tilespmem:v23+s4+$0x0], $0xffff;
	v23 =	vor.u32 v11, v21  }
0xed: {  	v20 =	vor.u32 v19, v20;
	v23 =	vshll.u32 v23, $0x7  }
0xee: {  	v24 =	vor.u32 v0, v23;
	_ =	sdelay $0x3  }
0xef: {  	[tilespmem:v20+s17+$0x0] =	vst.idx.msk $0xffff, v22  }
0xf0: {  	v20 =	vor.u32 v3, v21;
	v21 =	vld.idx.msk [tilespmem:v24+s4+$0x0], $0xffff  }
0xf1: {  	v22 =	vor.u32 v12, v20  }
0xf2: {  	v24 =	vor.u32 v4, v23;
	_ =	sdelay $0x3  }
0xf3: {  	[tilespmem:v22+s17+$0x0] =	vst.idx.msk $0xffff, v21  }
0xf4: {  	v21 =	vld.idx.msk [tilespmem:v24+s4+$0x0], $0xffff  }
0xf5: {  	v22 =	vor.u32 v13, v20  }
0xf6: {  	v24 =	vor.u32 v5, v23;
	_ =	sdelay $0x3  }
0xf7: {  	[tilespmem:v22+s17+$0x0] =	vst.idx.msk $0xffff, v21  }
0xf8: {  	v21 =	vld.idx.msk [tilespmem:v24+s4+$0x0], $0xffff  }
0xf9: {  	v22 =	vor.u32 v14, v20  }
0xfa: {  	v24 =	vor.u32 v6, v23;
	_ =	sdelay $0x3  }
0xfb: {  	[tilespmem:v22+s17+$0x0] =	vst.idx.msk $0xffff, v21  }
0xfc: {  	v21 =	vld.idx.msk [tilespmem:v24+s4+$0x0], $0xffff  }
0xfd: {  	v22 =	vor.u32 v15, v20  }
0xfe: {  	v24 =	vor.u32 v7, v23;
	_ =	sdelay $0x3  }
0xff: {  	[tilespmem:v22+s17+$0x0] =	vst.idx.msk $0xffff, v21  }
0x100: {  	v21 =	vld.idx.msk [tilespmem:v24+s4+$0x0], $0xffff  }
0x101: {  	v22 =	vor.u32 v16, v20  }
0x102: {  	v24 =	vor.u32 v8, v23;
	_ =	sdelay $0x3  }
0x103: {  	[tilespmem:v22+s17+$0x0] =	vst.idx.msk $0xffff, v21  }
0x104: {  	v21 =	vld.idx.msk [tilespmem:v24+s4+$0x0], $0xffff  }
0x105: {  	v22 =	vor.u32 v17, v20  }
0x106: {  	v24 =	vor.u32 v9, v23;
	_ =	sdelay $0x3  }
0x107: {  	[tilespmem:v22+s17+$0x0] =	vst.idx.msk $0xffff, v21  }
0x108: {  	v21 =	vld.idx.msk [tilespmem:v24+s4+$0x0], $0xffff  }
0x109: {  	v22 =	vor.u32 v18, v20  }
0x10a: {  	v23 =	vor.u32 v10, v23;
	_ =	sdelay $0x1  }
0x10b: {  	s25 =	sadd.s32 $0x3, s23;
	s23 =	smov.u32 s24  }
0x10c: {  	v24 =	vadd.s32 s25, v0  }
0x10d: {  	[tilespmem:v22+s17+$0x0] =	vst.idx.msk $0xffff, v21;
	v21 =	vand.u32 $0x1F, v24  }
0x10e: {  	v22 =	vld.idx.msk [tilespmem:v23+s4+$0x0], $0xffff;
	v23 =	vor.u32 v11, v21  }
0x10f: {  	v20 =	vor.u32 v19, v20;
	v24 =	vshll.u32 v23, $0x7  }
0x110: {  	v23 =	vor.u32 v0, v24;
	_ =	sdelay $0x3  }
0x111: {  	[tilespmem:v20+s17+$0x0] =	vst.idx.msk $0xffff, v22  }
0x112: {  	v20 =	vor.u32 v3, v21;
	v21 =	vld.idx.msk [tilespmem:v23+s4+$0x0], $0xffff  }
0x113: {  	v22 =	vor.u32 v12, v20  }
0x114: {  	v23 =	vor.u32 v4, v24;
	_ =	sdelay $0x3  }
0x115: {  	[tilespmem:v22+s17+$0x0] =	vst.idx.msk $0xffff, v21  }
0x116: {  	v21 =	vld.idx.msk [tilespmem:v23+s4+$0x0], $0xffff  }
0x117: {  	v22 =	vor.u32 v13, v20  }
0x118: {  	v23 =	vor.u32 v5, v24;
	_ =	sdelay $0x3  }
0x119: {  	[tilespmem:v22+s17+$0x0] =	vst.idx.msk $0xffff, v21  }
0x11a: {  	v21 =	vld.idx.msk [tilespmem:v23+s4+$0x0], $0xffff  }
0x11b: {  	v22 =	vor.u32 v14, v20  }
0x11c: {  	v23 =	vor.u32 v6, v24;
	_ =	sdelay $0x3  }
0x11d: {  	[tilespmem:v22+s17+$0x0] =	vst.idx.msk $0xffff, v21  }
0x11e: {  	v21 =	vld.idx.msk [tilespmem:v23+s4+$0x0], $0xffff  }
0x11f: {  	v22 =	vor.u32 v15, v20  }
0x120: {  	v23 =	vor.u32 v7, v24;
	_ =	sdelay $0x3  }
0x121: {  	[tilespmem:v22+s17+$0x0] =	vst.idx.msk $0xffff, v21  }
0x122: {  	v21 =	vld.idx.msk [tilespmem:v23+s4+$0x0], $0xffff  }
0x123: {  	v22 =	vor.u32 v16, v20  }
0x124: {  	v23 =	vor.u32 v8, v24;
	_ =	sdelay $0x3  }
0x125: {  	[tilespmem:v22+s17+$0x0] =	vst.idx.msk $0xffff, v21  }
0x126: {  	v21 =	vld.idx.msk [tilespmem:v23+s4+$0x0], $0xffff  }
0x127: {  	v22 =	vor.u32 v17, v20  }
0x128: {  	v23 =	vor.u32 v9, v24;
	_ =	sdelay $0x3  }
0x129: {  	[tilespmem:v22+s17+$0x0] =	vst.idx.msk $0xffff, v21  }
0x12a: {  	v21 =	vld.idx.msk [tilespmem:v23+s4+$0x0], $0xffff  }
.Ltmp5:
0x12b: {  	v23 =	vor.u32 v18, v20;
	(pc) =	sbr.rel @p2 .LBB2_4-.Ltmp5, $2  }
0x12c: {  	v22 =	vor.u32 v10, v24;
	_ =	sdelay $0x2  }
0x12d: {  	s24 =	sadd.s32 $0x4, s24;
	v24 =	vadd.s32 s23, v0  }
0x12e: {  	_ =	sdelay $0x2  }
0x12f: {  	v24 =	vand.u32 $0x1F, v24  }
0x130: {  	[tilespmem:v23+s17+$0x0] =	vst.idx.msk $0xffff, v21;
	v33 =	vor.u32 v11, v24  }
0x131: {  	v20 =	vor.u32 v19, v20;
	v22 =	vld.idx.msk [tilespmem:v22+s4+$0x0], $0xffff;
	v21 =	vshll.u32 v33, $0x7  }
0x132: {  	v34 =	vor.u32 v0, v21;
	_ =	sdelay $0x3  }
0x133: {  	v35 =	vor.u32 v3, v24;
	[tilespmem:v20+s17+$0x0] =	vst.idx.msk $0xffff, v22  }
0x134: {  	v36 =	vor.u32 v12, v35;
	v22 =	vld.idx.msk [tilespmem:v34+s4+$0x0], $0xffff  }
0x135: {  	v37 =	vor.u32 v4, v21;
	_ =	sdelay $0x3  }
0x136: {  	[tilespmem:v36+s17+$0x0] =	vst.idx.msk $0xffff, v22  }
0x137: {  	v38 =	vor.u32 v13, v35;
	v22 =	vld.idx.msk [tilespmem:v37+s4+$0x0], $0xffff  }
0x138: {  	v39 =	vor.u32 v5, v21;
	_ =	sdelay $0x3  }
0x139: {  	[tilespmem:v38+s17+$0x0] =	vst.idx.msk $0xffff, v22  }
0x13a: {  	v40 =	vor.u32 v14, v35;
	v22 =	vld.idx.msk [tilespmem:v39+s4+$0x0], $0xffff  }
0x13b: {  	v41 =	vor.u32 v6, v21;
	_ =	sdelay $0x3  }
0x13c: {  	[tilespmem:v40+s17+$0x0] =	vst.idx.msk $0xffff, v22  }
0x13d: {  	v42 =	vor.u32 v15, v35;
	v22 =	vld.idx.msk [tilespmem:v41+s4+$0x0], $0xffff  }
0x13e: {  	v43 =	vor.u32 v7, v21;
	_ =	sdelay $0x3  }
0x13f: {  	[tilespmem:v42+s17+$0x0] =	vst.idx.msk $0xffff, v22  }
0x140: {  	v44 =	vor.u32 v16, v35;
	v22 =	vld.idx.msk [tilespmem:v43+s4+$0x0], $0xffff  }
0x141: {  	v45 =	vor.u32 v8, v21;
	_ =	sdelay $0x3  }
0x142: {  	[tilespmem:v44+s17+$0x0] =	vst.idx.msk $0xffff, v22  }
0x143: {  	v46 =	vor.u32 v17, v35;
	v22 =	vld.idx.msk [tilespmem:v45+s4+$0x0], $0xffff  }
0x144: {  	v47 =	vor.u32 v9, v21;
	_ =	sdelay $0x3  }
0x145: {  	[tilespmem:v46+s17+$0x0] =	vst.idx.msk $0xffff, v22  }
0x146: {  	v48 =	vor.u32 v18, v35;
	v22 =	vld.idx.msk [tilespmem:v47+s4+$0x0], $0xffff  }
0x147: {  	v21 =	vor.u32 v10, v21  }
0x148: {  	s24 =	sadd.s32 $0x1, s23  }
0x149: {  	v49 =	vadd.s32 s24, v0  }
0x14a: {  	v24 =	vand.u32 $0x1F, v49  }
0x14b: {  	v50 =	vor.u32 v11, v24;
	[tilespmem:v48+s17+$0x0] =	vst.idx.msk $0xffff, v22  }
0x14c: {  	v20 =	vor.u32 v19, v35;
	v22 =	vshll.u32 v50, $0x7;
	v21 =	vld.idx.msk [tilespmem:v21+s4+$0x0], $0xffff  }
0x14d: {  	v51 =	vor.u32 v0, v22;
	_ =	sdelay $0x3  }
0x14e: {  	v52 =	vor.u32 v3, v24;
	[tilespmem:v20+s17+$0x0] =	vst.idx.msk $0xffff, v21  }
0x14f: {  	v53 =	vor.u32 v12, v52;
	v21 =	vld.idx.msk [tilespmem:v51+s4+$0x0], $0xffff  }
0x150: {  	v54 =	vor.u32 v4, v22;
	_ =	sdelay $0x3  }
0x151: {  	[tilespmem:v53+s17+$0x0] =	vst.idx.msk $0xffff, v21  }
0x152: {  	v55 =	vor.u32 v13, v52;
	v21 =	vld.idx.msk [tilespmem:v54+s4+$0x0], $0xffff  }
0x153: {  	v56 =	vor.u32 v5, v22;
	_ =	sdelay $0x3  }
0x154: {  	[tilespmem:v55+s17+$0x0] =	vst.idx.msk $0xffff, v21  }
0x155: {  	v57 =	vor.u32 v14, v52;
	v21 =	vld.idx.msk [tilespmem:v56+s4+$0x0], $0xffff  }
0x156: {  	v58 =	vor.u32 v6, v22;
	_ =	sdelay $0x3  }
0x157: {  	[tilespmem:v57+s17+$0x0] =	vst.idx.msk $0xffff, v21  }
0x158: {  	v59 =	vor.u32 v15, v52;
	v21 =	vld.idx.msk [tilespmem:v58+s4+$0x0], $0xffff  }
0x159: {  	v60 =	vor.u32 v7, v22;
	_ =	sdelay $0x3  }
0x15a: {  	[tilespmem:v59+s17+$0x0] =	vst.idx.msk $0xffff, v21  }
0x15b: {  	v61 =	vor.u32 v16, v52;
	v21 =	vld.idx.msk [tilespmem:v60+s4+$0x0], $0xffff  }
0x15c: {  	v62 =	vor.u32 v8, v22;
	_ =	sdelay $0x3  }
0x15d: {  	[tilespmem:v61+s17+$0x0] =	vst.idx.msk $0xffff, v21  }
0x15e: {  	v63 =	vor.u32 v17, v52;
	v21 =	vld.idx.msk [tilespmem:v62+s4+$0x0], $0xffff  }
0x15f: {  	v28 =	vor.u32 v9, v22;
	_ =	sdelay $0x3  }
0x160: {  	[tilespmem:v63+s17+$0x0] =	vst.idx.msk $0xffff, v21  }
0x161: {  	v29 =	vor.u32 v18, v52;
	v21 =	vld.idx.msk [tilespmem:v28+s4+$0x0], $0xffff  }
0x162: {  	v22 =	vor.u32 v10, v22  }
0x163: {  	s30 =	sadd.s32 $0x2, s23  }
0x164: {  	v30 =	vadd.s32 s30, v0  }
0x165: {  	v24 =	vand.u32 $0x1F, v30  }
0x166: {  	v31 =	vor.u32 v11, v24;
	[tilespmem:v29+s17+$0x0] =	vst.idx.msk $0xffff, v21  }
0x167: {  	v20 =	vor.u32 v19, v52;
	v21 =	vshll.u32 v31, $0x7;
	v22 =	vld.idx.msk [tilespmem:v22+s4+$0x0], $0xffff  }
0x168: {  	v32 =	vor.u32 v0, v21;
	_ =	sdelay $0x3  }
0x169: {  	v33 =	vor.u32 v3, v24;
	[tilespmem:v20+s17+$0x0] =	vst.idx.msk $0xffff, v22  }
0x16a: {  	v34 =	vor.u32 v12, v33;
	v22 =	vld.idx.msk [tilespmem:v32+s4+$0x0], $0xffff  }
0x16b: {  	v35 =	vor.u32 v4, v21;
	_ =	sdelay $0x3  }
0x16c: {  	[tilespmem:v34+s17+$0x0] =	vst.idx.msk $0xffff, v22  }
0x16d: {  	v36 =	vor.u32 v13, v33;
	v22 =	vld.idx.msk [tilespmem:v35+s4+$0x0], $0xffff  }
0x16e: {  	v37 =	vor.u32 v5, v21;
	_ =	sdelay $0x3  }
0x16f: {  	[tilespmem:v36+s17+$0x0] =	vst.idx.msk $0xffff, v22  }
0x170: {  	v38 =	vor.u32 v14, v33;
	v22 =	vld.idx.msk [tilespmem:v37+s4+$0x0], $0xffff  }
0x171: {  	v39 =	vor.u32 v6, v21;
	_ =	sdelay $0x3  }
0x172: {  	[tilespmem:v38+s17+$0x0] =	vst.idx.msk $0xffff, v22  }
0x173: {  	v40 =	vor.u32 v15, v33;
	v22 =	vld.idx.msk [tilespmem:v39+s4+$0x0], $0xffff  }
0x174: {  	v41 =	vor.u32 v7, v21;
	_ =	sdelay $0x3  }
0x175: {  	[tilespmem:v40+s17+$0x0] =	vst.idx.msk $0xffff, v22  }
0x176: {  	v42 =	vor.u32 v16, v33;
	v22 =	vld.idx.msk [tilespmem:v41+s4+$0x0], $0xffff  }
0x177: {  	v43 =	vor.u32 v8, v21;
	_ =	sdelay $0x3  }
0x178: {  	[tilespmem:v42+s17+$0x0] =	vst.idx.msk $0xffff, v22  }
0x179: {  	v44 =	vor.u32 v17, v33;
	v22 =	vld.idx.msk [tilespmem:v43+s4+$0x0], $0xffff  }
0x17a: {  	v45 =	vor.u32 v9, v21;
	_ =	sdelay $0x3  }
0x17b: {  	[tilespmem:v44+s17+$0x0] =	vst.idx.msk $0xffff, v22  }
0x17c: {  	v46 =	vor.u32 v18, v33;
	v22 =	vld.idx.msk [tilespmem:v45+s4+$0x0], $0xffff  }
0x17d: {  	v21 =	vor.u32 v10, v21  }
0x17e: {  	s31 =	sadd.s32 $0x3, s23  }
0x17f: {  	v47 =	vadd.s32 s31, v0  }
0x180: {  	v24 =	vand.u32 $0x1F, v47  }
0x181: {  	v11 =	vor.u32 v11, v24;
	[tilespmem:v46+s17+$0x0] =	vst.idx.msk $0xffff, v22  }
0x182: {  	v11 =	vshll.u32 v11, $0x7;
	v20 =	vor.u32 v19, v33;
	v21 =	vld.idx.msk [tilespmem:v21+s4+$0x0], $0xffff  }
0x183: {  	v48 =	vor.u32 v0, v11;
	_ =	sdelay $0x3  }
0x184: {  	v49 =	vor.u32 v3, v24;
	[tilespmem:v20+s17+$0x0] =	vst.idx.msk $0xffff, v21  }
0x185: {  	v50 =	vor.u32 v12, v49;
	v21 =	vld.idx.msk [tilespmem:v48+s4+$0x0], $0xffff  }
0x186: {  	v51 =	vor.u32 v4, v11;
	_ =	sdelay $0x3  }
0x187: {  	[tilespmem:v50+s17+$0x0] =	vst.idx.msk $0xffff, v21  }
0x188: {  	v52 =	vor.u32 v13, v49;
	v12 =	vld.idx.msk [tilespmem:v51+s4+$0x0], $0xffff  }
0x189: {  	v53 =	vor.u32 v5, v11;
	_ =	sdelay $0x3  }
0x18a: {  	[tilespmem:v52+s17+$0x0] =	vst.idx.msk $0xffff, v12  }
0x18b: {  	v54 =	vor.u32 v14, v49;
	v12 =	vld.idx.msk [tilespmem:v53+s4+$0x0], $0xffff  }
0x18c: {  	v55 =	vor.u32 v6, v11;
	_ =	sdelay $0x3  }
0x18d: {  	[tilespmem:v54+s17+$0x0] =	vst.idx.msk $0xffff, v12  }
0x18e: {  	v56 =	vor.u32 v15, v49;
	v12 =	vld.idx.msk [tilespmem:v55+s4+$0x0], $0xffff  }
0x18f: {  	v57 =	vor.u32 v7, v11;
	_ =	sdelay $0x3  }
0x190: {  	[tilespmem:v56+s17+$0x0] =	vst.idx.msk $0xffff, v12  }
0x191: {  	v58 =	vor.u32 v16, v49;
	v12 =	vld.idx.msk [tilespmem:v57+s4+$0x0], $0xffff  }
0x192: {  	v59 =	vor.u32 v8, v11;
	_ =	sdelay $0x3  }
0x193: {  	[tilespmem:v58+s17+$0x0] =	vst.idx.msk $0xffff, v12  }
0x194: {  	v60 =	vor.u32 v17, v49;
	v12 =	vld.idx.msk [tilespmem:v59+s4+$0x0], $0xffff  }
0x195: {  	v61 =	vor.u32 v9, v11;
	_ =	sdelay $0x3  }
0x196: {  	[tilespmem:v60+s17+$0x0] =	vst.idx.msk $0xffff, v12  }
0x197: {  	v62 =	vor.u32 v18, v49;
	v12 =	vld.idx.msk [tilespmem:v61+s4+$0x0], $0xffff  }
0x198: {  	v11 =	vor.u32 v10, v11;
	_ =	sdelay $0x3  }
0x199: {  	[tilespmem:v62+s17+$0x0] =	vst.idx.msk $0xffff, v12  }
0x19a: {  	v63 =	vor.u32 v19, v49;
	v11 =	vld.idx.msk [tilespmem:v11+s4+$0x0], $0xffff  }
0x19b: {  	p2 =	sne.s32 s22, $0x0  }
0x19c: {  	s22 =	sadd.s32 @!p2 s5, s21  }
0x19d: {  	s22 =	sshll.u32 @!p2 s22, $0x9  }
0x19e: {  	s22 =	sand.u32 @!p2 $0x1FFFFE00, s22  }
0x19f: {  	s23 =	simm.s32 @!p2 $0x0;
	s24 =	simm.s32 @!p2 $0x4000;
	s22 =	sadd.s32 @!p2 s6, s22;
	[tilespmem:v63+s17+$0x0] =	vst.idx.msk $0xffff, v11  }
0x1a0: {  	[hbm4b:s22+s23] =	stream.linear.scatter @!p2 [tilespmem:s24], [sflag:$0x5], $0x400, $0x38;
	[tilespmem:$0x8000] =	vst v63  }
0x1a1: {  	s25 =	simm.s32 @!p2 $0x4800;
	s24 =	sadd.s32 @!p2 $0x80, s22  }
0x1a2: {  	[hbm4b:s24+s23] =	stream.linear.scatter @!p2 [tilespmem:s25], [sflag:$0x5], $0x400, $0x38;
	[tilespmem:$0x8000] =	vst v63  }
0x1a3: {  	s24 =	sadd.s32 @!p2 $0x100, s22;
	s25 =	simm.s32 @!p2 $0x5000  }
0x1a4: {  	[hbm4b:s24+s23] =	stream.linear.scatter @!p2 [tilespmem:s25], [sflag:$0x5], $0x400, $0x38;
	[tilespmem:$0x8000] =	vst v63  }
0x1a5: {  	s22 =	sadd.s32 @!p2 $0x180, s22;
	s24 =	simm.s32 @!p2 $0x5800  }
0x1a6: {  	[hbm4b:s22+s23] =	stream.linear.scatter @!p2 [tilespmem:s24], [sflag:$0x5], $0x400, $0x38;
	[tilespmem:$0x8000] =	vst v63  }
0x1a7: {  	s22 =	sadd.s32 @p1 s5, s21  }
0x1a8: {  	s22 =	sshll.u32 @p1 s22, $0x9  }
0x1a9: {  	s22 =	sand.u32 @p1 $0x1FFFFE00, s22  }
0x1aa: {  	s23 =	simm.s32 @p1 $0x0;
	s24 =	simm.s32 @p1 $0x6000;
	s22 =	sadd.s32 @p1 s6, s22  }
0x1ab: {  	[hbm4b:s22+s23] =	stream.linear.scatter @p1 [tilespmem:s24], [sflag:$0x6], $0x400, $0x38;
	[tilespmem:$0x8000] =	vst v63  }
0x1ac: {  	s25 =	simm.s32 @p1 $0x6800;
	s24 =	sadd.s32 @p1 $0x80, s22  }
0x1ad: {  	[hbm4b:s24+s23] =	stream.linear.scatter @p1 [tilespmem:s25], [sflag:$0x6], $0x400, $0x38;
	[tilespmem:$0x8000] =	vst v63  }
.Ltmp6:
0x1ae: {  	_ = 	snop;
	(pc) =	sbr.rel .LBB2_6-.Ltmp6, $4  }
0x1af: {  	s24 =	sadd.s32 @p1 $0x100, s22;
	s25 =	simm.s32 @p1 $0x7000  }
0x1b0: {  	[hbm4b:s24+s23] =	stream.linear.scatter @p1 [tilespmem:s25], [sflag:$0x6], $0x400, $0x38;
	[tilespmem:$0x8000] =	vst v63  }
0x1b1: {  	s22 =	sadd.s32 @p1 $0x180, s22;
	s24 =	simm.s32 @p1 $0x7800  }
0x1b2: {  	[hbm4b:s22+s23] =	stream.linear.scatter @p1 [tilespmem:s24], [sflag:$0x6], $0x400, $0x38;
	[tilespmem:$0x8000] =	vst v63  }
.LBB2_8:
0x1b3: {  	_ =	sfence.sel $0x180000  }
0x1b4: {  	[bflag:$0x0] =	sbarrier.arrive $0xFFFF  }
0x1b5: {  	p0 =	sne.s32 s0, $0x0;
	_ =	strace $0x90000047  }
0x1b6: {  	s0 =	sadd.s32 @!p0 $0x100000, s2;
	[bflag:$0x2] =	sbarrier.arrive $0xFFFF  }
0x1b7: {  	[sflag:s0] =	ssyncadd.tile.s32 @!p0 $0x1;
	_ =	shalt  }
.Lfunc_end2:
_tile_overlayer_lowered:
.L_overlay_start_2:
0x1b8: {  	(tag) =	ssettag $0x2  }
0x1b9: {  	s0 =	rddreg [dreg:$0x0];
	s2 =	stileid.u32  }
0x1ba: {  	s1 =	rddreg [dreg:$0x1];
	p0 =	sne.s32 s2, $0x0  }
0x1bb: {  	s3 =	rddreg [dreg:$0x2];
	[bflag:$0x3] =	sbarrier.arrive $0xFFFF;
	s2 =	simm.s32 @!p0 $0x1C07  }
0x1bc: {  	[timem:s3], [sflag:s2] =	dma.local @!p0 [hbm:s0], s1  }
0x1bd: {  	s0 =	simm.s32 @!p0 $0x7  }
0x1be: {  	_ =	swait.ge @!p0 [sflag:s0], s1  }
0x1bf: {  	s1 =	ssub.s32 @!p0 $0x0, s1;
	[sflag:s0] =	ssyncset.done @!p0 $0x0  }
0x1c0: {  	[sflag:s0] =	ssyncadd.s32 @!p0 s1  }
0x1c1: {  	[bflag:$0x3] =	sbarrier.arrive $0xFFFF  }
0x1c2: {  	_ =	shalt  }

// kernel: kernel.7.cloned.1.call-start
scs
__scs_entry_jumppad:
0x0: {  	(pc) =	sbr.rel $0x88, $3  }
0x1: {  	(tag) =	ssettag $0x0;
	lr =	simm.s32 $0x1  }
0x2: {  	[smem:$0x3F9F] =	sst lr;
	_ =	strace $0xD0000000  }
0x3: {  	_ = 	snop  }
0x4: {  	_ = 	snop  }
0x5: {  	_ = 	snop  }
0x6: {  	_ = 	snop  }
0x7: {  	_ = 	snop  }
__scs_overlays_trampoline_lowered:
0x8: {  	[smem:$0x3FAE] =	sst s0  }
0x9: {  	[smem:$0x3FAF] =	sst s1  }
0xa: {  	[smem:$0x3FB0] =	sst s2  }
0xb: {  	[smem:$0x3FB1] =	sst s3  }
0xc: {  	[smem:$0x3FB2] =	sst s4  }
0xd: {  	[smem:$0x3FB3] =	sst s5  }
0xe: {  	[smem:$0x3FB4] =	sst s6  }
0xf: {  	[smem:$0x3FB5] =	sst s7  }
0x10: {  	[smem:$0x3FB6] =	sst s8  }
0x11: {  	[smem:$0x3FB7] =	sst s9;
	s0 =	simm.s32 @!p0 $0x0  }
0x12: {  	s1 =	sld [smem:$0x3F9D];
	s0 =	simm.s32 @p0 $0x1  }
0x13: {  	[smem:$0x3FB8] =	sst s0;
	s0 =	simm.s32 @!p1 $0x0  }
0x14: {  	s2 =	sld [smem:$0x3F9C];
	s0 =	simm.s32 @p1 $0x1  }
0x15: {  	[smem:$0x3FB9] =	sst s0;
	s0 =	simm.s32 @!p2 $0x0  }
0x16: {  	s3 =	sld [smem:$0x3FDB];
	s0 =	simm.s32 @p2 $0x1  }
0x17: {  	s4 =	simm.s32 $0x1BF5;
	[smem:$0x3FBB] =	sst s0  }
0x18: {  	s0 =	sld [smem:$0x3F9E];
	_ =	swait.ge [sflag:s4], $0x0  }
0x19: {  	s7 =	sld [smem:$0x3F9F]  }
0x1a: {  	s8 =	sadd.s32 $0xFFFFE003, lr  }
0x1b: {  	s9 =	sadd.s32 $0xFFFFFEF7, lr;
	s5 =	simm.s32 $0xFFFFFFFF;
	p2 =	slt.u32 s8, $0xFFFFF086  }
0x1c: {  	p1 =	slt.u32 s9, $0xF7A;
	s5 =	simm.s32 @!p2 $0x0  }
0x1d: {  	s5 =	simm.s32 @p1 $0x1;
	p0 =	seq.s32 s7, s2  }
0x1e: {  	s7 =	smul.u32 @!p0 $0xF7A, s2;
	p2 =	seq.s32 @!p0 s5, $0x0  }
0x1f: {  	s9 =	smul.u32 $0xF7A, s1;
	s8 =	simm.s32 @!p0 $0x1BF5;
	p2 =	por !p2, p0  }
0x20: {  	[sflag:s8] =	ssyncset.s32 @!p0 $0xFFFFF086;
	s6 =	sadd.s32 @!p0 s3, s7;
	s7 =	simm.s32 @!p0 $0x108  }
0x21: {  	s3 =	sadd.s32 s3, s9;
	s6 =	sadd.s32 @!p0 $0x88, s6;
	s7 =	simm.s32 @p2 $0x1082  }
0x22: {  	[simem:s7], [sflag:s8] =	dma.local @!p0 [hbm:s6], $0xF7A  }
0x23: {  	s9 =	sor.u32 $0xD0000000, s2;
	s6 =	simm.s32 $0x108;
	_ =	swait.ge @!p0 [sflag:s8], $0x0  }
0x24: {  	s3 =	sadd.s32 $0x88, s3;
	s6 =	simm.s32 @!p1 $0x1082;
	[sflag:s4] =	ssyncset.s32 $0xFFFFF086  }
0x25: {  	[simem:s6], [sflag:s4] =	dma.local [hbm:s3], $0xF7A  }
0x26: {  	[smem:$0x3F9F] =	sst s1;
	(tag) =	ssettag s2;
	_ =	strace s9  }
0x27: {  	s1 =	sld [smem:$0x3FAF]  }
0x28: {  	s2 =	sld [smem:$0x3FB0]  }
0x29: {  	s4 =	sld [smem:$0x3FB2]  }
0x2a: {  	p0 =	seq.s32 s5, $0x0;
	s5 =	sld [smem:$0x3FB3]  }
0x2b: {  	s6 =	sld [smem:$0x3FB4]  }
0x2c: {  	s7 =	sld [smem:$0x3FB5]  }
0x2d: {  	s3 =	simm.s32 $0x108;
	s8 =	sld [smem:$0x3FB6]  }
0x2e: {  	s3 =	simm.s32 @!p0 $0x1082;
	s9 =	sld [smem:$0x3FB7]  }
0x2f: {  	lr =	sadd.s32 s0, s3;
	s0 =	sld [smem:$0x3FAE]  }
0x30: {  	s3 =	sld [smem:$0x3FB1]  }
0x31: {  	[smem:$0x3FBA] =	sst s10  }
0x32: {  	s10 =	sld [smem:$0x3FB8];
	_ =	sdelay $0x3  }
0x33: {  	p0 =	seq.s32 s10, $0x1;
	s10 =	sld [smem:$0x3FBA];
	_ =	sdelay $0x3  }
0x34: {  	[smem:$0x3FBA] =	sst s10  }
0x35: {  	s10 =	sld [smem:$0x3FB9];
	_ =	sdelay $0x3  }
0x36: {  	p1 =	seq.s32 s10, $0x1;
	s10 =	sld [smem:$0x3FBA];
	_ =	sdelay $0x3  }
0x37: {  	[smem:$0x3FBA] =	sst s10  }
0x38: {  	s10 =	sld [smem:$0x3FBB]  }
0x39: {  	_ = 	snop;
	(pc) =	sbr.ind lr, $3  }
0x3a: {  	_ = 	snop  }
0x3b: {  	_ = 	snop  }
0x3c: {  	p2 =	seq.s32 s10, $0x1;
	s10 =	sld [smem:$0x3FBA]  }
0x3d: {  	_ =	shalt  }
0x3e: {  	_ =	shalt  }
0x3f: {  	_ =	shalt  }
0x40: {  	_ =	shalt  }
0x41: {  	_ =	shalt  }
0x42: {  	_ =	shalt  }
0x43: {  	_ =	shalt  }
0x44: {  	_ =	shalt  }
0x45: {  	_ =	shalt  }
0x46: {  	_ =	shalt  }
0x47: {  	_ =	shalt  }
0x48: {  	_ =	shalt  }
0x49: {  	_ =	shalt  }
0x4a: {  	_ =	shalt  }
0x4b: {  	_ =	shalt  }
0x4c: {  	_ =	shalt  }
0x4d: {  	_ =	shalt  }
0x4e: {  	_ =	shalt  }
0x4f: {  	_ =	shalt  }
0x50: {  	_ =	shalt  }
0x51: {  	_ =	shalt  }
0x52: {  	_ =	shalt  }
0x53: {  	_ =	shalt  }
0x54: {  	_ =	shalt  }
0x55: {  	_ =	shalt  }
0x56: {  	_ =	shalt  }
0x57: {  	_ =	shalt  }
0x58: {  	_ =	shalt  }
0x59: {  	_ =	shalt  }
0x5a: {  	_ =	shalt  }
0x5b: {  	_ =	shalt  }
0x5c: {  	_ =	shalt  }
0x5d: {  	_ =	shalt  }
0x5e: {  	_ =	shalt  }
0x5f: {  	_ =	shalt  }
0x60: {  	_ =	shalt  }
0x61: {  	_ =	shalt  }
0x62: {  	_ =	shalt  }
0x63: {  	_ =	shalt  }
0x64: {  	_ =	shalt  }
0x65: {  	_ =	shalt  }
0x66: {  	_ =	shalt  }
0x67: {  	_ =	shalt  }
0x68: {  	_ =	shalt  }
0x69: {  	_ =	shalt  }
0x6a: {  	_ =	shalt  }
0x6b: {  	_ =	shalt  }
0x6c: {  	_ =	shalt  }
0x6d: {  	_ =	shalt  }
0x6e: {  	_ =	shalt  }
0x6f: {  	_ =	shalt  }
0x70: {  	_ =	shalt  }
0x71: {  	_ =	shalt  }
0x72: {  	_ =	shalt  }
0x73: {  	_ =	shalt  }
0x74: {  	_ =	shalt  }
0x75: {  	_ =	shalt  }
0x76: {  	_ =	shalt  }
0x77: {  	_ =	shalt  }
0x78: {  	_ =	shalt  }
0x79: {  	_ =	shalt  }
0x7a: {  	_ =	shalt  }
0x7b: {  	_ =	shalt  }
0x7c: {  	_ =	shalt  }
0x7d: {  	_ =	shalt  }
0x7e: {  	_ =	shalt  }
0x7f: {  	_ =	shalt  }
0x80: {  	_ =	shalt  }
0x81: {  	_ =	shalt  }
0x82: {  	_ =	shalt  }
0x83: {  	_ =	shalt  }
0x84: {  	_ =	shalt  }
0x85: {  	_ =	shalt  }
0x86: {  	_ =	shalt  }
0x87: {  	_ =	shalt  }
.Lfunc_end0:
.L_simem_size_0:
called_computation.1_lowered:
.L_overlay_start_0:
0x88: {  	s2 =	sld [smem:$0x3FD9]  }
0x89: {  	s3 =	sld [smem:$0x3FFE];
	_ =	sdelay $0x1  }
0x8a: {  	s1 =	srdreg.scid  }
0x8b: {  	s0 =	sand.u32 $0x1, s1  }
0x8c: {  	s17 =	sshll.u32 s0, $0xA;
	s2 =	sadd.s32 s3, s2  }
0x8d: {  	s2 =	sadd.s32 s2, s17  }
0x8e: {  	[smem:$0x3FC6] =	sst s2  }
0x8f: {  	_ = 	snop  }
0x90: {  	s2 =	sld [smem:$0x3FD0];
	(tm) =	ssettm $0x1  }
0x91: {  	s18 =	sld [smem:$0x3FFB];
	_ =	sdelay $0x3  }
0x92: {  	_ =	strace s18  }
0x93: {  	s3 =	sld [smem:$0x3FFC];
	_ =	sdelay $0x3  }
0x94: {  	_ =	strace s3  }
0x95: {  	s3 =	sld [smem:$0x3FFD];
	_ =	sdelay $0x3  }
0x96: {  	_ =	strace s3  }
0x97: {  	_ =	strace $0x8FFFFFFF  }
0x98: {  	s19 =	sld [smem:$0x3FDB];
	_ =	sdelay $0x1  }
0x99: {  	s4 =	simm.s32 $_scs_section_size  }
0x9a: {  	s5 =	simm.s32 $_size__tile_overlayer_lowered;
	s6 =	simm.s32 $_tile_overlayer_lowered  }
0x9b: {  	s22 =	simm.s32 $0x1BFF;
	s21 =	sshll.u32 s6, $0x1;
	s3 =	sadd.s32 s4, s19  }
0x9c: {  	s7 =	simm.s32 $0x0;
	s20 =	sshll.u32 s5, $0x1;
	s5 =	sadd.s32 s21, s3  }
0x9d: {  	[timem:s7], [sflag:s22] =	dma.local [hbm:s5], s20  }
0x9e: {  	_ =	swait.ge [sflag:s22], s20  }
0x9f: {  	s4 =	ssub.s32 $0x0, s20;
	[sflag:s22] =	ssyncset.done $0x0  }
0xa0: {  	[sflag:s22] =	ssyncadd.s32 s4;
	_ =	sdelay $0x1  }
0xa1: {  	s23 =	simm.s32 $0x1B8B  }
0xa2: {  	_ =	swait.ge [sflag:s23], $0x1  }
0xa3: {  	[sflag:s23] =	ssyncset.done $0x0  }
0xa4: {  	s25 =	simm.s32 $0x1B8E;
	s24 =	sld [smem:$0x3FFE];
	[sflag:s23] =	ssyncadd.s32 $0xFFFFFFFF  }
0xa5: {  	s26 =	simm.s32 $execute0_lowered;
	[smem:$0x3FD2] =	sst s25  }
0xa6: {  	s5 =	sshll.u32 s26, $0x1;
	_ =	strace $0x80000049;
	[dreg:$0x1] =	wrdreg $0xFFFFFFFF  }
0xa7: {  	s28 =	simm.s32 $_size_execute0_lowered;
	s3 =	sadd.s32 s3, s5;
	[dreg:$0x0] =	wrdreg $0x0  }
0xa8: {  	s5 =	sshll.u32 s28, $0x1;
	[dreg:$0x2] =	wrdreg s3  }
0xa9: {  	[dreg:$0x3] =	wrdreg s5  }
0xaa: {  	[dreg:$0x4] =	wrdreg $0xC0  }
0xab: {  	_ =	task [dreg:s7], $0x5FFFF  }
0xac: {  	[dreg:$0x1] =	wrdreg $0xFFFFFFFF  }
0xad: {  	[dreg:$0x0] =	wrdreg $0x60  }
0xae: {  	[dreg:$0x2] =	wrdreg s24  }
0xaf: {  	[dreg:$0x3] =	wrdreg s2  }
0xb0: {  	[dreg:$0x4] =	wrdreg $0x9  }
0xb1: {  	_ =	task.clear_ibuf [dreg:s7], $0x5FFFF;
	_ =	strace $0x90000049  }
0xb2: {  	s29 =	simm.s32 $0x9;
	_ =	strace $0x8000004B  }
0xb3: {  	_ =	swait.ge [sflag:s29], $0x1  }
0xb4: {  	[sflag:s29] =	ssyncadd.s32 $0xFFFFFFFF  }
0xb5: {  	_ =	strace $0x9000004B  }
0xb6: {  	_ =	sfence  }
0xb7: {  	s30 =	sld [smem:$0x0];
	_ =	sdelay $0x2  }
0xb8: {  	s31 =	sshll.u32 s1, $0xD;
	s1 =	sshrl.u32 s1, $0x2  }
0xb9: {  	s3 =	sand.u32 $0x4000, s31;
	s1 =	sadd.s32 s1, s30  }
0xba: {  	s0 =	sor.u32 s3, s0;
	s1 =	sshll.u32 s1, $0x11  }
0xbb: {  	s0 =	sor.u32 s1, s0  }
0xbc: {  	s0 =	sadd.s32 $0x8F2B, s0  }
0xbd: {  	[sflag:s0] =	ssyncadd.remote.s32 $0x1  }
0xbe: {  	_ =	sfence.sel $0xFFFF  }
0xbf: {  	[dreg:$0x0] =	wrdreg $0xFFFFFFFF;
	(pc) =	sbr.abs _section_cstart, $3  }
0xc0: {  	[dreg:$0x1] =	wrdreg $0xFFFFFFFF  }
0xc1: {  	_ =	task.clear_ibuf [dreg:s7], $0x2FFFF;
	_ =	strace $0x9FFFFFFF  }
0xc2: {  	(tm) =	ssettm $0x7FFFFFFF  }
0xc3: {  	_ =	shalt  }
tec
execute0_lowered:
.L_overlay_start_1:
0x0: {  	(tag) =	ssettag $0x1  }
0x1: {  	s0 =	rddreg [dreg:$0x0];
	s1 =	srdreg.scid  }
0x2: {  	s3 =	stileid.u32;
	s2 =	rddreg [dreg:$0x1]  }
0x3: {  	s13 =	simm.s32 $0x6400;
	s21 =	simm.s32 $0xC400;
	s28 =	simm.s32 $0xDE90  }
0x4: {  	s29 =	simm.s32 $0xDF18;
	s30 =	simm.s32 $0xDFA0;
	s31 =	simm.s32 $0xE028  }
0x5: {  	s14 =	simm.s32 $0xE1C0;
	s15 =	simm.s32 $0xE248;
	s16 =	simm.s32 $0xE2D0  }
0x6: {  	s17 =	simm.s32 $0xE358;
	s18 =	simm.s32 $0xE3E0;
	s19 =	simm.s32 $0xE468  }
0x7: {  	s20 =	simm.s32 $0xE4F0;
	s12 =	simm.s32 $0x0;
	s1 =	sand.u32 $0x1, s1  }
0x8: {  	s4 =	sshll.u32 s3, $0x1;
	s3 =	simm.s32 $0x0;
	s7 =	sadd.s32 $0x1000, s2  }
0x9: {  	s8 =	sadd.s32 $0x2000, s2;
	s9 =	sadd.s32 $0x3000, s2;
	s5 =	sor.u32 s1, s4  }
0xa: {  	v0 =	vlaneseq.u32;
	[smem:$0x7FF] =	sst s3;
	s1 =	ssub.s32 $0x2, s1;
	s4 =	smul.u32 $0xC80, s5  }
.Ltmp0:
0xb: {  	v1 =	vmul.u32 $0x20, v0;
	v9 =	vor.u32 $0x10, v0;
	v10 =	vor.u32 $0x20, v0;
	_ =	strace $0x8000004A;
	s25 =	sshrl.u32 s1, $0x1;
	(pc) =	sbr.rel .LBB2_1-.Ltmp0, $4  }
0xc: {  	v11 =	vor.u32 $0x30, v0;
	v12 =	vor.u32 $0x40, v0;
	v13 =	vor.u32 $0x50, v0;
	s5 =	smul.u32 $0xC8, s5;
	s6 =	sadd.s32 s4, s0;
	s4 =	sadd.s32 $0xA00, s0  }
0xd: {  	v14 =	vor.u32 $0x60, v0;
	v15 =	vor.u32 $0x70, v0;
	v2 =	vor.u32 $0xE00, v1;
	s0 =	ssub.s32 s1, s25;
	s1 =	simm.s32 $0xE0B0;
	s26 =	sadd.s32 $0x3D1400, s6  }
0xe: {  	v3 =	vor.u32 $0xC00, v1;
	v4 =	vor.u32 $0xA00, v1;
	v5 =	vor.u32 $0x800, v1;
	s0 =	smax.u32 s0, $0x1;
	s6 =	simm.s32 $0xE578;
	[dreg:$0x3] =	wrdreg s26  }
0xf: {  	v6 =	vor.u32 $0x600, v1;
	v7 =	vor.u32 $0x400, v1;
	v8 =	vor.u32 $0x200, v1;
	[dreg:$0x4] =	wrdreg s0;
	s26 =	simm.s32 $0xDE08;
	s0 =	simm.s32 $0xE138  }
.LBB2_9:
0x10: {  	s10 =	simm.s32 $0x7  }
0x11: {  	_ =	swait.ge [sflag:s10], $0x400  }
0x12: {  	[sflag:s10] =	ssyncset.done $0x0  }
0x13: {  	[sflag:s10] =	ssyncadd.s32 $0xFFFFFC00  }
0x14: {  	_ =	swait.ge [sflag:s10], $0x400  }
0x15: {  	[sflag:s10] =	ssyncset.done $0x0  }
0x16: {  	[sflag:s10] =	ssyncadd.s32 $0xFFFFFC00  }
0x17: {  	_ =	swait.ge [sflag:s10], $0x400  }
0x18: {  	[sflag:s10] =	ssyncset.done $0x0  }
0x19: {  	[sflag:s10] =	ssyncadd.s32 $0xFFFFFC00  }
0x1a: {  	_ =	swait.ge [sflag:s10], $0x400  }
0x1b: {  	[sflag:s10] =	ssyncset.done $0x0  }
0x1c: {  	s11 =	simm.s32 $0x8;
	[sflag:s10] =	ssyncadd.s32 $0xFFFFFC00  }
0x1d: {  	_ =	swait.ge [sflag:s11], $0x400  }
0x1e: {  	[sflag:s11] =	ssyncset.done $0x0  }
0x1f: {  	[sflag:s11] =	ssyncadd.s32 $0xFFFFFC00  }
0x20: {  	_ =	swait.ge [sflag:s11], $0x400  }
0x21: {  	[sflag:s11] =	ssyncset.done $0x0  }
0x22: {  	[sflag:s11] =	ssyncadd.s32 $0xFFFFFC00  }
0x23: {  	_ =	swait.ge [sflag:s11], $0x400  }
0x24: {  	[sflag:s11] =	ssyncset.done $0x0  }
0x25: {  	[sflag:s11] =	ssyncadd.s32 $0xFFFFFC00  }
0x26: {  	_ =	swait.ge [sflag:s11], $0x400  }
0x27: {  	s12 =	rddreg [dreg:$0x5]  }
0x28: {  	s25 =	rddreg [dreg:$0x4];
	s12 =	sadd.s32 $0x1, s12  }
0x29: {  	p0 =	sne.s32 s12, s25  }
.Ltmp1:
0x2a: {  	_ = 	snop;
	(pc) =	sbr.rel @!p0 .LBB2_10-.Ltmp1, $3  }
0x2b: {  	_ =	sdelay $0x1  }
0x2c: {  	[sflag:s11] =	ssyncset.done $0x0  }
0x2d: {  	[sflag:s11] =	ssyncadd.s32 $0xFFFFFC00  }
.LBB2_1:
0x2e: {  	[dreg:$0x5] =	wrdreg s12  }
0x2f: {  	s10 =	rddreg [dreg:$0x3];
	s23 =	simm.s32 $0x9  }
0x30: {  	[tilespmem:s3], [sflag:$0x9] =	stream.linear.gather [hbm4b:s10+s3], $0x6400, $0x38;
	[tilespmem:$0xE600] =	vst v63  }
0x31: {  	_ =	swait.ge [sflag:s23], $0x6400  }
0x32: {  	[sflag:s23] =	ssyncset.done $0x0  }
0x33: {  	s10 =	simm.s32 $0x80;
	[sflag:s23] =	ssyncadd.s32 $0xFFFF9C00  }
0x34: {  	[tilespmem:s13], [sflag:$0x1] =	stream.indirect.gather [hbm4b:s4+s10], $0x20, s3, s10, $0xb8;
	[tilespmem:$0xE600] =	vst v63  }
0x35: {  	s11 =	simm.s32 $0x7400  }
0x36: {  	[tilespmem:s11], [sflag:$0x2] =	stream.indirect.gather [hbm4b:s4+s10], $0x20, s10, s10, $0xb8;
	[tilespmem:$0xE600] =	vst v63  }
0x37: {  	s24 =	simm.s32 $0x100;
	s25 =	simm.s32 $0x8400  }
0x38: {  	[tilespmem:s25], [sflag:$0x3] =	stream.indirect.gather [hbm4b:s4+s10], $0x20, s24, s10, $0xb8;
	[tilespmem:$0xE600] =	vst v63  }
.Ltmp2:
0x39: {  	s22 =	simm.s32 $0x180;
	s23 =	simm.s32 $0x9400;
	(pc) =	sbr.rel .LBB2_2-.Ltmp2, $4  }
0x3a: {  	[tilespmem:s23], [sflag:$0x4] =	stream.indirect.gather [hbm4b:s4+s10], $0x20, s22, s10, $0xb8;
	[tilespmem:$0xE600] =	vst v63  }
0x3b: {  	s24 =	simm.s32 $0x200;
	s25 =	simm.s32 $0xA400  }
0x3c: {  	[tilespmem:s25], [sflag:$0x5] =	stream.indirect.gather [hbm4b:s4+s10], $0x20, s24, s10, $0xb8;
	[tilespmem:$0xE600] =	vst v63  }
0x3d: {  	s10 =	simm.s32 $0x0  }
.LBB2_8:
0x3e: {  	s10 =	sadd.s32 $0x1, s10  }
0x3f: {  	p0 =	sne.s32 s10, $0xC8  }
.Ltmp3:
0x40: {  	_ = 	snop;
	(pc) =	sbr.rel @!p0 .LBB2_9-.Ltmp3, $1  }
0x41: {  	_ =	sdelay $0x3  }
.LBB2_2:
0x42: {  	s11 =	smul.u32 $0xAB, s10;
	p0 =	sgt.u32 s10, $0xC2  }
0x43: {  	s12 =	sadd.s32 @!p0 $0x5, s10  }
0x44: {  	s11 =	sshrl.u32 s11, $0xA;
	s22 =	smul.u32 @!p0 $0xAB, s12  }
0x45: {  	s11 =	sand.u32 $0x3F, s11  }
0x46: {  	s11 =	smul.u32 $0x6, s11;
	s22 =	sshrl.u32 @!p0 s22, $0xA  }
0x47: {  	s22 =	sand.u32 @!p0 $0x3F, s22  }
0x48: {  	s11 =	ssub.s32 s10, s11;
	s22 =	smul.u32 @!p0 $0x6, s22  }
0x49: {  	s23 =	sand.u32 $0xFF, s11  }
0x4a: {  	s11 =	sadd.s32 $0x1, s23;
	s22 =	ssub.s32 @!p0 s12, s22;
	s12 =	sshll.u32 @!p0 s12, $0x7  }
0x4b: {  	_ =	swait.ge [sflag:s11], $0x1000;
	s22 =	sand.u32 @!p0 $0xFF, s22;
	s12 =	sand.u32 @!p0 $0x3FFFFF80, s12  }
0x4c: {  	[sflag:s11] =	ssyncset.done $0x0;
	s24 =	sshll.u32 @!p0 s22, $0xC;
	s22 =	sadd.s32 @!p0 $0x1, s22  }
0x4d: {  	[sflag:s11] =	ssyncadd.s32 $0xFFFFF000;
	s11 =	sadd.s32 @!p0 $0x6400, s24;
	s24 =	simm.s32 @!p0 $0x80  }
0x4e: {  	[tilespmem:s11], [sflag:s22] =	stream.indirect.gather @!p0 [hbm4b:s4+s24], $0x20, s12, s24, $0xb8;
	[tilespmem:$0xE600] =	vst v63  }
0x4f: {  	p1 =	slt.u32 s10, $0x2;
	s11 =	sand.u32 $0x1, s10  }
0x50: {  	p0 =	sne.s32 @!p1 s11, $0x0  }
0x51: {  	p2 =	por p0, p1  }
0x52: {  	s12 =	simm.s32 @!p2 $0x7  }
0x53: {  	_ =	swait.ge @!p2 [sflag:s12], $0x400  }
0x54: {  	[sflag:s12] =	ssyncset.done @!p2 $0x0  }
0x55: {  	[sflag:s12] =	ssyncadd.s32 @!p2 $0xFFFFFC00  }
0x56: {  	_ =	swait.ge @!p2 [sflag:s12], $0x400  }
0x57: {  	[sflag:s12] =	ssyncset.done @!p2 $0x0  }
0x58: {  	[sflag:s12] =	ssyncadd.s32 @!p2 $0xFFFFFC00  }
0x59: {  	_ =	swait.ge @!p2 [sflag:s12], $0x400  }
0x5a: {  	[sflag:s12] =	ssyncset.done @!p2 $0x0  }
0x5b: {  	[sflag:s12] =	ssyncadd.s32 @!p2 $0xFFFFFC00  }
0x5c: {  	p0 =	seq.s32 s11, $0x1;
	_ =	swait.ge @!p2 [sflag:s12], $0x400  }
0x5d: {  	p1 =	por !p0, p1;
	[sflag:s12] =	ssyncset.done @!p2 $0x0  }
0x5e: {  	[sflag:s12] =	ssyncadd.s32 @!p2 $0xFFFFFC00;
	s12 =	simm.s32 @!p1 $0x8  }
0x5f: {  	_ =	swait.ge @!p1 [sflag:s12], $0x400  }
0x60: {  	[sflag:s12] =	ssyncset.done @!p1 $0x0  }
0x61: {  	[sflag:s12] =	ssyncadd.s32 @!p1 $0xFFFFFC00  }
0x62: {  	s23 =	sshll.u32 s23, $0x7;
	_ =	swait.ge @!p1 [sflag:s12], $0x400  }
0x63: {  	v16 =	vmov s23;
	s24 =	simm.s32 $0x0;
	[sflag:s12] =	ssyncset.done @!p1 $0x0  }
0x64: {  	v24 =	vshll.u32 v16, $0x5;
	v17 =	vadd.s32 s24, v0;
	[sflag:s12] =	ssyncadd.s32 @!p1 $0xFFFFFC00  }
0x65: {  	v16 =	vor.u32 v1, v24;
	v25 =	vand.u32 $0x1F, v17;
	_ =	swait.ge @!p1 [sflag:s12], $0x400  }
0x66: {  	s25 =	sshll.u32 s11, $0x5;
	v19 =	vor.u32 v16, v25;
	[sflag:s12] =	ssyncset.done @!p1 $0x0  }
0x67: {  	v17 =	vmov s25;
	[sflag:s12] =	ssyncadd.s32 @!p1 $0xFFFFFC00  }
0x68: {  	v18 =	vor.u32 v17, v25;
	_ =	swait.ge @!p1 [sflag:s12], $0x400  }
0x69: {  	v26 =	vmul.u32 $0x88, v18;
	[sflag:s12] =	ssyncset.done @!p1 $0x0  }
0x6a: {  	[sflag:s12] =	ssyncadd.s32 @!p1 $0xFFFFFC00  }
0x6b: {  	v18 =	vor.u32 v8, v24;
	v20 =	vadd.s32 v0, v26;
	v19 =	vld.idx.msk [tilespmem:v19+s13+$0x0], $0xffff  }
0x6c: {  	v21 =	vor.u32 v18, v25;
	_ =	sdelay $0x3  }
0x6d: {  	[tilespmem:v20+s21+$0x0] =	vst.idx.msk $0xffff, v19  }
0x6e: {  	v19 =	vor.u32 v7, v24;
	v20 =	vld.idx.msk [tilespmem:v21+s13+$0x0], $0xffff;
	v21 =	vadd.s32 v9, v26  }
0x6f: {  	v22 =	vor.u32 v19, v25;
	_ =	sdelay $0x3  }
0x70: {  	[tilespmem:v21+s21+$0x0] =	vst.idx.msk $0xffff, v20  }
0x71: {  	v20 =	vor.u32 v6, v24;
	v21 =	vld.idx.msk [tilespmem:v22+s13+$0x0], $0xffff;
	v22 =	vadd.s32 v10, v26  }
0x72: {  	v23 =	vor.u32 v20, v25;
	_ =	sdelay $0x3  }
0x73: {  	[tilespmem:v22+s21+$0x0] =	vst.idx.msk $0xffff, v21  }
0x74: {  	v21 =	vor.u32 v5, v24;
	v22 =	vld.idx.msk [tilespmem:v23+s13+$0x0], $0xffff;
	v23 =	vadd.s32 v11, v26  }
0x75: {  	v27 =	vor.u32 v21, v25;
	_ =	sdelay $0x3  }
0x76: {  	[tilespmem:v23+s21+$0x0] =	vst.idx.msk $0xffff, v22  }
0x77: {  	v22 =	vor.u32 v4, v24;
	v23 =	vld.idx.msk [tilespmem:v27+s13+$0x0], $0xffff;
	v27 =	vadd.s32 v12, v26  }
0x78: {  	v28 =	vor.u32 v22, v25;
	_ =	sdelay $0x3  }
0x79: {  	[tilespmem:v27+s21+$0x0] =	vst.idx.msk $0xffff, v23  }
0x7a: {  	v23 =	vor.u32 v3, v24;
	v27 =	vld.idx.msk [tilespmem:v28+s13+$0x0], $0xffff;
	v28 =	vadd.s32 v13, v26  }
0x7b: {  	v29 =	vor.u32 v23, v25;
	_ =	sdelay $0x3  }
0x7c: {  	[tilespmem:v28+s21+$0x0] =	vst.idx.msk $0xffff, v27  }
0x7d: {  	v24 =	vor.u32 v2, v24;
	v28 =	vadd.s32 v14, v26;
	v27 =	vld.idx.msk [tilespmem:v29+s13+$0x0], $0xffff  }
0x7e: {  	v25 =	vor.u32 v24, v25;
	_ =	sdelay $0x2  }
0x7f: {  	s22 =	simm.s32 $0x1  }
0x80: {  	[tilespmem:v28+s21+$0x0] =	vst.idx.msk $0xffff, v27;
	v27 =	vadd.s32 s22, v0  }
0x81: {  	v26 =	vadd.s32 v15, v26;
	v25 =	vld.idx.msk [tilespmem:v25+s13+$0x0], $0xffff;
	v27 =	vand.u32 $0x1F, v27  }
0x82: {  	v28 =	vor.u32 v16, v27;
	_ =	sdelay $0x1  }
0x83: {  	v29 =	vor.u32 v17, v27  }
0x84: {  	v29 =	vmul.u32 $0x88, v29  }
0x85: {  	[tilespmem:v26+s21+$0x0] =	vst.idx.msk $0xffff, v25  }
0x86: {  	v26 =	vadd.s32 v0, v29;
	v25 =	vld.idx.msk [tilespmem:v28+s13+$0x0], $0xffff  }
0x87: {  	v28 =	vor.u32 v18, v27;
	_ =	sdelay $0x3  }
0x88: {  	[tilespmem:v26+s21+$0x0] =	vst.idx.msk $0xffff, v25  }
0x89: {  	v26 =	vadd.s32 v9, v29;
	v25 =	vld.idx.msk [tilespmem:v28+s13+$0x0], $0xffff  }
0x8a: {  	v28 =	vor.u32 v19, v27;
	_ =	sdelay $0x3  }
0x8b: {  	[tilespmem:v26+s21+$0x0] =	vst.idx.msk $0xffff, v25  }
0x8c: {  	v26 =	vadd.s32 v10, v29;
	v25 =	vld.idx.msk [tilespmem:v28+s13+$0x0], $0xffff  }
0x8d: {  	v28 =	vor.u32 v20, v27;
	_ =	sdelay $0x3  }
0x8e: {  	[tilespmem:v26+s21+$0x0] =	vst.idx.msk $0xffff, v25  }
0x8f: {  	v26 =	vadd.s32 v11, v29;
	v25 =	vld.idx.msk [tilespmem:v28+s13+$0x0], $0xffff  }
0x90: {  	v28 =	vor.u32 v21, v27;
	_ =	sdelay $0x3  }
0x91: {  	[tilespmem:v26+s21+$0x0] =	vst.idx.msk $0xffff, v25  }
0x92: {  	v26 =	vadd.s32 v12, v29;
	v25 =	vld.idx.msk [tilespmem:v28+s13+$0x0], $0xffff  }
0x93: {  	v28 =	vor.u32 v22, v27;
	_ =	sdelay $0x3  }
0x94: {  	[tilespmem:v26+s21+$0x0] =	vst.idx.msk $0xffff, v25  }
0x95: {  	v26 =	vadd.s32 v13, v29;
	v25 =	vld.idx.msk [tilespmem:v28+s13+$0x0], $0xffff  }
0x96: {  	v28 =	vor.u32 v23, v27;
	_ =	sdelay $0x3  }
0x97: {  	[tilespmem:v26+s21+$0x0] =	vst.idx.msk $0xffff, v25  }
0x98: {  	v26 =	vadd.s32 v14, v29;
	v25 =	vld.idx.msk [tilespmem:v28+s13+$0x0], $0xffff  }
0x99: {  	v27 =	vor.u32 v24, v27;
	_ =	sdelay $0x2  }
0x9a: {  	s23 =	simm.s32 $0x2  }
0x9b: {  	[tilespmem:v26+s21+$0x0] =	vst.idx.msk $0xffff, v25;
	v25 =	vadd.s32 s23, v0  }
0x9c: {  	v26 =	vld.idx.msk [tilespmem:v27+s13+$0x0], $0xffff;
	v27 =	vadd.s32 v15, v29;
	v25 =	vand.u32 $0x1F, v25  }
0x9d: {  	v28 =	vor.u32 v16, v25;
	_ =	sdelay $0x1  }
0x9e: {  	v29 =	vor.u32 v17, v25  }
0x9f: {  	v29 =	vmul.u32 $0x88, v29  }
0xa0: {  	[tilespmem:v27+s21+$0x0] =	vst.idx.msk $0xffff, v26  }
0xa1: {  	v27 =	vadd.s32 v0, v29;
	v26 =	vld.idx.msk [tilespmem:v28+s13+$0x0], $0xffff  }
0xa2: {  	v28 =	vor.u32 v18, v25;
	_ =	sdelay $0x3  }
0xa3: {  	[tilespmem:v27+s21+$0x0] =	vst.idx.msk $0xffff, v26  }
0xa4: {  	v27 =	vadd.s32 v9, v29;
	v26 =	vld.idx.msk [tilespmem:v28+s13+$0x0], $0xffff  }
0xa5: {  	v28 =	vor.u32 v19, v25;
	_ =	sdelay $0x3  }
0xa6: {  	[tilespmem:v27+s21+$0x0] =	vst.idx.msk $0xffff, v26  }
0xa7: {  	v27 =	vadd.s32 v10, v29;
	v26 =	vld.idx.msk [tilespmem:v28+s13+$0x0], $0xffff  }
0xa8: {  	v28 =	vor.u32 v20, v25;
	_ =	sdelay $0x3  }
0xa9: {  	[tilespmem:v27+s21+$0x0] =	vst.idx.msk $0xffff, v26  }
0xaa: {  	v27 =	vadd.s32 v11, v29;
	v26 =	vld.idx.msk [tilespmem:v28+s13+$0x0], $0xffff  }
0xab: {  	v28 =	vor.u32 v21, v25;
	_ =	sdelay $0x3  }
0xac: {  	[tilespmem:v27+s21+$0x0] =	vst.idx.msk $0xffff, v26  }
0xad: {  	v27 =	vadd.s32 v12, v29;
	v26 =	vld.idx.msk [tilespmem:v28+s13+$0x0], $0xffff  }
0xae: {  	v28 =	vor.u32 v22, v25;
	_ =	sdelay $0x3  }
0xaf: {  	[tilespmem:v27+s21+$0x0] =	vst.idx.msk $0xffff, v26  }
0xb0: {  	v27 =	vadd.s32 v13, v29;
	v26 =	vld.idx.msk [tilespmem:v28+s13+$0x0], $0xffff  }
0xb1: {  	v28 =	vor.u32 v23, v25;
	_ =	sdelay $0x3  }
0xb2: {  	[tilespmem:v27+s21+$0x0] =	vst.idx.msk $0xffff, v26  }
0xb3: {  	v27 =	vadd.s32 v14, v29;
	v26 =	vld.idx.msk [tilespmem:v28+s13+$0x0], $0xffff  }
0xb4: {  	v25 =	vor.u32 v24, v25;
	_ =	sdelay $0x2  }
0xb5: {  	s24 =	simm.s32 $0x3  }
0xb6: {  	[tilespmem:v27+s21+$0x0] =	vst.idx.msk $0xffff, v26;
	v26 =	vadd.s32 s24, v0  }
0xb7: {  	v28 =	vadd.s32 v15, v29;
	v27 =	vld.idx.msk [tilespmem:v25+s13+$0x0], $0xffff;
	v26 =	vand.u32 $0x1F, v26  }
0xb8: {  	v29 =	vor.u32 v16, v26;
	_ =	sdelay $0x1  }
0xb9: {  	v25 =	vor.u32 v17, v26  }
0xba: {  	v25 =	vmul.u32 $0x88, v25  }
0xbb: {  	[tilespmem:v28+s21+$0x0] =	vst.idx.msk $0xffff, v27  }
0xbc: {  	v28 =	vadd.s32 v0, v25;
	v27 =	vld.idx.msk [tilespmem:v29+s13+$0x0], $0xffff  }
0xbd: {  	v29 =	vor.u32 v18, v26;
	_ =	sdelay $0x3  }
0xbe: {  	[tilespmem:v28+s21+$0x0] =	vst.idx.msk $0xffff, v27  }
0xbf: {  	v28 =	vadd.s32 v9, v25;
	v27 =	vld.idx.msk [tilespmem:v29+s13+$0x0], $0xffff  }
0xc0: {  	v29 =	vor.u32 v19, v26;
	_ =	sdelay $0x3  }
0xc1: {  	[tilespmem:v28+s21+$0x0] =	vst.idx.msk $0xffff, v27  }
0xc2: {  	v28 =	vadd.s32 v10, v25;
	v27 =	vld.idx.msk [tilespmem:v29+s13+$0x0], $0xffff  }
0xc3: {  	v29 =	vor.u32 v20, v26;
	_ =	sdelay $0x3  }
0xc4: {  	[tilespmem:v28+s21+$0x0] =	vst.idx.msk $0xffff, v27  }
0xc5: {  	v28 =	vadd.s32 v11, v25;
	v27 =	vld.idx.msk [tilespmem:v29+s13+$0x0], $0xffff  }
0xc6: {  	v29 =	vor.u32 v21, v26;
	_ =	sdelay $0x3  }
0xc7: {  	[tilespmem:v28+s21+$0x0] =	vst.idx.msk $0xffff, v27  }
0xc8: {  	v28 =	vadd.s32 v12, v25;
	v27 =	vld.idx.msk [tilespmem:v29+s13+$0x0], $0xffff  }
0xc9: {  	v29 =	vor.u32 v22, v26;
	_ =	sdelay $0x3  }
0xca: {  	[tilespmem:v28+s21+$0x0] =	vst.idx.msk $0xffff, v27  }
0xcb: {  	v28 =	vadd.s32 v13, v25;
	v27 =	vld.idx.msk [tilespmem:v29+s13+$0x0], $0xffff  }
0xcc: {  	v29 =	vor.u32 v23, v26;
	_ =	sdelay $0x3  }
0xcd: {  	[tilespmem:v28+s21+$0x0] =	vst.idx.msk $0xffff, v27  }
0xce: {  	v28 =	vadd.s32 v14, v25;
	v27 =	vld.idx.msk [tilespmem:v29+s13+$0x0], $0xffff  }
0xcf: {  	v26 =	vor.u32 v24, v26;
	_ =	sdelay $0x3  }
0xd0: {  	s25 =	sadd.s32 s5, s10;
	s23 =	simm.s32 $0x4;
	[tilespmem:v28+s21+$0x0] =	vst.idx.msk $0xffff, v27  }
0xd1: {  	s12 =	sshrl.u32 s25, $0x5;
	s22 =	sand.u32 $0x1F, s25;
	s24 =	simm.s32 $0x8;
	v27 =	vadd.s32 s23, v0;
	v26 =	vld.idx.msk [tilespmem:v26+s13+$0x0], $0xffff  }
.LBB2_3:
0xd2: {  	p1 =	slt.u32 s24, $0x1C;
	v27 =	vand.u32 $0x1F, v27;
	v25 =	vadd.s32 v15, v25  }
0xd3: {  	v28 =	vor.u32 v16, v27;
	_ =	sdelay $0x2  }
0xd4: {  	v29 =	vor.u32 v17, v27  }
0xd5: {  	v29 =	vmul.u32 $0x88, v29;
	[tilespmem:v25+s21+$0x0] =	vst.idx.msk $0xffff, v26  }
0xd6: {  	v25 =	vld.idx.msk [tilespmem:v28+s13+$0x0], $0xffff  }
0xd7: {  	v26 =	vadd.s32 v0, v29  }
0xd8: {  	v28 =	vor.u32 v18, v27;
	_ =	sdelay $0x3  }
0xd9: {  	[tilespmem:v26+s21+$0x0] =	vst.idx.msk $0xffff, v25  }
0xda: {  	v25 =	vld.idx.msk [tilespmem:v28+s13+$0x0], $0xffff  }
0xdb: {  	v26 =	vadd.s32 v9, v29  }
0xdc: {  	v28 =	vor.u32 v19, v27;
	_ =	sdelay $0x3  }
0xdd: {  	[tilespmem:v26+s21+$0x0] =	vst.idx.msk $0xffff, v25  }
0xde: {  	v25 =	vld.idx.msk [tilespmem:v28+s13+$0x0], $0xffff  }
0xdf: {  	v26 =	vadd.s32 v10, v29  }
0xe0: {  	v28 =	vor.u32 v20, v27;
	_ =	sdelay $0x3  }
0xe1: {  	[tilespmem:v26+s21+$0x0] =	vst.idx.msk $0xffff, v25  }
0xe2: {  	v25 =	vld.idx.msk [tilespmem:v28+s13+$0x0], $0xffff  }
0xe3: {  	v26 =	vadd.s32 v11, v29  }
0xe4: {  	v28 =	vor.u32 v21, v27;
	_ =	sdelay $0x3  }
0xe5: {  	[tilespmem:v26+s21+$0x0] =	vst.idx.msk $0xffff, v25  }
0xe6: {  	v25 =	vld.idx.msk [tilespmem:v28+s13+$0x0], $0xffff  }
0xe7: {  	v26 =	vadd.s32 v12, v29  }
0xe8: {  	v28 =	vor.u32 v22, v27;
	_ =	sdelay $0x3  }
0xe9: {  	[tilespmem:v26+s21+$0x0] =	vst.idx.msk $0xffff, v25  }
0xea: {  	v25 =	vld.idx.msk [tilespmem:v28+s13+$0x0], $0xffff  }
0xeb: {  	v26 =	vadd.s32 v13, v29  }
0xec: {  	v28 =	vor.u32 v23, v27;
	_ =	sdelay $0x3  }
0xed: {  	[tilespmem:v26+s21+$0x0] =	vst.idx.msk $0xffff, v25  }
0xee: {  	v25 =	vld.idx.msk [tilespmem:v28+s13+$0x0], $0xffff  }
0xef: {  	v26 =	vadd.s32 v14, v29  }
0xf0: {  	v27 =	vor.u32 v24, v27;
	_ =	sdelay $0x3  }
0xf1: {  	s25 =	sadd.s32 $0x1, s23;
	[tilespmem:v26+s21+$0x0] =	vst.idx.msk $0xffff, v25  }
0xf2: {  	v26 =	vadd.s32 s25, v0;
	v25 =	vld.idx.msk [tilespmem:v27+s13+$0x0], $0xffff  }
0xf3: {  	v27 =	vadd.s32 v15, v29;
	v26 =	vand.u32 $0x1F, v26  }
0xf4: {  	v28 =	vor.u32 v16, v26;
	_ =	sdelay $0x2  }
0xf5: {  	v29 =	vor.u32 v17, v26  }
0xf6: {  	[tilespmem:v27+s21+$0x0] =	vst.idx.msk $0xffff, v25;
	v25 =	vmul.u32 $0x88, v29  }
0xf7: {  	v27 =	vld.idx.msk [tilespmem:v28+s13+$0x0], $0xffff  }
0xf8: {  	v28 =	vadd.s32 v0, v25  }
0xf9: {  	v29 =	vor.u32 v18, v26;
	_ =	sdelay $0x3  }
0xfa: {  	[tilespmem:v28+s21+$0x0] =	vst.idx.msk $0xffff, v27  }
0xfb: {  	v27 =	vld.idx.msk [tilespmem:v29+s13+$0x0], $0xffff  }
0xfc: {  	v28 =	vadd.s32 v9, v25  }
0xfd: {  	v29 =	vor.u32 v19, v26;
	_ =	sdelay $0x3  }
0xfe: {  	[tilespmem:v28+s21+$0x0] =	vst.idx.msk $0xffff, v27  }
0xff: {  	v27 =	vld.idx.msk [tilespmem:v29+s13+$0x0], $0xffff  }
0x100: {  	v28 =	vadd.s32 v10, v25  }
0x101: {  	v29 =	vor.u32 v20, v26;
	_ =	sdelay $0x3  }
0x102: {  	[tilespmem:v28+s21+$0x0] =	vst.idx.msk $0xffff, v27  }
0x103: {  	v27 =	vld.idx.msk [tilespmem:v29+s13+$0x0], $0xffff  }
0x104: {  	v28 =	vadd.s32 v11, v25  }
0x105: {  	v29 =	vor.u32 v21, v26;
	_ =	sdelay $0x3  }
0x106: {  	[tilespmem:v28+s21+$0x0] =	vst.idx.msk $0xffff, v27  }
0x107: {  	v27 =	vld.idx.msk [tilespmem:v29+s13+$0x0], $0xffff  }
0x108: {  	v28 =	vadd.s32 v12, v25  }
0x109: {  	v29 =	vor.u32 v22, v26;
	_ =	sdelay $0x3  }
0x10a: {  	[tilespmem:v28+s21+$0x0] =	vst.idx.msk $0xffff, v27  }
0x10b: {  	v27 =	vld.idx.msk [tilespmem:v29+s13+$0x0], $0xffff  }
0x10c: {  	v28 =	vadd.s32 v13, v25  }
0x10d: {  	v29 =	vor.u32 v23, v26;
	_ =	sdelay $0x3  }
0x10e: {  	[tilespmem:v28+s21+$0x0] =	vst.idx.msk $0xffff, v27  }
0x10f: {  	v27 =	vld.idx.msk [tilespmem:v29+s13+$0x0], $0xffff  }
0x110: {  	v28 =	vadd.s32 v14, v25  }
0x111: {  	v26 =	vor.u32 v24, v26;
	_ =	sdelay $0x3  }
0x112: {  	s25 =	sadd.s32 $0x2, s23;
	[tilespmem:v28+s21+$0x0] =	vst.idx.msk $0xffff, v27  }
0x113: {  	v27 =	vadd.s32 s25, v0;
	v26 =	vld.idx.msk [tilespmem:v26+s13+$0x0], $0xffff  }
0x114: {  	v25 =	vadd.s32 v15, v25;
	v27 =	vand.u32 $0x1F, v27  }
0x115: {  	v28 =	vor.u32 v16, v27;
	_ =	sdelay $0x2  }
0x116: {  	v29 =	vor.u32 v17, v27  }
0x117: {  	[tilespmem:v25+s21+$0x0] =	vst.idx.msk $0xffff, v26;
	v25 =	vmul.u32 $0x88, v29  }
0x118: {  	v26 =	vld.idx.msk [tilespmem:v28+s13+$0x0], $0xffff  }
0x119: {  	v28 =	vadd.s32 v0, v25  }
0x11a: {  	v29 =	vor.u32 v18, v27;
	_ =	sdelay $0x3  }
0x11b: {  	[tilespmem:v28+s21+$0x0] =	vst.idx.msk $0xffff, v26  }
0x11c: {  	v26 =	vld.idx.msk [tilespmem:v29+s13+$0x0], $0xffff  }
0x11d: {  	v28 =	vadd.s32 v9, v25  }
0x11e: {  	v29 =	vor.u32 v19, v27;
	_ =	sdelay $0x3  }
0x11f: {  	[tilespmem:v28+s21+$0x0] =	vst.idx.msk $0xffff, v26  }
0x120: {  	v26 =	vld.idx.msk [tilespmem:v29+s13+$0x0], $0xffff  }
0x121: {  	v28 =	vadd.s32 v10, v25  }
0x122: {  	v29 =	vor.u32 v20, v27;
	_ =	sdelay $0x3  }
0x123: {  	[tilespmem:v28+s21+$0x0] =	vst.idx.msk $0xffff, v26  }
0x124: {  	v26 =	vld.idx.msk [tilespmem:v29+s13+$0x0], $0xffff  }
0x125: {  	v28 =	vadd.s32 v11, v25  }
0x126: {  	v29 =	vor.u32 v21, v27;
	_ =	sdelay $0x3  }
0x127: {  	[tilespmem:v28+s21+$0x0] =	vst.idx.msk $0xffff, v26  }
0x128: {  	v26 =	vld.idx.msk [tilespmem:v29+s13+$0x0], $0xffff  }
0x129: {  	v28 =	vadd.s32 v12, v25  }
0x12a: {  	v29 =	vor.u32 v22, v27;
	_ =	sdelay $0x3  }
0x12b: {  	[tilespmem:v28+s21+$0x0] =	vst.idx.msk $0xffff, v26  }
0x12c: {  	v26 =	vld.idx.msk [tilespmem:v29+s13+$0x0], $0xffff  }
0x12d: {  	v28 =	vadd.s32 v13, v25  }
0x12e: {  	v29 =	vor.u32 v23, v27;
	_ =	sdelay $0x3  }
0x12f: {  	[tilespmem:v28+s21+$0x0] =	vst.idx.msk $0xffff, v26  }
0x130: {  	v26 =	vld.idx.msk [tilespmem:v29+s13+$0x0], $0xffff  }
0x131: {  	v28 =	vadd.s32 v14, v25  }
0x132: {  	v27 =	vor.u32 v24, v27;
	_ =	sdelay $0x3  }
0x133: {  	s25 =	sadd.s32 $0x3, s23;
	s23 =	smov.u32 s24;
	[tilespmem:v28+s21+$0x0] =	vst.idx.msk $0xffff, v26  }
0x134: {  	v26 =	vld.idx.msk [tilespmem:v27+s13+$0x0], $0xffff;
	v27 =	vadd.s32 s25, v0  }
0x135: {  	v25 =	vadd.s32 v15, v25;
	v27 =	vand.u32 $0x1F, v27  }
0x136: {  	v28 =	vor.u32 v16, v27;
	_ =	sdelay $0x2  }
0x137: {  	v29 =	vor.u32 v17, v27  }
0x138: {  	[tilespmem:v25+s21+$0x0] =	vst.idx.msk $0xffff, v26;
	v25 =	vmul.u32 $0x88, v29  }
0x139: {  	v26 =	vld.idx.msk [tilespmem:v28+s13+$0x0], $0xffff  }
0x13a: {  	v28 =	vadd.s32 v0, v25  }
0x13b: {  	v29 =	vor.u32 v18, v27;
	_ =	sdelay $0x3  }
0x13c: {  	[tilespmem:v28+s21+$0x0] =	vst.idx.msk $0xffff, v26  }
0x13d: {  	v26 =	vld.idx.msk [tilespmem:v29+s13+$0x0], $0xffff  }
0x13e: {  	v28 =	vadd.s32 v9, v25  }
0x13f: {  	v29 =	vor.u32 v19, v27;
	_ =	sdelay $0x3  }
0x140: {  	[tilespmem:v28+s21+$0x0] =	vst.idx.msk $0xffff, v26  }
0x141: {  	v26 =	vld.idx.msk [tilespmem:v29+s13+$0x0], $0xffff  }
0x142: {  	v28 =	vadd.s32 v10, v25  }
0x143: {  	v29 =	vor.u32 v20, v27;
	_ =	sdelay $0x3  }
0x144: {  	[tilespmem:v28+s21+$0x0] =	vst.idx.msk $0xffff, v26  }
0x145: {  	v26 =	vld.idx.msk [tilespmem:v29+s13+$0x0], $0xffff  }
0x146: {  	v28 =	vadd.s32 v11, v25  }
0x147: {  	v29 =	vor.u32 v21, v27;
	_ =	sdelay $0x3  }
0x148: {  	[tilespmem:v28+s21+$0x0] =	vst.idx.msk $0xffff, v26  }
0x149: {  	v26 =	vld.idx.msk [tilespmem:v29+s13+$0x0], $0xffff  }
0x14a: {  	v28 =	vadd.s32 v12, v25  }
0x14b: {  	v29 =	vor.u32 v22, v27;
	_ =	sdelay $0x3  }
0x14c: {  	[tilespmem:v28+s21+$0x0] =	vst.idx.msk $0xffff, v26  }
0x14d: {  	v26 =	vld.idx.msk [tilespmem:v29+s13+$0x0], $0xffff  }
0x14e: {  	v28 =	vadd.s32 v13, v25  }
0x14f: {  	v29 =	vor.u32 v23, v27;
	_ =	sdelay $0x3  }
0x150: {  	[tilespmem:v28+s21+$0x0] =	vst.idx.msk $0xffff, v26  }
0x151: {  	v26 =	vld.idx.msk [tilespmem:v29+s13+$0x0], $0xffff  }
0x152: {  	v28 =	vadd.s32 v14, v25  }
0x153: {  	v29 =	vor.u32 v24, v27  }
.Ltmp4:
0x154: {  	(pc) =	sbr.rel @p1 .LBB2_3-.Ltmp4, $3  }
0x155: {  	_ =	sdelay $0x1  }
0x156: {  	[tilespmem:v28+s21+$0x0] =	vst.idx.msk $0xffff, v26  }
0x157: {  	s24 =	sadd.s32 $0x4, s24;
	v27 =	vadd.s32 s23, v0;
	v26 =	vld.idx.msk [tilespmem:v29+s13+$0x0], $0xffff  }
0x158: {  	v27 =	vand.u32 $0x1F, v27;
	v25 =	vadd.s32 v15, v25  }
0x159: {  	v28 =	vor.u32 v16, v27;
	_ =	sdelay $0x1  }
0x15a: {  	v29 =	vor.u32 v17, v27  }
0x15b: {  	v29 =	vmul.u32 $0x88, v29  }
0x15c: {  	[tilespmem:v25+s21+$0x0] =	vst.idx.msk $0xffff, v26  }
0x15d: {  	v35 =	vadd.s32 v0, v29;
	v25 =	vld.idx.msk [tilespmem:v28+s13+$0x0], $0xffff  }
0x15e: {  	v36 =	vor.u32 v18, v27;
	_ =	sdelay $0x3  }
0x15f: {  	[tilespmem:v35+s21+$0x0] =	vst.idx.msk $0xffff, v25  }
0x160: {  	v37 =	vadd.s32 v9, v29;
	v25 =	vld.idx.msk [tilespmem:v36+s13+$0x0], $0xffff  }
0x161: {  	v38 =	vor.u32 v19, v27;
	_ =	sdelay $0x3  }
0x162: {  	[tilespmem:v37+s21+$0x0] =	vst.idx.msk $0xffff, v25  }
0x163: {  	v39 =	vadd.s32 v10, v29;
	v25 =	vld.idx.msk [tilespmem:v38+s13+$0x0], $0xffff  }
0x164: {  	v40 =	vor.u32 v20, v27;
	_ =	sdelay $0x3  }
0x165: {  	[tilespmem:v39+s21+$0x0] =	vst.idx.msk $0xffff, v25  }
0x166: {  	v41 =	vadd.s32 v11, v29;
	v25 =	vld.idx.msk [tilespmem:v40+s13+$0x0], $0xffff  }
0x167: {  	v42 =	vor.u32 v21, v27;
	_ =	sdelay $0x3  }
0x168: {  	[tilespmem:v41+s21+$0x0] =	vst.idx.msk $0xffff, v25  }
0x169: {  	v43 =	vadd.s32 v12, v29;
	v25 =	vld.idx.msk [tilespmem:v42+s13+$0x0], $0xffff  }
0x16a: {  	v44 =	vor.u32 v22, v27;
	_ =	sdelay $0x3  }
0x16b: {  	[tilespmem:v43+s21+$0x0] =	vst.idx.msk $0xffff, v25  }
0x16c: {  	v45 =	vadd.s32 v13, v29;
	v25 =	vld.idx.msk [tilespmem:v44+s13+$0x0], $0xffff  }
0x16d: {  	v46 =	vor.u32 v23, v27;
	_ =	sdelay $0x3  }
0x16e: {  	[tilespmem:v45+s21+$0x0] =	vst.idx.msk $0xffff, v25  }
0x16f: {  	v47 =	vadd.s32 v14, v29;
	v25 =	vld.idx.msk [tilespmem:v46+s13+$0x0], $0xffff  }
0x170: {  	v27 =	vor.u32 v24, v27;
	_ =	sdelay $0x2  }
0x171: {  	s24 =	sadd.s32 $0x1, s23  }
0x172: {  	v48 =	vadd.s32 s24, v0;
	[tilespmem:v47+s21+$0x0] =	vst.idx.msk $0xffff, v25  }
0x173: {  	v49 =	vadd.s32 v15, v29;
	v25 =	vand.u32 $0x1F, v48;
	v26 =	vld.idx.msk [tilespmem:v27+s13+$0x0], $0xffff  }
0x174: {  	v50 =	vor.u32 v16, v25;
	_ =	sdelay $0x1  }
0x175: {  	v51 =	vor.u32 v17, v25  }
0x176: {  	v29 =	vmul.u32 $0x88, v51  }
0x177: {  	[tilespmem:v49+s21+$0x0] =	vst.idx.msk $0xffff, v26  }
0x178: {  	v52 =	vadd.s32 v0, v29;
	v26 =	vld.idx.msk [tilespmem:v50+s13+$0x0], $0xffff  }
0x179: {  	v53 =	vor.u32 v18, v25;
	_ =	sdelay $0x3  }
0x17a: {  	[tilespmem:v52+s21+$0x0] =	vst.idx.msk $0xffff, v26  }
0x17b: {  	v54 =	vadd.s32 v9, v29;
	v26 =	vld.idx.msk [tilespmem:v53+s13+$0x0], $0xffff  }
0x17c: {  	v55 =	vor.u32 v19, v25;
	_ =	sdelay $0x3  }
0x17d: {  	[tilespmem:v54+s21+$0x0] =	vst.idx.msk $0xffff, v26  }
0x17e: {  	v56 =	vadd.s32 v10, v29;
	v26 =	vld.idx.msk [tilespmem:v55+s13+$0x0], $0xffff  }
0x17f: {  	v57 =	vor.u32 v20, v25;
	_ =	sdelay $0x3  }
0x180: {  	[tilespmem:v56+s21+$0x0] =	vst.idx.msk $0xffff, v26  }
0x181: {  	v58 =	vadd.s32 v11, v29;
	v26 =	vld.idx.msk [tilespmem:v57+s13+$0x0], $0xffff  }
0x182: {  	v59 =	vor.u32 v21, v25;
	_ =	sdelay $0x3  }
0x183: {  	[tilespmem:v58+s21+$0x0] =	vst.idx.msk $0xffff, v26  }
0x184: {  	v60 =	vadd.s32 v12, v29;
	v26 =	vld.idx.msk [tilespmem:v59+s13+$0x0], $0xffff  }
0x185: {  	v61 =	vor.u32 v22, v25;
	_ =	sdelay $0x3  }
0x186: {  	[tilespmem:v60+s21+$0x0] =	vst.idx.msk $0xffff, v26  }
0x187: {  	v62 =	vadd.s32 v13, v29;
	v26 =	vld.idx.msk [tilespmem:v61+s13+$0x0], $0xffff  }
0x188: {  	v63 =	vor.u32 v23, v25;
	_ =	sdelay $0x3  }
0x189: {  	[tilespmem:v62+s21+$0x0] =	vst.idx.msk $0xffff, v26  }
0x18a: {  	v30 =	vadd.s32 v14, v29;
	v26 =	vld.idx.msk [tilespmem:v63+s13+$0x0], $0xffff  }
0x18b: {  	v25 =	vor.u32 v24, v25;
	_ =	sdelay $0x2  }
0x18c: {  	s25 =	sadd.s32 $0x2, s23  }
0x18d: {  	v31 =	vadd.s32 s25, v0;
	[tilespmem:v30+s21+$0x0] =	vst.idx.msk $0xffff, v26  }
0x18e: {  	v32 =	vadd.s32 v15, v29;
	v26 =	vand.u32 $0x1F, v31;
	v25 =	vld.idx.msk [tilespmem:v25+s13+$0x0], $0xffff  }
0x18f: {  	v33 =	vor.u32 v16, v26;
	_ =	sdelay $0x1  }
0x190: {  	v34 =	vor.u32 v17, v26  }
0x191: {  	v29 =	vmul.u32 $0x88, v34  }
0x192: {  	[tilespmem:v32+s21+$0x0] =	vst.idx.msk $0xffff, v25  }
0x193: {  	v35 =	vadd.s32 v0, v29;
	v25 =	vld.idx.msk [tilespmem:v33+s13+$0x0], $0xffff  }
0x194: {  	v36 =	vor.u32 v18, v26;
	_ =	sdelay $0x3  }
0x195: {  	[tilespmem:v35+s21+$0x0] =	vst.idx.msk $0xffff, v25  }
0x196: {  	v37 =	vadd.s32 v9, v29;
	v25 =	vld.idx.msk [tilespmem:v36+s13+$0x0], $0xffff  }
0x197: {  	v38 =	vor.u32 v19, v26;
	_ =	sdelay $0x3  }
0x198: {  	[tilespmem:v37+s21+$0x0] =	vst.idx.msk $0xffff, v25  }
0x199: {  	v39 =	vadd.s32 v10, v29;
	v25 =	vld.idx.msk [tilespmem:v38+s13+$0x0], $0xffff  }
0x19a: {  	v40 =	vor.u32 v20, v26;
	_ =	sdelay $0x3  }
0x19b: {  	[tilespmem:v39+s21+$0x0] =	vst.idx.msk $0xffff, v25  }
0x19c: {  	v41 =	vadd.s32 v11, v29;
	v25 =	vld.idx.msk [tilespmem:v40+s13+$0x0], $0xffff  }
0x19d: {  	v42 =	vor.u32 v21, v26;
	_ =	sdelay $0x3  }
0x19e: {  	[tilespmem:v41+s21+$0x0] =	vst.idx.msk $0xffff, v25  }
0x19f: {  	v43 =	vadd.s32 v12, v29;
	v25 =	vld.idx.msk [tilespmem:v42+s13+$0x0], $0xffff  }
0x1a0: {  	v44 =	vor.u32 v22, v26;
	_ =	sdelay $0x3  }
0x1a1: {  	[tilespmem:v43+s21+$0x0] =	vst.idx.msk $0xffff, v25  }
0x1a2: {  	v45 =	vadd.s32 v13, v29;
	v25 =	vld.idx.msk [tilespmem:v44+s13+$0x0], $0xffff  }
0x1a3: {  	v46 =	vor.u32 v23, v26;
	_ =	sdelay $0x3  }
0x1a4: {  	[tilespmem:v45+s21+$0x0] =	vst.idx.msk $0xffff, v25  }
0x1a5: {  	v47 =	vadd.s32 v14, v29;
	v25 =	vld.idx.msk [tilespmem:v46+s13+$0x0], $0xffff  }
0x1a6: {  	v26 =	vor.u32 v24, v26;
	_ =	sdelay $0x2  }
0x1a7: {  	s25 =	sadd.s32 $0x3, s23  }
0x1a8: {  	v48 =	vadd.s32 s25, v0;
	[tilespmem:v47+s21+$0x0] =	vst.idx.msk $0xffff, v25  }
0x1a9: {  	v49 =	vadd.s32 v15, v29;
	v25 =	vand.u32 $0x1F, v48;
	v26 =	vld.idx.msk [tilespmem:v26+s13+$0x0], $0xffff  }
0x1aa: {  	v16 =	vor.u32 v16, v25;
	_ =	sdelay $0x1  }
0x1ab: {  	v17 =	vor.u32 v17, v25  }
0x1ac: {  	v17 =	vmul.u32 $0x88, v17  }
0x1ad: {  	[tilespmem:v49+s21+$0x0] =	vst.idx.msk $0xffff, v26  }
0x1ae: {  	v50 =	vadd.s32 v0, v17;
	v16 =	vld.idx.msk [tilespmem:v16+s13+$0x0], $0xffff  }
0x1af: {  	v51 =	vor.u32 v18, v25;
	_ =	sdelay $0x3  }
0x1b0: {  	[tilespmem:v50+s21+$0x0] =	vst.idx.msk $0xffff, v16  }
0x1b1: {  	v52 =	vadd.s32 v9, v17;
	v16 =	vld.idx.msk [tilespmem:v51+s13+$0x0], $0xffff  }
0x1b2: {  	v53 =	vor.u32 v19, v25;
	_ =	sdelay $0x3  }
0x1b3: {  	[tilespmem:v52+s21+$0x0] =	vst.idx.msk $0xffff, v16  }
0x1b4: {  	v54 =	vadd.s32 v10, v17;
	v16 =	vld.idx.msk [tilespmem:v53+s13+$0x0], $0xffff  }
0x1b5: {  	v55 =	vor.u32 v20, v25;
	_ =	sdelay $0x3  }
0x1b6: {  	[tilespmem:v54+s21+$0x0] =	vst.idx.msk $0xffff, v16  }
0x1b7: {  	v56 =	vadd.s32 v11, v17;
	v16 =	vld.idx.msk [tilespmem:v55+s13+$0x0], $0xffff  }
0x1b8: {  	v57 =	vor.u32 v21, v25;
	_ =	sdelay $0x3  }
0x1b9: {  	[tilespmem:v56+s21+$0x0] =	vst.idx.msk $0xffff, v16  }
0x1ba: {  	v58 =	vadd.s32 v12, v17;
	v16 =	vld.idx.msk [tilespmem:v57+s13+$0x0], $0xffff  }
0x1bb: {  	v59 =	vor.u32 v22, v25;
	_ =	sdelay $0x3  }
0x1bc: {  	[tilespmem:v58+s21+$0x0] =	vst.idx.msk $0xffff, v16  }
0x1bd: {  	v60 =	vadd.s32 v13, v17;
	v16 =	vld.idx.msk [tilespmem:v59+s13+$0x0], $0xffff  }
0x1be: {  	v61 =	vor.u32 v23, v25;
	_ =	sdelay $0x3  }
0x1bf: {  	[tilespmem:v60+s21+$0x0] =	vst.idx.msk $0xffff, v16  }
0x1c0: {  	v62 =	vadd.s32 v14, v17;
	v16 =	vld.idx.msk [tilespmem:v61+s13+$0x0], $0xffff  }
0x1c1: {  	v63 =	vor.u32 v24, v25;
	_ =	sdelay $0x3  }
0x1c2: {  	[tilespmem:v62+s21+$0x0] =	vst.idx.msk $0xffff, v16  }
0x1c3: {  	p1 =	sne.s32 s11, $0x0;
	v17 =	vadd.s32 v15, v17;
	v16 =	vld.idx.msk [tilespmem:v63+s13+$0x0], $0xffff  }
.Ltmp5:
0x1c4: {  	_ = 	snop;
	(pc) =	sbr.rel @p1 .LBB2_6-.Ltmp5, $3  }
0x1c5: {  	_ =	sdelay $0x1  }
0x1c6: {  	s24 =	sshll.u32 s12, $0xE;
	s25 =	sshll.u32 s22, $0x7  }
0x1c7: {  	s11 =	sor.u32 s25, s24;
	[tilespmem:v17+s21+$0x0] =	vst.idx.msk $0xffff, v16  }
0x1c8: {  	s12 =	sadd.s32 s2, s11  }
0x1c9: {  	[hbm4b:s12+s3] =	stream.linear.scatter [tilespmem:s21], [sflag:$0x7], $0x80, $0x38;
	[tilespmem:$0xE600] =	vst v63  }
0x1ca: {  	s23 =	simm.s32 $0xC488;
	s22 =	sadd.s32 $0x10, s12  }
0x1cb: {  	[hbm4b:s22+s3] =	stream.linear.scatter [tilespmem:s23], [sflag:$0x7], $0x80, $0x38;
	[tilespmem:$0xE600] =	vst v63  }
0x1cc: {  	s25 =	simm.s32 $0xC510;
	s24 =	sadd.s32 $0x20, s12  }
0x1cd: {  	[hbm4b:s24+s3] =	stream.linear.scatter [tilespmem:s25], [sflag:$0x7], $0x80, $0x38;
	[tilespmem:$0xE600] =	vst v63  }
0x1ce: {  	s24 =	sadd.s32 $0x30, s12;
	s25 =	simm.s32 $0xC598  }
0x1cf: {  	[hbm4b:s24+s3] =	stream.linear.scatter [tilespmem:s25], [sflag:$0x7], $0x80, $0x38;
	[tilespmem:$0xE600] =	vst v63  }
0x1d0: {  	s24 =	sadd.s32 $0x40, s12;
	s25 =	simm.s32 $0xC620  }
0x1d1: {  	[hbm4b:s24+s3] =	stream.linear.scatter [tilespmem:s25], [sflag:$0x7], $0x80, $0x38;
	[tilespmem:$0xE600] =	vst v63  }
0x1d2: {  	s24 =	sadd.s32 $0x50, s12;
	s25 =	simm.s32 $0xC6A8  }
0x1d3: {  	[hbm4b:s24+s3] =	stream.linear.scatter [tilespmem:s25], [sflag:$0x7], $0x80, $0x38;
	[tilespmem:$0xE600] =	vst v63  }
0x1d4: {  	s23 =	sadd.s32 $0x60, s12;
	s24 =	simm.s32 $0xC730  }
0x1d5: {  	[hbm4b:s23+s3] =	stream.linear.scatter [tilespmem:s24], [sflag:$0x7], $0x80, $0x38;
	[tilespmem:$0xE600] =	vst v63  }
0x1d6: {  	s12 =	sadd.s32 $0x70, s12;
	s25 =	simm.s32 $0xC7B8  }
0x1d7: {  	[hbm4b:s12+s3] =	stream.linear.scatter [tilespmem:s25], [sflag:$0x7], $0x80, $0x38;
	[tilespmem:$0xE600] =	vst v63  }
0x1d8: {  	s23 =	simm.s32 $0xC840;
	s12 =	sadd.s32 s11, s7  }
0x1d9: {  	[hbm4b:s12+s3] =	stream.linear.scatter [tilespmem:s23], [sflag:$0x7], $0x80, $0x38;
	[tilespmem:$0xE600] =	vst v63  }
0x1da: {  	s25 =	simm.s32 $0xC8C8;
	s24 =	sadd.s32 $0x10, s12  }
0x1db: {  	[hbm4b:s24+s3] =	stream.linear.scatter [tilespmem:s25], [sflag:$0x7], $0x80, $0x38;
	[tilespmem:$0xE600] =	vst v63  }
0x1dc: {  	s24 =	sadd.s32 $0x20, s12;
	s25 =	simm.s32 $0xC950  }
0x1dd: {  	[hbm4b:s24+s3] =	stream.linear.scatter [tilespmem:s25], [sflag:$0x7], $0x80, $0x38;
	[tilespmem:$0xE600] =	vst v63  }
0x1de: {  	s24 =	sadd.s32 $0x30, s12;
	s25 =	simm.s32 $0xC9D8  }
0x1df: {  	[hbm4b:s24+s3] =	stream.linear.scatter [tilespmem:s25], [sflag:$0x7], $0x80, $0x38;
	[tilespmem:$0xE600] =	vst v63  }
0x1e0: {  	s24 =	sadd.s32 $0x40, s12;
	s25 =	simm.s32 $0xCA60  }
0x1e1: {  	[hbm4b:s24+s3] =	stream.linear.scatter [tilespmem:s25], [sflag:$0x7], $0x80, $0x38;
	[tilespmem:$0xE600] =	vst v63  }
0x1e2: {  	s24 =	sadd.s32 $0x50, s12;
	s25 =	simm.s32 $0xCAE8  }
0x1e3: {  	[hbm4b:s24+s3] =	stream.linear.scatter [tilespmem:s25], [sflag:$0x7], $0x80, $0x38;
	[tilespmem:$0xE600] =	vst v63  }
0x1e4: {  	s23 =	sadd.s32 $0x60, s12;
	s24 =	simm.s32 $0xCB70  }
0x1e5: {  	[hbm4b:s23+s3] =	stream.linear.scatter [tilespmem:s24], [sflag:$0x7], $0x80, $0x38;
	[tilespmem:$0xE600] =	vst v63  }
0x1e6: {  	s12 =	sadd.s32 $0x70, s12;
	s25 =	simm.s32 $0xCBF8  }
0x1e7: {  	[hbm4b:s12+s3] =	stream.linear.scatter [tilespmem:s25], [sflag:$0x7], $0x80, $0x38;
	[tilespmem:$0xE600] =	vst v63  }
0x1e8: {  	s23 =	simm.s32 $0xCC80;
	s12 =	sadd.s32 s11, s8  }
0x1e9: {  	[hbm4b:s12+s3] =	stream.linear.scatter [tilespmem:s23], [sflag:$0x7], $0x80, $0x38;
	[tilespmem:$0xE600] =	vst v63  }
0x1ea: {  	s25 =	simm.s32 $0xCD08;
	s24 =	sadd.s32 $0x10, s12  }
0x1eb: {  	[hbm4b:s24+s3] =	stream.linear.scatter [tilespmem:s25], [sflag:$0x7], $0x80, $0x38;
	[tilespmem:$0xE600] =	vst v63  }
0x1ec: {  	s24 =	sadd.s32 $0x20, s12;
	s25 =	simm.s32 $0xCD90  }
0x1ed: {  	[hbm4b:s24+s3] =	stream.linear.scatter [tilespmem:s25], [sflag:$0x7], $0x80, $0x38;
	[tilespmem:$0xE600] =	vst v63  }
0x1ee: {  	s24 =	sadd.s32 $0x30, s12;
	s25 =	simm.s32 $0xCE18  }
0x1ef: {  	[hbm4b:s24+s3] =	stream.linear.scatter [tilespmem:s25], [sflag:$0x7], $0x80, $0x38;
	[tilespmem:$0xE600] =	vst v63  }
0x1f0: {  	s24 =	sadd.s32 $0x40, s12;
	s25 =	simm.s32 $0xCEA0  }
0x1f1: {  	[hbm4b:s24+s3] =	stream.linear.scatter [tilespmem:s25], [sflag:$0x7], $0x80, $0x38;
	[tilespmem:$0xE600] =	vst v63  }
0x1f2: {  	s24 =	sadd.s32 $0x50, s12;
	s25 =	simm.s32 $0xCF28  }
0x1f3: {  	[hbm4b:s24+s3] =	stream.linear.scatter [tilespmem:s25], [sflag:$0x7], $0x80, $0x38;
	[tilespmem:$0xE600] =	vst v63  }
0x1f4: {  	s23 =	sadd.s32 $0x60, s12;
	s24 =	simm.s32 $0xCFB0  }
0x1f5: {  	[hbm4b:s23+s3] =	stream.linear.scatter [tilespmem:s24], [sflag:$0x7], $0x80, $0x38;
	[tilespmem:$0xE600] =	vst v63  }
0x1f6: {  	s12 =	sadd.s32 $0x70, s12;
	s25 =	simm.s32 $0xD038  }
0x1f7: {  	[hbm4b:s12+s3] =	stream.linear.scatter [tilespmem:s25], [sflag:$0x7], $0x80, $0x38;
	[tilespmem:$0xE600] =	vst v63  }
0x1f8: {  	s23 =	simm.s32 $0xD0C0;
	s12 =	sadd.s32 s11, s9  }
0x1f9: {  	[hbm4b:s12+s3] =	stream.linear.scatter [tilespmem:s23], [sflag:$0x7], $0x80, $0x38;
	[tilespmem:$0xE600] =	vst v63  }
0x1fa: {  	s25 =	simm.s32 $0xD148;
	s24 =	sadd.s32 $0x10, s12  }
0x1fb: {  	[hbm4b:s24+s3] =	stream.linear.scatter [tilespmem:s25], [sflag:$0x7], $0x80, $0x38;
	[tilespmem:$0xE600] =	vst v63  }
0x1fc: {  	s24 =	sadd.s32 $0x20, s12;
	s25 =	simm.s32 $0xD1D0  }
0x1fd: {  	[hbm4b:s24+s3] =	stream.linear.scatter [tilespmem:s25], [sflag:$0x7], $0x80, $0x38;
	[tilespmem:$0xE600] =	vst v63  }
0x1fe: {  	s24 =	sadd.s32 $0x30, s12;
	s25 =	simm.s32 $0xD258  }
0x1ff: {  	[hbm4b:s24+s3] =	stream.linear.scatter [tilespmem:s25], [sflag:$0x7], $0x80, $0x38;
	[tilespmem:$0xE600] =	vst v63  }
0x200: {  	s24 =	sadd.s32 $0x40, s12;
	s25 =	simm.s32 $0xD2E0  }
0x201: {  	[hbm4b:s24+s3] =	stream.linear.scatter [tilespmem:s25], [sflag:$0x7], $0x80, $0x38;
	[tilespmem:$0xE600] =	vst v63  }
0x202: {  	s24 =	sadd.s32 $0x50, s12;
	s25 =	simm.s32 $0xD368  }
0x203: {  	[hbm4b:s24+s3] =	stream.linear.scatter [tilespmem:s25], [sflag:$0x7], $0x80, $0x38;
	[tilespmem:$0xE600] =	vst v63  }
0x204: {  	s23 =	sadd.s32 $0x60, s12;
	s24 =	simm.s32 $0xD3F0  }
0x205: {  	[hbm4b:s23+s3] =	stream.linear.scatter [tilespmem:s24], [sflag:$0x7], $0x80, $0x38;
	[tilespmem:$0xE600] =	vst v63  }
0x206: {  	s12 =	sadd.s32 $0x70, s12;
	s25 =	simm.s32 $0xD478  }
0x207: {  	[hbm4b:s12+s3] =	stream.linear.scatter [tilespmem:s25], [sflag:$0x7], $0x80, $0x38;
	[tilespmem:$0xE600] =	vst v63  }
.LBB2_6:
.Ltmp6:
0x208: {  	(pc) =	sbr.rel @!p0 .LBB2_8-.Ltmp6, $1  }
0x209: {  	_ =	sdelay $0x3  }
0x20a: {  	s12 =	sadd.s32 s2, s11;
	s22 =	simm.s32 $0xD500  }
0x20b: {  	[hbm4b:s12+s3] =	stream.linear.scatter [tilespmem:s22], [sflag:$0x8], $0x80, $0x38;
	[tilespmem:$0xE600] =	vst v63  }
0x20c: {  	s23 =	simm.s32 $0xD588;
	s25 =	sadd.s32 $0x10, s12  }
0x20d: {  	[hbm4b:s25+s3] =	stream.linear.scatter [tilespmem:s23], [sflag:$0x8], $0x80, $0x38;
	[tilespmem:$0xE600] =	vst v63  }
0x20e: {  	s24 =	sadd.s32 $0x20, s12;
	s25 =	simm.s32 $0xD610  }
0x20f: {  	[hbm4b:s24+s3] =	stream.linear.scatter [tilespmem:s25], [sflag:$0x8], $0x80, $0x38;
	[tilespmem:$0xE600] =	vst v63  }
0x210: {  	s24 =	sadd.s32 $0x30, s12;
	s25 =	simm.s32 $0xD698  }
0x211: {  	[hbm4b:s24+s3] =	stream.linear.scatter [tilespmem:s25], [sflag:$0x8], $0x80, $0x38;
	[tilespmem:$0xE600] =	vst v63  }
0x212: {  	s24 =	sadd.s32 $0x40, s12;
	s25 =	simm.s32 $0xD720  }
0x213: {  	[hbm4b:s24+s3] =	stream.linear.scatter [tilespmem:s25], [sflag:$0x8], $0x80, $0x38;
	[tilespmem:$0xE600] =	vst v63  }
0x214: {  	s24 =	sadd.s32 $0x50, s12;
	s25 =	simm.s32 $0xD7A8  }
0x215: {  	[hbm4b:s24+s3] =	stream.linear.scatter [tilespmem:s25], [sflag:$0x8], $0x80, $0x38;
	[tilespmem:$0xE600] =	vst v63  }
0x216: {  	s23 =	sadd.s32 $0x60, s12;
	s24 =	simm.s32 $0xD830  }
0x217: {  	[hbm4b:s23+s3] =	stream.linear.scatter [tilespmem:s24], [sflag:$0x8], $0x80, $0x38;
	[tilespmem:$0xE600] =	vst v63  }
0x218: {  	s12 =	sadd.s32 $0x70, s12;
	s25 =	simm.s32 $0xD8B8  }
0x219: {  	[hbm4b:s12+s3] =	stream.linear.scatter [tilespmem:s25], [sflag:$0x8], $0x80, $0x38;
	[tilespmem:$0xE600] =	vst v63  }
0x21a: {  	s23 =	simm.s32 $0xD940;
	s12 =	sadd.s32 s11, s7  }
0x21b: {  	[hbm4b:s12+s3] =	stream.linear.scatter [tilespmem:s23], [sflag:$0x8], $0x80, $0x38;
	[tilespmem:$0xE600] =	vst v63  }
0x21c: {  	s25 =	simm.s32 $0xD9C8;
	s24 =	sadd.s32 $0x10, s12  }
0x21d: {  	[hbm4b:s24+s3] =	stream.linear.scatter [tilespmem:s25], [sflag:$0x8], $0x80, $0x38;
	[tilespmem:$0xE600] =	vst v63  }
0x21e: {  	s24 =	sadd.s32 $0x20, s12;
	s25 =	simm.s32 $0xDA50  }
0x21f: {  	[hbm4b:s24+s3] =	stream.linear.scatter [tilespmem:s25], [sflag:$0x8], $0x80, $0x38;
	[tilespmem:$0xE600] =	vst v63  }
0x220: {  	s24 =	sadd.s32 $0x30, s12;
	s25 =	simm.s32 $0xDAD8  }
0x221: {  	[hbm4b:s24+s3] =	stream.linear.scatter [tilespmem:s25], [sflag:$0x8], $0x80, $0x38;
	[tilespmem:$0xE600] =	vst v63  }
0x222: {  	s24 =	sadd.s32 $0x40, s12;
	s25 =	simm.s32 $0xDB60  }
0x223: {  	[hbm4b:s24+s3] =	stream.linear.scatter [tilespmem:s25], [sflag:$0x8], $0x80, $0x38;
	[tilespmem:$0xE600] =	vst v63  }
0x224: {  	s24 =	sadd.s32 $0x50, s12;
	s25 =	simm.s32 $0xDBE8  }
0x225: {  	[hbm4b:s24+s3] =	stream.linear.scatter [tilespmem:s25], [sflag:$0x8], $0x80, $0x38;
	[tilespmem:$0xE600] =	vst v63  }
0x226: {  	s23 =	sadd.s32 $0x60, s12;
	s24 =	simm.s32 $0xDC70  }
0x227: {  	[hbm4b:s23+s3] =	stream.linear.scatter [tilespmem:s24], [sflag:$0x8], $0x80, $0x38;
	[tilespmem:$0xE600] =	vst v63  }
0x228: {  	s12 =	sadd.s32 $0x70, s12;
	s25 =	simm.s32 $0xDCF8  }
0x229: {  	[hbm4b:s12+s3] =	stream.linear.scatter [tilespmem:s25], [sflag:$0x8], $0x80, $0x38;
	[tilespmem:$0xE600] =	vst v63  }
0x22a: {  	s23 =	simm.s32 $0xDD80;
	s12 =	sadd.s32 s11, s8  }
0x22b: {  	[hbm4b:s12+s3] =	stream.linear.scatter [tilespmem:s23], [sflag:$0x8], $0x80, $0x38;
	[tilespmem:$0xE600] =	vst v63  }
0x22c: {  	s24 =	sadd.s32 $0x10, s12  }
0x22d: {  	[hbm4b:s24+s3] =	stream.linear.scatter [tilespmem:s26], [sflag:$0x8], $0x80, $0x38;
	[tilespmem:$0xE600] =	vst v63  }
0x22e: {  	s25 =	sadd.s32 $0x20, s12  }
0x22f: {  	[hbm4b:s25+s3] =	stream.linear.scatter [tilespmem:s28], [sflag:$0x8], $0x80, $0x38;
	[tilespmem:$0xE600] =	vst v63  }
0x230: {  	s23 =	sadd.s32 $0x30, s12  }
0x231: {  	[hbm4b:s23+s3] =	stream.linear.scatter [tilespmem:s29], [sflag:$0x8], $0x80, $0x38;
	[tilespmem:$0xE600] =	vst v63  }
0x232: {  	s24 =	sadd.s32 $0x40, s12  }
0x233: {  	[hbm4b:s24+s3] =	stream.linear.scatter [tilespmem:s30], [sflag:$0x8], $0x80, $0x38;
	[tilespmem:$0xE600] =	vst v63  }
0x234: {  	s25 =	sadd.s32 $0x50, s12  }
0x235: {  	[hbm4b:s25+s3] =	stream.linear.scatter [tilespmem:s31], [sflag:$0x8], $0x80, $0x38;
	[tilespmem:$0xE600] =	vst v63  }
0x236: {  	s23 =	sadd.s32 $0x60, s12  }
0x237: {  	[hbm4b:s23+s3] =	stream.linear.scatter [tilespmem:s1], [sflag:$0x8], $0x80, $0x38;
	[tilespmem:$0xE600] =	vst v63  }
0x238: {  	s12 =	sadd.s32 $0x70, s12  }
0x239: {  	[hbm4b:s12+s3] =	stream.linear.scatter [tilespmem:s0], [sflag:$0x8], $0x80, $0x38;
	[tilespmem:$0xE600] =	vst v63  }
0x23a: {  	s11 =	sadd.s32 s11, s9  }
0x23b: {  	[hbm4b:s11+s3] =	stream.linear.scatter [tilespmem:s14], [sflag:$0x8], $0x80, $0x38;
	[tilespmem:$0xE600] =	vst v63  }
0x23c: {  	s24 =	sadd.s32 $0x10, s11  }
0x23d: {  	[hbm4b:s24+s3] =	stream.linear.scatter [tilespmem:s15], [sflag:$0x8], $0x80, $0x38;
	[tilespmem:$0xE600] =	vst v63  }
0x23e: {  	s25 =	sadd.s32 $0x20, s11  }
0x23f: {  	[hbm4b:s25+s3] =	stream.linear.scatter [tilespmem:s16], [sflag:$0x8], $0x80, $0x38;
	[tilespmem:$0xE600] =	vst v63  }
0x240: {  	s22 =	sadd.s32 $0x30, s11  }
0x241: {  	[hbm4b:s22+s3] =	stream.linear.scatter [tilespmem:s17], [sflag:$0x8], $0x80, $0x38;
	[tilespmem:$0xE600] =	vst v63  }
0x242: {  	s23 =	sadd.s32 $0x40, s11  }
0x243: {  	[hbm4b:s23+s3] =	stream.linear.scatter [tilespmem:s18], [sflag:$0x8], $0x80, $0x38;
	[tilespmem:$0xE600] =	vst v63  }
0x244: {  	s24 =	sadd.s32 $0x50, s11  }
0x245: {  	[hbm4b:s24+s3] =	stream.linear.scatter [tilespmem:s19], [sflag:$0x8], $0x80, $0x38;
	[tilespmem:$0xE600] =	vst v63  }
.Ltmp7:
0x246: {  	_ = 	snop;
	(pc) =	sbr.rel .LBB2_8-.Ltmp7, $4  }
0x247: {  	s25 =	sadd.s32 $0x60, s11  }
0x248: {  	[hbm4b:s25+s3] =	stream.linear.scatter [tilespmem:s20], [sflag:$0x8], $0x80, $0x38;
	[tilespmem:$0xE600] =	vst v63  }
0x249: {  	s11 =	sadd.s32 $0x70, s11  }
0x24a: {  	[hbm4b:s11+s3] =	stream.linear.scatter [tilespmem:s6], [sflag:$0x8], $0x80, $0x38;
	[tilespmem:$0xE600] =	vst v63  }
.LBB2_10:
0x24b: {  	_ =	sfence.sel $0x180000  }
0x24c: {  	[bflag:$0x0] =	sbarrier.arrive $0xFFFF  }
0x24d: {  	_ =	strace $0x9000004A  }
0x24e: {  	s0 =	stileid.u32;
	[bflag:$0x2] =	sbarrier.arrive $0xFFFF  }
0x24f: {  	p0 =	sne.s32 s0, $0x0;
	s0 =	rddreg [dreg:$0x2]  }
0x250: {  	s0 =	sadd.s32 @!p0 $0x100000, s0  }
0x251: {  	[sflag:s0] =	ssyncadd.tile.s32 @!p0 $0x1;
	_ =	shalt  }
.Lfunc_end2:
_tile_overlayer_lowered:
.L_overlay_start_2:
0x252: {  	(tag) =	ssettag $0x2  }
0x253: {  	s0 =	rddreg [dreg:$0x0];
	s2 =	stileid.u32  }
0x254: {  	s1 =	rddreg [dreg:$0x1];
	p0 =	sne.s32 s2, $0x0  }
0x255: {  	s3 =	rddreg [dreg:$0x2];
	[bflag:$0x3] =	sbarrier.arrive $0xFFFF;
	s2 =	simm.s32 @!p0 $0x1C09  }
0x256: {  	[timem:s3], [sflag:s2] =	dma.local @!p0 [hbm:s0], s1  }
0x257: {  	s0 =	simm.s32 @!p0 $0x9  }
0x258: {  	_ =	swait.ge @!p0 [sflag:s0], s1  }
0x259: {  	s1 =	ssub.s32 @!p0 $0x0, s1;
	[sflag:s0] =	ssyncset.done @!p0 $0x0  }
0x25a: {  	[sflag:s0] =	ssyncadd.s32 @!p0 s1  }
0x25b: {  	[bflag:$0x3] =	sbarrier.arrive $0xFFFF  }
0x25c: {  	_ =	shalt  }

</sc_bundles>
